<compile_context>
chip_gen: v7x
topology: tpu7x:2x2x1
jax: 0.10.2.dev20260603
libtpu: 0.0.44.dev20260713+nightly
codegen_flags: <defaults>
</compile_context>

<pallas_src>
import functools

import jax
import jax.numpy as jnp
from jax import lax
from jax.experimental import pallas as pl
from jax.experimental.pallas import tpu as pltpu
from jax.experimental.pallas import tpu_sc as plsc

N = 10000
NP = 10240
E = 320000
CH = 64
NC, NS = 2, 16
NT = NC * NS
EP = 323584
EPT = EP // NT
CPT = EPT // CH
HEPT = EP // NS
HCPT = HEPT // CH
RPT = NP // NS
TRASH = 10200

_MESH = dict(core_axis_name="c", subcore_axis_name="s")


def _sc_pass(F):

    @functools.partial(
        pl.kernel,
        out_type=jax.ShapeDtypeStruct((NC * NP, F), jnp.float32),
        mesh=plsc.VectorSubcoreMesh(**_MESH),
        scratch_types=[
            pltpu.VMEM_SHARED((NP, F), jnp.float32),
            pltpu.VMEM((CH,), jnp.int32),
            pltpu.VMEM((CH,), jnp.int32),
            pltpu.VMEM((CH, F), jnp.float32),
            pltpu.SemaphoreType.DMA,
        ],
    )
    def k(src, gidx, sidx, zrows, out, acc, gi, si, rows, sem):
        c = lax.axis_index("c")
        s = lax.axis_index("s")
        w = c * NS + s
        pltpu.sync_copy(zrows, rows)
        for kk in range(RPT // CH):
            pltpu.sync_copy(rows, acc.at[pl.ds(s * RPT + kk * CH, CH)])
        plsc.subcore_barrier()

        @pl.loop(0, CPT)
        def _(ci):
            off = w * EPT + ci * CH
            pltpu.sync_copy(gidx.at[pl.ds(off, CH)], gi)
            pltpu.sync_copy(sidx.at[pl.ds(off, CH)], si)
            pltpu.async_copy(src.at[gi], rows, sem).wait()
            pltpu.sync_copy(rows, acc.at[si], add=True)

        plsc.subcore_barrier()
        pltpu.sync_copy(acc.at[pl.ds(s * RPT, RPT)],
                        out.at[pl.ds(c * NP + s * RPT, RPT)])

    return k


@functools.partial(
    pl.kernel,
    out_type=jax.ShapeDtypeStruct((NC * NP, 128), jnp.float32),
    mesh=plsc.VectorSubcoreMesh(**_MESH),
    scratch_types=[
        pltpu.VMEM_SHARED((NP, 128), jnp.float32),
        pltpu.VMEM((CH,), jnp.int32),
        pltpu.VMEM((CH, 128), jnp.float32),
        pltpu.VMEM((CH, 128), jnp.float32),
    ],
)
def _sc_hist(nhid, zrows, out, acc, ii, ones_v, z_v):
    c = lax.axis_index("c")
    s = lax.axis_index("s")
    pltpu.sync_copy(zrows, z_v)
    pltpu.sync_copy(zrows, ones_v)
    e0 = jnp.where(lax.iota(jnp.int32, 16) == 0, 1.0, 0.0)

    @pl.loop(0, CH)
    def _(i):
        ones_v[i, pl.ds(0, 16)] = e0

    for kk in range(RPT // CH):
        pltpu.sync_copy(z_v, acc.at[pl.ds(s * RPT + kk * CH, CH)])
    plsc.subcore_barrier()

    @pl.loop(0, HCPT)
    def _(ci):
        off = c * EP + s * HEPT + ci * CH
        pltpu.sync_copy(nhid.at[pl.ds(off, CH)], ii)
        pltpu.sync_copy(ones_v, acc.at[ii], add=True)

    plsc.subcore_barrier()
    pltpu.sync_copy(acc.at[pl.ds(s * RPT, RPT)],
                    out.at[pl.ds(c * NP + s * RPT, RPT)])


_BR = 1024


def _mm1(x, W1):
    def body(xr, wr, o):
        o[...] = jnp.dot(xr[...], wr[...], preferred_element_type=jnp.float32)

    return pl.pallas_call(
        body,
        grid=(NP // _BR,),
        in_specs=[
            pl.BlockSpec((_BR, 128), lambda i: (i, 0)),
            pl.BlockSpec((128, 128), lambda i: (0, 0)),
        ],
        out_specs=pl.BlockSpec((_BR, 128), lambda i: (i, 0)),
        out_shape=jax.ShapeDtypeStruct((NP, 128), jnp.float32),
    )(x, W1)


def _scale(p, hist, F, slab):
    nb = NP // _BR

    def body(p0, p1, hr, o):
        den = jnp.maximum(hr[...][:, 0:1], 1.0)
        o[...] = (p0[...] + p1[...]) / den

    return pl.pallas_call(
        body,
        grid=(nb,),
        in_specs=[
            pl.BlockSpec((_BR, F), lambda i: (i, 0)),
            pl.BlockSpec((_BR, F), lambda i: (i + nb, 0)),
            pl.BlockSpec((_BR, 128), lambda i, _s=slab * nb: (i + _s, 0)),
        ],
        out_specs=pl.BlockSpec((_BR, F), lambda i: (i, 0)),
        out_shape=jax.ShapeDtypeStruct((NP, F), jnp.float32),
    )(p, p, hist)


def _s2(q, hist, b1, W2p):
    nb = NP // _BR

    def body(q0, q1, hr, br, wr, o):
        den = jnp.maximum(hr[...][:, 0:1], 1.0)
        h = jnp.maximum((q0[...] + q1[...]) / den + br[...], 0.0)
        o[...] = jnp.dot(h, wr[...], preferred_element_type=jnp.float32)

    return pl.pallas_call(
        body,
        grid=(nb,),
        in_specs=[
            pl.BlockSpec((_BR, 128), lambda i: (i, 0)),
            pl.BlockSpec((_BR, 128), lambda i: (i + nb, 0)),
            pl.BlockSpec((_BR, 128), lambda i: (i, 0)),
            pl.BlockSpec((1, 128), lambda i: (0, 0)),
            pl.BlockSpec((128, 128), lambda i: (0, 0)),
        ],
        out_specs=pl.BlockSpec((_BR, 128), lambda i: (i, 0)),
        out_shape=jax.ShapeDtypeStruct((NP, 128), jnp.float32),
    )(q, q, hist, b1, W2p)


def _s4(r, hist, b2):
    nb = NP // _BR

    def body(r0, r1, hr, br, o):
        den = jnp.maximum(hr[...][:, 0:1], 1.0)
        o[...] = (r0[...] + r1[...])[:, :64] / den + br[...]

    return pl.pallas_call(
        body,
        grid=(nb,),
        in_specs=[
            pl.BlockSpec((_BR, 128), lambda i: (i, 0)),
            pl.BlockSpec((_BR, 128), lambda i: (i + nb, 0)),
            pl.BlockSpec((_BR, 128), lambda i: (i, 0)),
            pl.BlockSpec((1, 64), lambda i: (0, 0)),
        ],
        out_specs=pl.BlockSpec((_BR, 64), lambda i: (i, 0)),
        out_shape=jax.ShapeDtypeStruct((NP, 64), jnp.float32),
    )(r, r, hist, b2)


_pass128 = _sc_pass(128)


def kernel(x, edge_index, W1, b1, W2, b2):
    nid = edge_index[0]
    hid = edge_index[1]
    pad = jnp.full((EP - E,), TRASH, dtype=jnp.int32)
    nid_p = jnp.concatenate([nid, pad])
    hid_p = jnp.concatenate([hid, pad])
    x_pad = jnp.zeros((NP, 128), jnp.float32).at[:N].set(x)
    z128 = jnp.zeros((CH, 128), jnp.float32)
    W2p = jnp.zeros((128, 128), jnp.float32).at[:, :64].set(W2)

    hist = _sc_hist(jnp.concatenate([nid_p, hid_p]), z128)
    xt1 = _mm1(x_pad, W1)
    p = _pass128(xt1, nid_p, hid_p, z128)
    he = _scale(p, hist, 128, 1)
    q = _pass128(he, hid_p, nid_p, z128)
    xt2 = _s2(q, hist, b1.reshape(1, -1), W2p)
    u = _pass128(xt2, nid_p, hid_p, z128)
    he2 = _scale(u, hist, 128, 1)
    r = _pass128(he2, hid_p, nid_p, z128)
    out = _s4(r, hist, b2.reshape(1, -1))
    return out[:N]

# --- scband reference (transcript-rebuilt; emitter-appended) ---
"""Pipeline reference for scband-hgnn-17884243821250 (READ-ONLY COPY).

The authoritative reference and input builder live on the scoring server;
editing this copy changes nothing except your own understanding.
"""

import jax, jax.numpy as jnp
import numpy as np

N_NODES = 10000
N_HYPEREDGES = 10000
N_INC = 320000
IN_CH = 128
HID = 128
NUM_CLASSES = 64


def _glorot(key, shape):
    fan_in, fan_out = shape[0], shape[1]
    limit = float(np.sqrt(6.0 / (fan_in + fan_out)))
    return jax.random.uniform(key, shape, dtype=jnp.float32, minval=-limit, maxval=limit)


def setup_inputs(seed: int = 0) -> dict:
    key = jax.random.key(seed)
    k1, k2, k3, k4 = jax.random.split(key, 4)
    x = jax.random.normal(k1, (N_NODES, IN_CH), dtype=jnp.float32)
    edge_index = jax.random.randint(k2, (2, N_INC), 0, N_HYPEREDGES, dtype=jnp.int32)
    W1 = _glorot(k3, (IN_CH, HID))
    b1 = jnp.zeros((HID,), dtype=jnp.float32)
    W2 = _glorot(k4, (HID, NUM_CLASSES))
    b2 = jnp.zeros((NUM_CLASSES,), dtype=jnp.float32)
    return {"x": x, "edge_index": edge_index, "W1": W1, "b1": b1, "W2": W2, "b2": b2}


def _hconv(x, edge_index, W, b):
    # PyG HypergraphConv (heads=1, no attention, hyperedge_weight=ones):
    # out = D^{-1} H B^{-1} H^T (X @ W) + b
    node_idx = edge_index[0]
    he_idx = edge_index[1]
    xt = x @ W
    ones = jnp.ones((edge_index.shape[1],), dtype=x.dtype)
    D = jax.ops.segment_sum(ones, node_idx, num_segments=N_NODES)
    Dinv = jnp.where(D > 0, 1.0 / D, 0.0)
    B = jax.ops.segment_sum(ones, he_idx, num_segments=N_HYPEREDGES)
    Binv = jnp.where(B > 0, 1.0 / B, 0.0)
    # node -> hyperedge aggregation, scaled by B^{-1} at destination hyperedge
    he = jax.ops.segment_sum(Binv[he_idx][:, None] * xt[node_idx], he_idx, num_segments=N_HYPEREDGES)
    # hyperedge -> node aggregation, scaled by D^{-1} at destination node
    out = jax.ops.segment_sum(Dinv[node_idx][:, None] * he[he_idx], node_idx, num_segments=N_NODES)
    return out + b


def reference(x, edge_index, W1, b1, W2, b2):
    h = _hconv(x, edge_index, W1, b1)
    h = jax.nn.relu(h)
    # dropout is identity in eval mode (training=False)
    out = _hconv(h, edge_index, W2, b2)
    return out

if __name__ == "__main__":
    import jax
    _d = setup_inputs()
    print(jax.jit(kernel)(*tuple(_d.values())))

</pallas_src>

<mosaic_0001>
#map = affine_map<(d0, d1) -> (0, 0)>
#map1 = affine_map<(d0, d1) -> (0)>
module attributes {stable_mosaic.version = 14 : i64} {
  func.func @k(%arg0: i32, %arg1: i32, %arg2: memref<10240x128xf32, #tpu.memory_space<hbm>>, %arg3: memref<323584xi32, #tpu.memory_space<hbm>>, %arg4: memref<323584xi32, #tpu.memory_space<hbm>>, %arg5: memref<64x128xf32, #tpu.memory_space<hbm>>, %arg6: memref<20480x128xf32, #tpu.memory_space<hbm>>, %arg7: memref<10240x128xf32, #tpu.memory_space<vmem_shared>>, %arg8: memref<64xi32, #tpu.memory_space<vmem>>, %arg9: memref<64xi32, #tpu.memory_space<vmem>>, %arg10: memref<64x128xf32, #tpu.memory_space<vmem>>, %arg11: memref<!tpu.dma_semaphore, #tpu.memory_space<semaphore_mem>>) attributes {dimension_semantics = [#tpu.dimension_semantics<core_parallel>, #tpu.dimension_semantics<subcore_parallel>], iteration_bounds = array<i64: 2, 16>, scalar_prefetch = 0 : i64, scratch_operands = 5 : i64, tpu.core_type = #tpu.core_type<sc_vector_subcore>, window_params = [{transform_indices = #map}, {transform_indices = #map1}, {transform_indices = #map1}, {transform_indices = #map}, {transform_indices = #map}]} {
    %mul3A = arith.constant 16 : i32
    %mul3A_0 = arith.muli %arg0, %mul3A : i32
    %add3A = arith.addi %mul3A_0, %arg1 : i32
    "tpu.region"() ({
      %run_scoped3A = tpu.sem_alloc : memref<!tpu.dma_semaphore, #tpu.memory_space<semaphore_mem>>
      tpu.enqueue_dma source(%arg5 : memref<64x128xf32, #tpu.memory_space<hbm>>) target(%arg10 : memref<64x128xf32, #tpu.memory_space<vmem>>) target_semaphore(%run_scoped3A : memref<!tpu.dma_semaphore, #tpu.memory_space<semaphore_mem>>)
      tpu.wait_dma2 semaphore(%run_scoped3A : memref<!tpu.dma_semaphore, #tpu.memory_space<semaphore_mem>>) src(%arg5 : memref<64x128xf32, #tpu.memory_space<hbm>>) dst(%arg10 : memref<64x128xf32, #tpu.memory_space<vmem>>)
      tpu.yield
    }) : () -> ()
    %mul3A_1 = arith.constant 640 : i32
    %mul3A_2 = arith.muli %arg1, %mul3A_1 : i32
    %add3A_3 = arith.constant 0 : i32
    %add3A_4 = arith.addi %mul3A_2, %add3A_3 : i32
    "tpu.region"() ({
      %run_scoped3A = tpu.sem_alloc : memref<!tpu.dma_semaphore, #tpu.memory_space<semaphore_mem>>
      %dma_start3A = arith.constant 0 : i32
      %dma_start3A_53 = tpu.memref_slice %arg7[%add3A_4, %dma_start3A] : memref<10240x128xf32, #tpu.memory_space<vmem_shared>> -> memref<64x128xf32, #tpu.memory_space<vmem_shared>>
      %dma_start3A_54 = arith.constant 0 : i32
      %dma_start3A_55 = tpu.memref_slice %arg7[%add3A_4, %dma_start3A_54] : memref<10240x128xf32, #tpu.memory_space<vmem_shared>> -> memref<64x128xf32, #tpu.memory_space<vmem_shared>>
      tpu.enqueue_dma source(%arg10 : memref<64x128xf32, #tpu.memory_space<vmem>>) target(%dma_start3A_55 : memref<64x128xf32, #tpu.memory_space<vmem_shared>>) target_semaphore(%run_scoped3A : memref<!tpu.dma_semaphore, #tpu.memory_space<semaphore_mem>>)
      %dma_wait3A = arith.constant 0 : i32
      %dma_wait3A_56 = tpu.memref_slice %arg7[%add3A_4, %dma_wait3A] : memref<10240x128xf32, #tpu.memory_space<vmem_shared>> -> memref<64x128xf32, #tpu.memory_space<vmem_shared>>
      %dma_wait3A_57 = arith.constant 0 : i32
      %dma_wait3A_58 = tpu.memref_slice %arg7[%add3A_4, %dma_wait3A_57] : memref<10240x128xf32, #tpu.memory_space<vmem_shared>> -> memref<64x128xf32, #tpu.memory_space<vmem_shared>>
      tpu.wait_dma2 semaphore(%run_scoped3A : memref<!tpu.dma_semaphore, #tpu.memory_space<semaphore_mem>>) src(%arg10 : memref<64x128xf32, #tpu.memory_space<vmem>>) dst(%dma_wait3A_58 : memref<64x128xf32, #tpu.memory_space<vmem_shared>>)
      tpu.yield
    }) : () -> ()
    %mul3A_5 = arith.constant 640 : i32
    %mul3A_6 = arith.muli %arg1, %mul3A_5 : i32
    %add3A_7 = arith.constant 64 : i32
    %add3A_8 = arith.addi %mul3A_6, %add3A_7 : i32
    "tpu.region"() ({
      %run_scoped3A = tpu.sem_alloc : memref<!tpu.dma_semaphore, #tpu.memory_space<semaphore_mem>>
      %dma_start3A = arith.constant 0 : i32
      %dma_start3A_53 = tpu.memref_slice %arg7[%add3A_8, %dma_start3A] : memref<10240x128xf32, #tpu.memory_space<vmem_shared>> -> memref<64x128xf32, #tpu.memory_space<vmem_shared>>
      %dma_start3A_54 = arith.constant 0 : i32
      %dma_start3A_55 = tpu.memref_slice %arg7[%add3A_8, %dma_start3A_54] : memref<10240x128xf32, #tpu.memory_space<vmem_shared>> -> memref<64x128xf32, #tpu.memory_space<vmem_shared>>
      tpu.enqueue_dma source(%arg10 : memref<64x128xf32, #tpu.memory_space<vmem>>) target(%dma_start3A_55 : memref<64x128xf32, #tpu.memory_space<vmem_shared>>) target_semaphore(%run_scoped3A : memref<!tpu.dma_semaphore, #tpu.memory_space<semaphore_mem>>)
      %dma_wait3A = arith.constant 0 : i32
      %dma_wait3A_56 = tpu.memref_slice %arg7[%add3A_8, %dma_wait3A] : memref<10240x128xf32, #tpu.memory_space<vmem_shared>> -> memref<64x128xf32, #tpu.memory_space<vmem_shared>>
      %dma_wait3A_57 = arith.constant 0 : i32
      %dma_wait3A_58 = tpu.memref_slice %arg7[%add3A_8, %dma_wait3A_57] : memref<10240x128xf32, #tpu.memory_space<vmem_shared>> -> memref<64x128xf32, #tpu.memory_space<vmem_shared>>
      tpu.wait_dma2 semaphore(%run_scoped3A : memref<!tpu.dma_semaphore, #tpu.memory_space<semaphore_mem>>) src(%arg10 : memref<64x128xf32, #tpu.memory_space<vmem>>) dst(%dma_wait3A_58 : memref<64x128xf32, #tpu.memory_space<vmem_shared>>)
      tpu.yield
    }) : () -> ()
    %mul3A_9 = arith.constant 640 : i32
    %mul3A_10 = arith.muli %arg1, %mul3A_9 : i32
    %add3A_11 = arith.constant 128 : i32
    %add3A_12 = arith.addi %mul3A_10, %add3A_11 : i32
    "tpu.region"() ({
      %run_scoped3A = tpu.sem_alloc : memref<!tpu.dma_semaphore, #tpu.memory_space<semaphore_mem>>
      %dma_start3A = arith.constant 0 : i32
      %dma_start3A_53 = tpu.memref_slice %arg7[%add3A_12, %dma_start3A] : memref<10240x128xf32, #tpu.memory_space<vmem_shared>> -> memref<64x128xf32, #tpu.memory_space<vmem_shared>>
      %dma_start3A_54 = arith.constant 0 : i32
      %dma_start3A_55 = tpu.memref_slice %arg7[%add3A_12, %dma_start3A_54] : memref<10240x128xf32, #tpu.memory_space<vmem_shared>> -> memref<64x128xf32, #tpu.memory_space<vmem_shared>>
      tpu.enqueue_dma source(%arg10 : memref<64x128xf32, #tpu.memory_space<vmem>>) target(%dma_start3A_55 : memref<64x128xf32, #tpu.memory_space<vmem_shared>>) target_semaphore(%run_scoped3A : memref<!tpu.dma_semaphore, #tpu.memory_space<semaphore_mem>>)
      %dma_wait3A = arith.constant 0 : i32
      %dma_wait3A_56 = tpu.memref_slice %arg7[%add3A_12, %dma_wait3A] : memref<10240x128xf32, #tpu.memory_space<vmem_shared>> -> memref<64x128xf32, #tpu.memory_space<vmem_shared>>
      %dma_wait3A_57 = arith.constant 0 : i32
      %dma_wait3A_58 = tpu.memref_slice %arg7[%add3A_12, %dma_wait3A_57] : memref<10240x128xf32, #tpu.memory_space<vmem_shared>> -> memref<64x128xf32, #tpu.memory_space<vmem_shared>>
      tpu.wait_dma2 semaphore(%run_scoped3A : memref<!tpu.dma_semaphore, #tpu.memory_space<semaphore_mem>>) src(%arg10 : memref<64x128xf32, #tpu.memory_space<vmem>>) dst(%dma_wait3A_58 : memref<64x128xf32, #tpu.memory_space<vmem_shared>>)
      tpu.yield
    }) : () -> ()
    %mul3A_13 = arith.constant 640 : i32
    %mul3A_14 = arith.muli %arg1, %mul3A_13 : i32
    %add3A_15 = arith.constant 192 : i32
    %add3A_16 = arith.addi %mul3A_14, %add3A_15 : i32
    "tpu.region"() ({
      %run_scoped3A = tpu.sem_alloc : memref<!tpu.dma_semaphore, #tpu.memory_space<semaphore_mem>>
      %dma_start3A = arith.constant 0 : i32
      %dma_start3A_53 = tpu.memref_slice %arg7[%add3A_16, %dma_start3A] : memref<10240x128xf32, #tpu.memory_space<vmem_shared>> -> memref<64x128xf32, #tpu.memory_space<vmem_shared>>
      %dma_start3A_54 = arith.constant 0 : i32
      %dma_start3A_55 = tpu.memref_slice %arg7[%add3A_16, %dma_start3A_54] : memref<10240x128xf32, #tpu.memory_space<vmem_shared>> -> memref<64x128xf32, #tpu.memory_space<vmem_shared>>
      tpu.enqueue_dma source(%arg10 : memref<64x128xf32, #tpu.memory_space<vmem>>) target(%dma_start3A_55 : memref<64x128xf32, #tpu.memory_space<vmem_shared>>) target_semaphore(%run_scoped3A : memref<!tpu.dma_semaphore, #tpu.memory_space<semaphore_mem>>)
      %dma_wait3A = arith.constant 0 : i32
      %dma_wait3A_56 = tpu.memref_slice %arg7[%add3A_16, %dma_wait3A] : memref<10240x128xf32, #tpu.memory_space<vmem_shared>> -> memref<64x128xf32, #tpu.memory_space<vmem_shared>>
      %dma_wait3A_57 = arith.constant 0 : i32
      %dma_wait3A_58 = tpu.memref_slice %arg7[%add3A_16, %dma_wait3A_57] : memref<10240x128xf32, #tpu.memory_space<vmem_shared>> -> memref<64x128xf32, #tpu.memory_space<vmem_shared>>
      tpu.wait_dma2 semaphore(%run_scoped3A : memref<!tpu.dma_semaphore, #tpu.memory_space<semaphore_mem>>) src(%arg10 : memref<64x128xf32, #tpu.memory_space<vmem>>) dst(%dma_wait3A_58 : memref<64x128xf32, #tpu.memory_space<vmem_shared>>)
      tpu.yield
    }) : () -> ()
    %mul3A_17 = arith.constant 640 : i32
    %mul3A_18 = arith.muli %arg1, %mul3A_17 : i32
    %add3A_19 = arith.constant 256 : i32
    %add3A_20 = arith.addi %mul3A_18, %add3A_19 : i32
    "tpu.region"() ({
      %run_scoped3A = tpu.sem_alloc : memref<!tpu.dma_semaphore, #tpu.memory_space<semaphore_mem>>
      %dma_start3A = arith.constant 0 : i32
      %dma_start3A_53 = tpu.memref_slice %arg7[%add3A_20, %dma_start3A] : memref<10240x128xf32, #tpu.memory_space<vmem_shared>> -> memref<64x128xf32, #tpu.memory_space<vmem_shared>>
      %dma_start3A_54 = arith.constant 0 : i32
      %dma_start3A_55 = tpu.memref_slice %arg7[%add3A_20, %dma_start3A_54] : memref<10240x128xf32, #tpu.memory_space<vmem_shared>> -> memref<64x128xf32, #tpu.memory_space<vmem_shared>>
      tpu.enqueue_dma source(%arg10 : memref<64x128xf32, #tpu.memory_space<vmem>>) target(%dma_start3A_55 : memref<64x128xf32, #tpu.memory_space<vmem_shared>>) target_semaphore(%run_scoped3A : memref<!tpu.dma_semaphore, #tpu.memory_space<semaphore_mem>>)
      %dma_wait3A = arith.constant 0 : i32
      %dma_wait3A_56 = tpu.memref_slice %arg7[%add3A_20, %dma_wait3A] : memref<10240x128xf32, #tpu.memory_space<vmem_shared>> -> memref<64x128xf32, #tpu.memory_space<vmem_shared>>
      %dma_wait3A_57 = arith.constant 0 : i32
      %dma_wait3A_58 = tpu.memref_slice %arg7[%add3A_20, %dma_wait3A_57] : memref<10240x128xf32, #tpu.memory_space<vmem_shared>> -> memref<64x128xf32, #tpu.memory_space<vmem_shared>>
      tpu.wait_dma2 semaphore(%run_scoped3A : memref<!tpu.dma_semaphore, #tpu.memory_space<semaphore_mem>>) src(%arg10 : memref<64x128xf32, #tpu.memory_space<vmem>>) dst(%dma_wait3A_58 : memref<64x128xf32, #tpu.memory_space<vmem_shared>>)
      tpu.yield
    }) : () -> ()
    %mul3A_21 = arith.constant 640 : i32
    %mul3A_22 = arith.muli %arg1, %mul3A_21 : i32
    %add3A_23 = arith.constant 320 : i32
    %add3A_24 = arith.addi %mul3A_22, %add3A_23 : i32
    "tpu.region"() ({
      %run_scoped3A = tpu.sem_alloc : memref<!tpu.dma_semaphore, #tpu.memory_space<semaphore_mem>>
      %dma_start3A = arith.constant 0 : i32
      %dma_start3A_53 = tpu.memref_slice %arg7[%add3A_24, %dma_start3A] : memref<10240x128xf32, #tpu.memory_space<vmem_shared>> -> memref<64x128xf32, #tpu.memory_space<vmem_shared>>
      %dma_start3A_54 = arith.constant 0 : i32
      %dma_start3A_55 = tpu.memref_slice %arg7[%add3A_24, %dma_start3A_54] : memref<10240x128xf32, #tpu.memory_space<vmem_shared>> -> memref<64x128xf32, #tpu.memory_space<vmem_shared>>
      tpu.enqueue_dma source(%arg10 : memref<64x128xf32, #tpu.memory_space<vmem>>) target(%dma_start3A_55 : memref<64x128xf32, #tpu.memory_space<vmem_shared>>) target_semaphore(%run_scoped3A : memref<!tpu.dma_semaphore, #tpu.memory_space<semaphore_mem>>)
      %dma_wait3A = arith.constant 0 : i32
      %dma_wait3A_56 = tpu.memref_slice %arg7[%add3A_24, %dma_wait3A] : memref<10240x128xf32, #tpu.memory_space<vmem_shared>> -> memref<64x128xf32, #tpu.memory_space<vmem_shared>>
      %dma_wait3A_57 = arith.constant 0 : i32
      %dma_wait3A_58 = tpu.memref_slice %arg7[%add3A_24, %dma_wait3A_57] : memref<10240x128xf32, #tpu.memory_space<vmem_shared>> -> memref<64x128xf32, #tpu.memory_space<vmem_shared>>
      tpu.wait_dma2 semaphore(%run_scoped3A : memref<!tpu.dma_semaphore, #tpu.memory_space<semaphore_mem>>) src(%arg10 : memref<64x128xf32, #tpu.memory_space<vmem>>) dst(%dma_wait3A_58 : memref<64x128xf32, #tpu.memory_space<vmem_shared>>)
      tpu.yield
    }) : () -> ()
    %mul3A_25 = arith.constant 640 : i32
    %mul3A_26 = arith.muli %arg1, %mul3A_25 : i32
    %add3A_27 = arith.constant 384 : i32
    %add3A_28 = arith.addi %mul3A_26, %add3A_27 : i32
    "tpu.region"() ({
      %run_scoped3A = tpu.sem_alloc : memref<!tpu.dma_semaphore, #tpu.memory_space<semaphore_mem>>
      %dma_start3A = arith.constant 0 : i32
      %dma_start3A_53 = tpu.memref_slice %arg7[%add3A_28, %dma_start3A] : memref<10240x128xf32, #tpu.memory_space<vmem_shared>> -> memref<64x128xf32, #tpu.memory_space<vmem_shared>>
      %dma_start3A_54 = arith.constant 0 : i32
      %dma_start3A_55 = tpu.memref_slice %arg7[%add3A_28, %dma_start3A_54] : memref<10240x128xf32, #tpu.memory_space<vmem_shared>> -> memref<64x128xf32, #tpu.memory_space<vmem_shared>>
      tpu.enqueue_dma source(%arg10 : memref<64x128xf32, #tpu.memory_space<vmem>>) target(%dma_start3A_55 : memref<64x128xf32, #tpu.memory_space<vmem_shared>>) target_semaphore(%run_scoped3A : memref<!tpu.dma_semaphore, #tpu.memory_space<semaphore_mem>>)
      %dma_wait3A = arith.constant 0 : i32
      %dma_wait3A_56 = tpu.memref_slice %arg7[%add3A_28, %dma_wait3A] : memref<10240x128xf32, #tpu.memory_space<vmem_shared>> -> memref<64x128xf32, #tpu.memory_space<vmem_shared>>
      %dma_wait3A_57 = arith.constant 0 : i32
      %dma_wait3A_58 = tpu.memref_slice %arg7[%add3A_28, %dma_wait3A_57] : memref<10240x128xf32, #tpu.memory_space<vmem_shared>> -> memref<64x128xf32, #tpu.memory_space<vmem_shared>>
      tpu.wait_dma2 semaphore(%run_scoped3A : memref<!tpu.dma_semaphore, #tpu.memory_space<semaphore_mem>>) src(%arg10 : memref<64x128xf32, #tpu.memory_space<vmem>>) dst(%dma_wait3A_58 : memref<64x128xf32, #tpu.memory_space<vmem_shared>>)
      tpu.yield
    }) : () -> ()
    %mul3A_29 = arith.constant 640 : i32
    %mul3A_30 = arith.muli %arg1, %mul3A_29 : i32
    %add3A_31 = arith.constant 448 : i32
    %add3A_32 = arith.addi %mul3A_30, %add3A_31 : i32
    "tpu.region"() ({
      %run_scoped3A = tpu.sem_alloc : memref<!tpu.dma_semaphore, #tpu.memory_space<semaphore_mem>>
      %dma_start3A = arith.constant 0 : i32
      %dma_start3A_53 = tpu.memref_slice %arg7[%add3A_32, %dma_start3A] : memref<10240x128xf32, #tpu.memory_space<vmem_shared>> -> memref<64x128xf32, #tpu.memory_space<vmem_shared>>
      %dma_start3A_54 = arith.constant 0 : i32
      %dma_start3A_55 = tpu.memref_slice %arg7[%add3A_32, %dma_start3A_54] : memref<10240x128xf32, #tpu.memory_space<vmem_shared>> -> memref<64x128xf32, #tpu.memory_space<vmem_shared>>
      tpu.enqueue_dma source(%arg10 : memref<64x128xf32, #tpu.memory_space<vmem>>) target(%dma_start3A_55 : memref<64x128xf32, #tpu.memory_space<vmem_shared>>) target_semaphore(%run_scoped3A : memref<!tpu.dma_semaphore, #tpu.memory_space<semaphore_mem>>)
      %dma_wait3A = arith.constant 0 : i32
      %dma_wait3A_56 = tpu.memref_slice %arg7[%add3A_32, %dma_wait3A] : memref<10240x128xf32, #tpu.memory_space<vmem_shared>> -> memref<64x128xf32, #tpu.memory_space<vmem_shared>>
      %dma_wait3A_57 = arith.constant 0 : i32
      %dma_wait3A_58 = tpu.memref_slice %arg7[%add3A_32, %dma_wait3A_57] : memref<10240x128xf32, #tpu.memory_space<vmem_shared>> -> memref<64x128xf32, #tpu.memory_space<vmem_shared>>
      tpu.wait_dma2 semaphore(%run_scoped3A : memref<!tpu.dma_semaphore, #tpu.memory_space<semaphore_mem>>) src(%arg10 : memref<64x128xf32, #tpu.memory_space<vmem>>) dst(%dma_wait3A_58 : memref<64x128xf32, #tpu.memory_space<vmem_shared>>)
      tpu.yield
    }) : () -> ()
    %mul3A_33 = arith.constant 640 : i32
    %mul3A_34 = arith.muli %arg1, %mul3A_33 : i32
    %add3A_35 = arith.constant 512 : i32
    %add3A_36 = arith.addi %mul3A_34, %add3A_35 : i32
    "tpu.region"() ({
      %run_scoped3A = tpu.sem_alloc : memref<!tpu.dma_semaphore, #tpu.memory_space<semaphore_mem>>
      %dma_start3A = arith.constant 0 : i32
      %dma_start3A_53 = tpu.memref_slice %arg7[%add3A_36, %dma_start3A] : memref<10240x128xf32, #tpu.memory_space<vmem_shared>> -> memref<64x128xf32, #tpu.memory_space<vmem_shared>>
      %dma_start3A_54 = arith.constant 0 : i32
      %dma_start3A_55 = tpu.memref_slice %arg7[%add3A_36, %dma_start3A_54] : memref<10240x128xf32, #tpu.memory_space<vmem_shared>> -> memref<64x128xf32, #tpu.memory_space<vmem_shared>>
      tpu.enqueue_dma source(%arg10 : memref<64x128xf32, #tpu.memory_space<vmem>>) target(%dma_start3A_55 : memref<64x128xf32, #tpu.memory_space<vmem_shared>>) target_semaphore(%run_scoped3A : memref<!tpu.dma_semaphore, #tpu.memory_space<semaphore_mem>>)
      %dma_wait3A = arith.constant 0 : i32
      %dma_wait3A_56 = tpu.memref_slice %arg7[%add3A_36, %dma_wait3A] : memref<10240x128xf32, #tpu.memory_space<vmem_shared>> -> memref<64x128xf32, #tpu.memory_space<vmem_shared>>
      %dma_wait3A_57 = arith.constant 0 : i32
      %dma_wait3A_58 = tpu.memref_slice %arg7[%add3A_36, %dma_wait3A_57] : memref<10240x128xf32, #tpu.memory_space<vmem_shared>> -> memref<64x128xf32, #tpu.memory_space<vmem_shared>>
      tpu.wait_dma2 semaphore(%run_scoped3A : memref<!tpu.dma_semaphore, #tpu.memory_space<semaphore_mem>>) src(%arg10 : memref<64x128xf32, #tpu.memory_space<vmem>>) dst(%dma_wait3A_58 : memref<64x128xf32, #tpu.memory_space<vmem_shared>>)
      tpu.yield
    }) : () -> ()
    %mul3A_37 = arith.constant 640 : i32
    %mul3A_38 = arith.muli %arg1, %mul3A_37 : i32
    %add3A_39 = arith.constant 576 : i32
    %add3A_40 = arith.addi %mul3A_38, %add3A_39 : i32
    "tpu.region"() ({
      %run_scoped3A = tpu.sem_alloc : memref<!tpu.dma_semaphore, #tpu.memory_space<semaphore_mem>>
      %dma_start3A = arith.constant 0 : i32
      %dma_start3A_53 = tpu.memref_slice %arg7[%add3A_40, %dma_start3A] : memref<10240x128xf32, #tpu.memory_space<vmem_shared>> -> memref<64x128xf32, #tpu.memory_space<vmem_shared>>
      %dma_start3A_54 = arith.constant 0 : i32
      %dma_start3A_55 = tpu.memref_slice %arg7[%add3A_40, %dma_start3A_54] : memref<10240x128xf32, #tpu.memory_space<vmem_shared>> -> memref<64x128xf32, #tpu.memory_space<vmem_shared>>
      tpu.enqueue_dma source(%arg10 : memref<64x128xf32, #tpu.memory_space<vmem>>) target(%dma_start3A_55 : memref<64x128xf32, #tpu.memory_space<vmem_shared>>) target_semaphore(%run_scoped3A : memref<!tpu.dma_semaphore, #tpu.memory_space<semaphore_mem>>)
      %dma_wait3A = arith.constant 0 : i32
      %dma_wait3A_56 = tpu.memref_slice %arg7[%add3A_40, %dma_wait3A] : memref<10240x128xf32, #tpu.memory_space<vmem_shared>> -> memref<64x128xf32, #tpu.memory_space<vmem_shared>>
      %dma_wait3A_57 = arith.constant 0 : i32
      %dma_wait3A_58 = tpu.memref_slice %arg7[%add3A_40, %dma_wait3A_57] : memref<10240x128xf32, #tpu.memory_space<vmem_shared>> -> memref<64x128xf32, #tpu.memory_space<vmem_shared>>
      tpu.wait_dma2 semaphore(%run_scoped3A : memref<!tpu.dma_semaphore, #tpu.memory_space<semaphore_mem>>) src(%arg10 : memref<64x128xf32, #tpu.memory_space<vmem>>) dst(%dma_wait3A_58 : memref<64x128xf32, #tpu.memory_space<vmem_shared>>)
      tpu.yield
    }) : () -> ()
    %barrier3A = arith.constant 0 : index
    tpu.barrier barrier_id(%barrier3A)
    %scan3A = arith.constant 0 : i32
    %scan3A_41 = arith.constant 158 : i32
    %scan3A_42 = arith.addi %scan3A, %scan3A_41 : i32
    %scan3A_43 = arith.constant 1 : i32
    scf.for %scan3A_53 = %scan3A to %scan3A_42 step %scan3A_43  : i32 {
      %mul3A_54 = arith.constant 1 : i32
      %mul3A_55 = arith.muli %scan3A_53, %mul3A_54 : i32
      %add3A_56 = arith.constant 0 : i32
      %add3A_57 = arith.addi %add3A_56, %mul3A_55 : i32
      %mul3A_58 = arith.constant 10112 : i32
      %mul3A_59 = arith.muli %add3A, %mul3A_58 : i32
      %mul3A_60 = arith.constant 64 : i32
      %mul3A_61 = arith.muli %add3A_57, %mul3A_60 : i32
      %add3A_62 = arith.addi %mul3A_59, %mul3A_61 : i32
      "tpu.region"() ({
        %run_scoped3A = tpu.sem_alloc : memref<!tpu.dma_semaphore, #tpu.memory_space<semaphore_mem>>
        %dma_start3A_67 = tpu.memref_slice %arg3[%add3A_62] : memref<323584xi32, #tpu.memory_space<hbm>> -> memref<64xi32, #tpu.memory_space<hbm>>
        %dma_start3A_68 = tpu.memref_slice %arg3[%add3A_62] : memref<323584xi32, #tpu.memory_space<hbm>> -> memref<64xi32, #tpu.memory_space<hbm>>
        tpu.enqueue_dma source(%dma_start3A_68 : memref<64xi32, #tpu.memory_space<hbm>>) target(%arg8 : memref<64xi32, #tpu.memory_space<vmem>>) target_semaphore(%run_scoped3A : memref<!tpu.dma_semaphore, #tpu.memory_space<semaphore_mem>>)
        %dma_wait3A_69 = tpu.memref_slice %arg3[%add3A_62] : memref<323584xi32, #tpu.memory_space<hbm>> -> memref<64xi32, #tpu.memory_space<hbm>>
        %dma_wait3A_70 = tpu.memref_slice %arg3[%add3A_62] : memref<323584xi32, #tpu.memory_space<hbm>> -> memref<64xi32, #tpu.memory_space<hbm>>
        tpu.wait_dma2 semaphore(%run_scoped3A : memref<!tpu.dma_semaphore, #tpu.memory_space<semaphore_mem>>) src(%dma_wait3A_70 : memref<64xi32, #tpu.memory_space<hbm>>) dst(%arg8 : memref<64xi32, #tpu.memory_space<vmem>>)
        tpu.yield
      }) : () -> ()
      "tpu.region"() ({
        %run_scoped3A = tpu.sem_alloc : memref<!tpu.dma_semaphore, #tpu.memory_space<semaphore_mem>>
        %dma_start3A_67 = tpu.memref_slice %arg4[%add3A_62] : memref<323584xi32, #tpu.memory_space<hbm>> -> memref<64xi32, #tpu.memory_space<hbm>>
        %dma_start3A_68 = tpu.memref_slice %arg4[%add3A_62] : memref<323584xi32, #tpu.memory_space<hbm>> -> memref<64xi32, #tpu.memory_space<hbm>>
        tpu.enqueue_dma source(%dma_start3A_68 : memref<64xi32, #tpu.memory_space<hbm>>) target(%arg9 : memref<64xi32, #tpu.memory_space<vmem>>) target_semaphore(%run_scoped3A : memref<!tpu.dma_semaphore, #tpu.memory_space<semaphore_mem>>)
        %dma_wait3A_69 = tpu.memref_slice %arg4[%add3A_62] : memref<323584xi32, #tpu.memory_space<hbm>> -> memref<64xi32, #tpu.memory_space<hbm>>
        %dma_wait3A_70 = tpu.memref_slice %arg4[%add3A_62] : memref<323584xi32, #tpu.memory_space<hbm>> -> memref<64xi32, #tpu.memory_space<hbm>>
        tpu.wait_dma2 semaphore(%run_scoped3A : memref<!tpu.dma_semaphore, #tpu.memory_space<semaphore_mem>>) src(%dma_wait3A_70 : memref<64xi32, #tpu.memory_space<hbm>>) dst(%arg9 : memref<64xi32, #tpu.memory_space<vmem>>)
        tpu.yield
      }) : () -> ()
      %dma_start3A = arith.constant 0 : i32
      %dma_start3A_63 = arith.constant 0 : i32
      %dma_start3A_64 = tpu.memref_slice %arg2[%dma_start3A, %dma_start3A_63] : memref<10240x128xf32, #tpu.memory_space<hbm>> -> memref<10240x128xf32, #tpu.memory_space<hbm>>
      tpu.enqueue_indirect_dma source(%dma_start3A_64 : memref<10240x128xf32, #tpu.memory_space<hbm>>) target(%arg10 : memref<64x128xf32, #tpu.memory_space<vmem>>) offsets(%arg8 : memref<64xi32, #tpu.memory_space<vmem>>) semaphore(%arg11 : memref<!tpu.dma_semaphore, #tpu.memory_space<semaphore_mem>>)
      %dma_wait3A = arith.constant 0 : i32
      %dma_wait3A_65 = arith.constant 0 : i32
      %dma_wait3A_66 = tpu.memref_slice %arg2[%dma_wait3A, %dma_wait3A_65] : memref<10240x128xf32, #tpu.memory_space<hbm>> -> memref<10240x128xf32, #tpu.memory_space<hbm>>
      tpu.wait_indirect_dma semaphore(%arg11 : memref<!tpu.dma_semaphore, #tpu.memory_space<semaphore_mem>>) src(%dma_wait3A_66 : memref<10240x128xf32, #tpu.memory_space<hbm>>) dst(%arg10 : memref<64x128xf32, #tpu.memory_space<vmem>>)
      "tpu.region"() ({
        %run_scoped3A = tpu.sem_alloc : memref<!tpu.dma_semaphore, #tpu.memory_space<semaphore_mem>>
        %dma_start3A_67 = arith.constant 0 : i32
        %dma_start3A_68 = arith.constant 0 : i32
        %dma_start3A_69 = tpu.memref_slice %arg7[%dma_start3A_67, %dma_start3A_68] : memref<10240x128xf32, #tpu.memory_space<vmem_shared>> -> memref<10240x128xf32, #tpu.memory_space<vmem_shared>>
        tpu.enqueue_indirect_dma source(%arg10 : memref<64x128xf32, #tpu.memory_space<vmem>>) target(%dma_start3A_69 : memref<10240x128xf32, #tpu.memory_space<vmem_shared>>) offsets(%arg9 : memref<64xi32, #tpu.memory_space<vmem>>) semaphore(%run_scoped3A : memref<!tpu.dma_semaphore, #tpu.memory_space<semaphore_mem>>) {add = true}
        %dma_wait3A_70 = arith.constant 0 : i32
        %dma_wait3A_71 = arith.constant 0 : i32
        %dma_wait3A_72 = tpu.memref_slice %arg7[%dma_wait3A_70, %dma_wait3A_71] : memref<10240x128xf32, #tpu.memory_space<vmem_shared>> -> memref<10240x128xf32, #tpu.memory_space<vmem_shared>>
        tpu.wait_indirect_dma semaphore(%run_scoped3A : memref<!tpu.dma_semaphore, #tpu.memory_space<semaphore_mem>>) src(%arg10 : memref<64x128xf32, #tpu.memory_space<vmem>>) dst(%dma_wait3A_72 : memref<10240x128xf32, #tpu.memory_space<vmem_shared>>)
        tpu.yield
      }) : () -> ()
    }
    %scan3A_44 = arith.constant 158 : i32
    %barrier3A_45 = arith.constant 0 : index
    tpu.barrier barrier_id(%barrier3A_45)
    %mul3A_46 = arith.constant 640 : i32
    %mul3A_47 = arith.muli %arg1, %mul3A_46 : i32
    %mul3A_48 = arith.constant 10240 : i32
    %mul3A_49 = arith.muli %arg0, %mul3A_48 : i32
    %mul3A_50 = arith.constant 640 : i32
    %mul3A_51 = arith.muli %arg1, %mul3A_50 : i32
    %add3A_52 = arith.addi %mul3A_49, %mul3A_51 : i32
    "tpu.region"() ({
      %run_scoped3A = tpu.sem_alloc : memref<!tpu.dma_semaphore, #tpu.memory_space<semaphore_mem>>
      %dma_start3A = arith.constant 0 : i32
      %dma_start3A_53 = tpu.memref_slice %arg6[%add3A_52, %dma_start3A] : memref<20480x128xf32, #tpu.memory_space<hbm>> -> memref<640x128xf32, #tpu.memory_space<hbm>>
      %dma_start3A_54 = arith.constant 0 : i32
      %dma_start3A_55 = tpu.memref_slice %arg7[%mul3A_47, %dma_start3A_54] : memref<10240x128xf32, #tpu.memory_space<vmem_shared>> -> memref<640x128xf32, #tpu.memory_space<vmem_shared>>
      tpu.enqueue_dma source(%dma_start3A_55 : memref<640x128xf32, #tpu.memory_space<vmem_shared>>) target(%dma_start3A_53 : memref<640x128xf32, #tpu.memory_space<hbm>>) target_semaphore(%run_scoped3A : memref<!tpu.dma_semaphore, #tpu.memory_space<semaphore_mem>>)
      %dma_wait3A = arith.constant 0 : i32
      %dma_wait3A_56 = tpu.memref_slice %arg6[%add3A_52, %dma_wait3A] : memref<20480x128xf32, #tpu.memory_space<hbm>> -> memref<640x128xf32, #tpu.memory_space<hbm>>
      %dma_wait3A_57 = arith.constant 0 : i32
      %dma_wait3A_58 = tpu.memref_slice %arg7[%mul3A_47, %dma_wait3A_57] : memref<10240x128xf32, #tpu.memory_space<vmem_shared>> -> memref<640x128xf32, #tpu.memory_space<vmem_shared>>
      tpu.wait_dma2 semaphore(%run_scoped3A : memref<!tpu.dma_semaphore, #tpu.memory_space<semaphore_mem>>) src(%dma_wait3A_58 : memref<640x128xf32, #tpu.memory_space<vmem_shared>>) dst(%dma_wait3A_56 : memref<640x128xf32, #tpu.memory_space<hbm>>)
      tpu.yield
    }) : () -> ()
    return
  }
}

#map = affine_map<(d0, d1) -> (0, 0)>
#map1 = affine_map<(d0, d1) -> (0)>
module attributes {stable_mosaic.version = 14 : i64} {
  func.func @k(%arg0: i32, %arg1: i32, %arg2: memref<10240x128xf32, #tpu.memory_space<hbm>>, %arg3: memref<323584xi32, #tpu.memory_space<hbm>>, %arg4: memref<323584xi32, #tpu.memory_space<hbm>>, %arg5: memref<64x128xf32, #tpu.memory_space<hbm>>, %arg6: memref<20480x128xf32, #tpu.memory_space<hbm>>, %arg7: memref<10240x128xf32, #tpu.memory_space<vmem_shared>>, %arg8: memref<64xi32, #tpu.memory_space<vmem>>, %arg9: memref<64xi32, #tpu.memory_space<vmem>>, %arg10: memref<64x128xf32, #tpu.memory_space<vmem>>, %arg11: memref<!tpu.dma_semaphore, #tpu.memory_space<semaphore_mem>>) attributes {dimension_semantics = [#tpu.dimension_semantics<core_parallel>, #tpu.dimension_semantics<subcore_parallel>], iteration_bounds = array<i64: 2, 16>, scalar_prefetch = 0 : i64, scratch_operands = 5 : i64, tpu.core_type = #tpu.core_type<sc_vector_subcore>, window_params = [{transform_indices = #map}, {transform_indices = #map1}, {transform_indices = #map1}, {transform_indices = #map}, {transform_indices = #map}]} {
    %mul3A = arith.constant 16 : i32
    %mul3A_0 = arith.muli %arg0, %mul3A : i32
    %add3A = arith.addi %mul3A_0, %arg1 : i32
    "tpu.region"() ({
      %run_scoped3A = tpu.sem_alloc : memref<!tpu.dma_semaphore, #tpu.memory_space<semaphore_mem>>
      tpu.enqueue_dma source(%arg5 : memref<64x128xf32, #tpu.memory_space<hbm>>) target(%arg10 : memref<64x128xf32, #tpu.memory_space<vmem>>) target_semaphore(%run_scoped3A : memref<!tpu.dma_semaphore, #tpu.memory_space<semaphore_mem>>)
      tpu.wait_dma2 semaphore(%run_scoped3A : memref<!tpu.dma_semaphore, #tpu.memory_space<semaphore_mem>>) src(%arg5 : memref<64x128xf32, #tpu.memory_space<hbm>>) dst(%arg10 : memref<64x128xf32, #tpu.memory_space<vmem>>)
      tpu.yield
    }) : () -> ()
    %mul3A_1 = arith.constant 640 : i32
    %mul3A_2 = arith.muli %arg1, %mul3A_1 : i32
    %add3A_3 = arith.constant 0 : i32
    %add3A_4 = arith.addi %mul3A_2, %add3A_3 : i32
    "tpu.region"() ({
      %run_scoped3A = tpu.sem_alloc : memref<!tpu.dma_semaphore, #tpu.memory_space<semaphore_mem>>
      %dma_start3A = arith.constant 0 : i32
      %dma_start3A_53 = tpu.memref_slice %arg7[%add3A_4, %dma_start3A] : memref<10240x128xf32, #tpu.memory_space<vmem_shared>> -> memref<64x128xf32, #tpu.memory_space<vmem_shared>>
      %dma_start3A_54 = arith.constant 0 : i32
      %dma_start3A_55 = tpu.memref_slice %arg7[%add3A_4, %dma_start3A_54] : memref<10240x128xf32, #tpu.memory_space<vmem_shared>> -> memref<64x128xf32, #tpu.memory_space<vmem_shared>>
      tpu.enqueue_dma source(%arg10 : memref<64x128xf32, #tpu.memory_space<vmem>>) target(%dma_start3A_55 : memref<64x128xf32, #tpu.memory_space<vmem_shared>>) target_semaphore(%run_scoped3A : memref<!tpu.dma_semaphore, #tpu.memory_space<semaphore_mem>>)
      %dma_wait3A = arith.constant 0 : i32
      %dma_wait3A_56 = tpu.memref_slice %arg7[%add3A_4, %dma_wait3A] : memref<10240x128xf32, #tpu.memory_space<vmem_shared>> -> memref<64x128xf32, #tpu.memory_space<vmem_shared>>
      %dma_wait3A_57 = arith.constant 0 : i32
      %dma_wait3A_58 = tpu.memref_slice %arg7[%add3A_4, %dma_wait3A_57] : memref<10240x128xf32, #tpu.memory_space<vmem_shared>> -> memref<64x128xf32, #tpu.memory_space<vmem_shared>>
      tpu.wait_dma2 semaphore(%run_scoped3A : memref<!tpu.dma_semaphore, #tpu.memory_space<semaphore_mem>>) src(%arg10 : memref<64x128xf32, #tpu.memory_space<vmem>>) dst(%dma_wait3A_58 : memref<64x128xf32, #tpu.memory_space<vmem_shared>>)
      tpu.yield
    }) : () -> ()
    %mul3A_5 = arith.constant 640 : i32
    %mul3A_6 = arith.muli %arg1, %mul3A_5 : i32
    %add3A_7 = arith.constant 64 : i32
    %add3A_8 = arith.addi %mul3A_6, %add3A_7 : i32
    "tpu.region"() ({
      %run_scoped3A = tpu.sem_alloc : memref<!tpu.dma_semaphore, #tpu.memory_space<semaphore_mem>>
      %dma_start3A = arith.constant 0 : i32
      %dma_start3A_53 = tpu.memref_slice %arg7[%add3A_8, %dma_start3A] : memref<10240x128xf32, #tpu.memory_space<vmem_shared>> -> memref<64x128xf32, #tpu.memory_space<vmem_shared>>
      %dma_start3A_54 = arith.constant 0 : i32
      %dma_start3A_55 = tpu.memref_slice %arg7[%add3A_8, %dma_start3A_54] : memref<10240x128xf32, #tpu.memory_space<vmem_shared>> -> memref<64x128xf32, #tpu.memory_space<vmem_shared>>
      tpu.enqueue_dma source(%arg10 : memref<64x128xf32, #tpu.memory_space<vmem>>) target(%dma_start3A_55 : memref<64x128xf32, #tpu.memory_space<vmem_shared>>) target_semaphore(%run_scoped3A : memref<!tpu.dma_semaphore, #tpu.memory_space<semaphore_mem>>)
      %dma_wait3A = arith.constant 0 : i32
      %dma_wait3A_56 = tpu.memref_slice %arg7[%add3A_8, %dma_wait3A] : memref<10240x128xf32, #tpu.memory_space<vmem_shared>> -> memref<64x128xf32, #tpu.memory_space<vmem_shared>>
      %dma_wait3A_57 = arith.constant 0 : i32
      %dma_wait3A_58 = tpu.memref_slice %arg7[%add3A_8, %dma_wait3A_57] : memref<10240x128xf32, #tpu.memory_space<vmem_shared>> -> memref<64x128xf32, #tpu.memory_space<vmem_shared>>
      tpu.wait_dma2 semaphore(%run_scoped3A : memref<!tpu.dma_semaphore, #tpu.memory_space<semaphore_mem>>) src(%arg10 : memref<64x128xf32, #tpu.memory_space<vmem>>) dst(%dma_wait3A_58 : memref<64x128xf32, #tpu.memory_space<vmem_shared>>)
      tpu.yield
    }) : () -> ()
    %mul3A_9 = arith.constant 640 : i32
    %mul3A_10 = arith.muli %arg1, %mul3A_9 : i32
    %add3A_11 = arith.constant 128 : i32
    %add3A_12 = arith.addi %mul3A_10, %add3A_11 : i32
    "tpu.region"() ({
      %run_scoped3A = tpu.sem_alloc : memref<!tpu.dma_semaphore, #tpu.memory_space<semaphore_mem>>
      %dma_start3A = arith.constant 0 : i32
      %dma_start3A_53 = tpu.memref_slice %arg7[%add3A_12, %dma_start3A] : memref<10240x128xf32, #tpu.memory_space<vmem_shared>> -> memref<64x128xf32, #tpu.memory_space<vmem_shared>>
      %dma_start3A_54 = arith.constant 0 : i32
      %dma_start3A_55 = tpu.memref_slice %arg7[%add3A_12, %dma_start3A_54] : memref<10240x128xf32, #tpu.memory_space<vmem_shared>> -> memref<64x128xf32, #tpu.memory_space<vmem_shared>>
      tpu.enqueue_dma source(%arg10 : memref<64x128xf32, #tpu.memory_space<vmem>>) target(%dma_start3A_55 : memref<64x128xf32, #tpu.memory_space<vmem_shared>>) target_semaphore(%run_scoped3A : memref<!tpu.dma_semaphore, #tpu.memory_space<semaphore_mem>>)
      %dma_wait3A = arith.constant 0 : i32
      %dma_wait3A_56 = tpu.memref_slice %arg7[%add3A_12, %dma_wait3A] : memref<10240x128xf32, #tpu.memory_space<vmem_shared>> -> memref<64x128xf32, #tpu.memory_space<vmem_shared>>
      %dma_wait3A_57 = arith.constant 0 : i32
      %dma_wait3A_58 = tpu.memref_slice %arg7[%add3A_12, %dma_wait3A_57] : memref<10240x128xf32, #tpu.memory_space<vmem_shared>> -> memref<64x128xf32, #tpu.memory_space<vmem_shared>>
      tpu.wait_dma2 semaphore(%run_scoped3A : memref<!tpu.dma_semaphore, #tpu.memory_space<semaphore_mem>>) src(%arg10 : memref<64x128xf32, #tpu.memory_space<vmem>>) dst(%dma_wait3A_58 : memref<64x128xf32, #tpu.memory_space<vmem_shared>>)
      tpu.yield
    }) : () -> ()
    %mul3A_13 = arith.constant 640 : i32
    %mul3A_14 = arith.muli %arg1, %mul3A_13 : i32
    %add3A_15 = arith.constant 192 : i32
    %add3A_16 = arith.addi %mul3A_14, %add3A_15 : i32
    "tpu.region"() ({
      %run_scoped3A = tpu.sem_alloc : memref<!tpu.dma_semaphore, #tpu.memory_space<semaphore_mem>>
      %dma_start3A = arith.constant 0 : i32
      %dma_start3A_53 = tpu.memref_slice %arg7[%add3A_16, %dma_start3A] : memref<10240x128xf32, #tpu.memory_space<vmem_shared>> -> memref<64x128xf32, #tpu.memory_space<vmem_shared>>
      %dma_start3A_54 = arith.constant 0 : i32
      %dma_start3A_55 = tpu.memref_slice %arg7[%add3A_16, %dma_start3A_54] : memref<10240x128xf32, #tpu.memory_space<vmem_shared>> -> memref<64x128xf32, #tpu.memory_space<vmem_shared>>
      tpu.enqueue_dma source(%arg10 : memref<64x128xf32, #tpu.memory_space<vmem>>) target(%dma_start3A_55 : memref<64x128xf32, #tpu.memory_space<vmem_shared>>) target_semaphore(%run_scoped3A : memref<!tpu.dma_semaphore, #tpu.memory_space<semaphore_mem>>)
      %dma_wait3A = arith.constant 0 : i32
      %dma_wait3A_56 = tpu.memref_slice %arg7[%add3A_16, %dma_wait3A] : memref<10240x128xf32, #tpu.memory_space<vmem_shared>> -> memref<64x128xf32, #tpu.memory_space<vmem_shared>>
      %dma_wait3A_57 = arith.constant 0 : i32
      %dma_wait3A_58 = tpu.memref_slice %arg7[%add3A_16, %dma_wait3A_57] : memref<10240x128xf32, #tpu.memory_space<vmem_shared>> -> memref<64x128xf32, #tpu.memory_space<vmem_shared>>
      tpu.wait_dma2 semaphore(%run_scoped3A : memref<!tpu.dma_semaphore, #tpu.memory_space<semaphore_mem>>) src(%arg10 : memref<64x128xf32, #tpu.memory_space<vmem>>) dst(%dma_wait3A_58 : memref<64x128xf32, #tpu.memory_space<vmem_shared>>)
      tpu.yield
    }) : () -> ()
    %mul3A_17 = arith.constant 640 : i32
    %mul3A_18 = arith.muli %arg1, %mul3A_17 : i32
    %add3A_19 = arith.constant 256 : i32
    %add3A_20 = arith.addi %mul3A_18, %add3A_19 : i32
    "tpu.region"() ({
      %run_scoped3A = tpu.sem_alloc : memref<!tpu.dma_semaphore, #tpu.memory_space<semaphore_mem>>
      %dma_start3A = arith.constant 0 : i32
      %dma_start3A_53 = tpu.memref_slice %arg7[%add3A_20, %dma_start3A] : memref<10240x128xf32, #tpu.memory_space<vmem_shared>> -> memref<64x128xf32, #tpu.memory_space<vmem_shared>>
      %dma_start3A_54 = arith.constant 0 : i32
      %dma_start3A_55 = tpu.memref_slice %arg7[%add3A_20, %dma_start3A_54] : memref<10240x128xf32, #tpu.memory_space<vmem_shared>> -> memref<64x128xf32, #tpu.memory_space<vmem_shared>>
      tpu.enqueue_dma source(%arg10 : memref<64x128xf32, #tpu.memory_space<vmem>>) target(%dma_start3A_55 : memref<64x128xf32, #tpu.memory_space<vmem_shared>>) target_semaphore(%run_scoped3A : memref<!tpu.dma_semaphore, #tpu.memory_space<semaphore_mem>>)
      %dma_wait3A = arith.constant 0 : i32
      %dma_wait3A_56 = tpu.memref_slice %arg7[%add3A_20, %dma_wait3A] : memref<10240x128xf32, #tpu.memory_space<vmem_shared>> -> memref<64x128xf32, #tpu.memory_space<vmem_shared>>
      %dma_wait3A_57 = arith.constant 0 : i32
      %dma_wait3A_58 = tpu.memref_slice %arg7[%add3A_20, %dma_wait3A_57] : memref<10240x128xf32, #tpu.memory_space<vmem_shared>> -> memref<64x128xf32, #tpu.memory_space<vmem_shared>>
      tpu.wait_dma2 semaphore(%run_scoped3A : memref<!tpu.dma_semaphore, #tpu.memory_space<semaphore_mem>>) src(%arg10 : memref<64x128xf32, #tpu.memory_space<vmem>>) dst(%dma_wait3A_58 : memref<64x128xf32, #tpu.memory_space<vmem_shared>>)
      tpu.yield
    }) : () -> ()
    %mul3A_21 = arith.constant 640 : i32
    %mul3A_22 = arith.muli %arg1, %mul3A_21 : i32
    %add3A_23 = arith.constant 320 : i32
    %add3A_24 = arith.addi %mul3A_22, %add3A_23 : i32
    "tpu.region"() ({
      %run_scoped3A = tpu.sem_alloc : memref<!tpu.dma_semaphore, #tpu.memory_space<semaphore_mem>>
      %dma_start3A = arith.constant 0 : i32
      %dma_start3A_53 = tpu.memref_slice %arg7[%add3A_24, %dma_start3A] : memref<10240x128xf32, #tpu.memory_space<vmem_shared>> -> memref<64x128xf32, #tpu.memory_space<vmem_shared>>
      %dma_start3A_54 = arith.constant 0 : i32
      %dma_start3A_55 = tpu.memref_slice %arg7[%add3A_24, %dma_start3A_54] : memref<10240x128xf32, #tpu.memory_space<vmem_shared>> -> memref<64x128xf32, #tpu.memory_space<vmem_shared>>
      tpu.enqueue_dma source(%arg10 : memref<64x128xf32, #tpu.memory_space<vmem>>) target(%dma_start3A_55 : memref<64x128xf32, #tpu.memory_space<vmem_shared>>) target_semaphore(%run_scoped3A : memref<!tpu.dma_semaphore, #tpu.memory_space<semaphore_mem>>)
      %dma_wait3A = arith.constant 0 : i32
      %dma_wait3A_56 = tpu.memref_slice %arg7[%add3A_24, %dma_wait3A] : memref<10240x128xf32, #tpu.memory_space<vmem_shared>> -> memref<64x128xf32, #tpu.memory_space<vmem_shared>>
      %dma_wait3A_57 = arith.constant 0 : i32
      %dma_wait3A_58 = tpu.memref_slice %arg7[%add3A_24, %dma_wait3A_57] : memref<10240x128xf32, #tpu.memory_space<vmem_shared>> -> memref<64x128xf32, #tpu.memory_space<vmem_shared>>
      tpu.wait_dma2 semaphore(%run_scoped3A : memref<!tpu.dma_semaphore, #tpu.memory_space<semaphore_mem>>) src(%arg10 : memref<64x128xf32, #tpu.memory_space<vmem>>) dst(%dma_wait3A_58 : memref<64x128xf32, #tpu.memory_space<vmem_shared>>)
      tpu.yield
    }) : () -> ()
    %mul3A_25 = arith.constant 640 : i32
    %mul3A_26 = arith.muli %arg1, %mul3A_25 : i32
    %add3A_27 = arith.constant 384 : i32
    %add3A_28 = arith.addi %mul3A_26, %add3A_27 : i32
    "tpu.region"() ({
      %run_scoped3A = tpu.sem_alloc : memref<!tpu.dma_semaphore, #tpu.memory_space<semaphore_mem>>
      %dma_start3A = arith.constant 0 : i32
      %dma_start3A_53 = tpu.memref_slice %arg7[%add3A_28, %dma_start3A] : memref<10240x128xf32, #tpu.memory_space<vmem_shared>> -> memref<64x128xf32, #tpu.memory_space<vmem_shared>>
      %dma_start3A_54 = arith.constant 0 : i32
      %dma_start3A_55 = tpu.memref_slice %arg7[%add3A_28, %dma_start3A_54] : memref<10240x128xf32, #tpu.memory_space<vmem_shared>> -> memref<64x128xf32, #tpu.memory_space<vmem_shared>>
      tpu.enqueue_dma source(%arg10 : memref<64x128xf32, #tpu.memory_space<vmem>>) target(%dma_start3A_55 : memref<64x128xf32, #tpu.memory_space<vmem_shared>>) target_semaphore(%run_scoped3A : memref<!tpu.dma_semaphore, #tpu.memory_space<semaphore_mem>>)
      %dma_wait3A = arith.constant 0 : i32
      %dma_wait3A_56 = tpu.memref_slice %arg7[%add3A_28, %dma_wait3A] : memref<10240x128xf32, #tpu.memory_space<vmem_shared>> -> memref<64x128xf32, #tpu.memory_space<vmem_shared>>
      %dma_wait3A_57 = arith.constant 0 : i32
      %dma_wait3A_58 = tpu.memref_slice %arg7[%add3A_28, %dma_wait3A_57] : memref<10240x128xf32, #tpu.memory_space<vmem_shared>> -> memref<64x128xf32, #tpu.memory_space<vmem_shared>>
      tpu.wait_dma2 semaphore(%run_scoped3A : memref<!tpu.dma_semaphore, #tpu.memory_space<semaphore_mem>>) src(%arg10 : memref<64x128xf32, #tpu.memory_space<vmem>>) dst(%dma_wait3A_58 : memref<64x128xf32, #tpu.memory_space<vmem_shared>>)
      tpu.yield
    }) : () -> ()
    %mul3A_29 = arith.constant 640 : i32
    %mul3A_30 = arith.muli %arg1, %mul3A_29 : i32
    %add3A_31 = arith.constant 448 : i32
    %add3A_32 = arith.addi %mul3A_30, %add3A_31 : i32
    "tpu.region"() ({
      %run_scoped3A = tpu.sem_alloc : memref<!tpu.dma_semaphore, #tpu.memory_space<semaphore_mem>>
      %dma_start3A = arith.constant 0 : i32
      %dma_start3A_53 = tpu.memref_slice %arg7[%add3A_32, %dma_start3A] : memref<10240x128xf32, #tpu.memory_space<vmem_shared>> -> memref<64x128xf32, #tpu.memory_space<vmem_shared>>
      %dma_start3A_54 = arith.constant 0 : i32
      %dma_start3A_55 = tpu.memref_slice %arg7[%add3A_32, %dma_start3A_54] : memref<10240x128xf32, #tpu.memory_space<vmem_shared>> -> memref<64x128xf32, #tpu.memory_space<vmem_shared>>
      tpu.enqueue_dma source(%arg10 : memref<64x128xf32, #tpu.memory_space<vmem>>) target(%dma_start3A_55 : memref<64x128xf32, #tpu.memory_space<vmem_shared>>) target_semaphore(%run_scoped3A : memref<!tpu.dma_semaphore, #tpu.memory_space<semaphore_mem>>)
      %dma_wait3A = arith.constant 0 : i32
      %dma_wait3A_56 = tpu.memref_slice %arg7[%add3A_32, %dma_wait3A] : memref<10240x128xf32, #tpu.memory_space<vmem_shared>> -> memref<64x128xf32, #tpu.memory_space<vmem_shared>>
      %dma_wait3A_57 = arith.constant 0 : i32
      %dma_wait3A_58 = tpu.memref_slice %arg7[%add3A_32, %dma_wait3A_57] : memref<10240x128xf32, #tpu.memory_space<vmem_shared>> -> memref<64x128xf32, #tpu.memory_space<vmem_shared>>
      tpu.wait_dma2 semaphore(%run_scoped3A : memref<!tpu.dma_semaphore, #tpu.memory_space<semaphore_mem>>) src(%arg10 : memref<64x128xf32, #tpu.memory_space<vmem>>) dst(%dma_wait3A_58 : memref<64x128xf32, #tpu.memory_space<vmem_shared>>)
      tpu.yield
    }) : () -> ()
    %mul3A_33 = arith.constant 640 : i32
    %mul3A_34 = arith.muli %arg1, %mul3A_33 : i32
    %add3A_35 = arith.constant 512 : i32
    %add3A_36 = arith.addi %mul3A_34, %add3A_35 : i32
    "tpu.region"() ({
      %run_scoped3A = tpu.sem_alloc : memref<!tpu.dma_semaphore, #tpu.memory_space<semaphore_mem>>
      %dma_start3A = arith.constant 0 : i32
      %dma_start3A_53 = tpu.memref_slice %arg7[%add3A_36, %dma_start3A] : memref<10240x128xf32, #tpu.memory_space<vmem_shared>> -> memref<64x128xf32, #tpu.memory_space<vmem_shared>>
      %dma_start3A_54 = arith.constant 0 : i32
      %dma_start3A_55 = tpu.memref_slice %arg7[%add3A_36, %dma_start3A_54] : memref<10240x128xf32, #tpu.memory_space<vmem_shared>> -> memref<64x128xf32, #tpu.memory_space<vmem_shared>>
      tpu.enqueue_dma source(%arg10 : memref<64x128xf32, #tpu.memory_space<vmem>>) target(%dma_start3A_55 : memref<64x128xf32, #tpu.memory_space<vmem_shared>>) target_semaphore(%run_scoped3A : memref<!tpu.dma_semaphore, #tpu.memory_space<semaphore_mem>>)
      %dma_wait3A = arith.constant 0 : i32
      %dma_wait3A_56 = tpu.memref_slice %arg7[%add3A_36, %dma_wait3A] : memref<10240x128xf32, #tpu.memory_space<vmem_shared>> -> memref<64x128xf32, #tpu.memory_space<vmem_shared>>
      %dma_wait3A_57 = arith.constant 0 : i32
      %dma_wait3A_58 = tpu.memref_slice %arg7[%add3A_36, %dma_wait3A_57] : memref<10240x128xf32, #tpu.memory_space<vmem_shared>> -> memref<64x128xf32, #tpu.memory_space<vmem_shared>>
      tpu.wait_dma2 semaphore(%run_scoped3A : memref<!tpu.dma_semaphore, #tpu.memory_space<semaphore_mem>>) src(%arg10 : memref<64x128xf32, #tpu.memory_space<vmem>>) dst(%dma_wait3A_58 : memref<64x128xf32, #tpu.memory_space<vmem_shared>>)
      tpu.yield
    }) : () -> ()
    %mul3A_37 = arith.constant 640 : i32
    %mul3A_38 = arith.muli %arg1, %mul3A_37 : i32
    %add3A_39 = arith.constant 576 : i32
    %add3A_40 = arith.addi %mul3A_38, %add3A_39 : i32
    "tpu.region"() ({
      %run_scoped3A = tpu.sem_alloc : memref<!tpu.dma_semaphore, #tpu.memory_space<semaphore_mem>>
      %dma_start3A = arith.constant 0 : i32
      %dma_start3A_53 = tpu.memref_slice %arg7[%add3A_40, %dma_start3A] : memref<10240x128xf32, #tpu.memory_space<vmem_shared>> -> memref<64x128xf32, #tpu.memory_space<vmem_shared>>
      %dma_start3A_54 = arith.constant 0 : i32
      %dma_start3A_55 = tpu.memref_slice %arg7[%add3A_40, %dma_start3A_54] : memref<10240x128xf32, #tpu.memory_space<vmem_shared>> -> memref<64x128xf32, #tpu.memory_space<vmem_shared>>
      tpu.enqueue_dma source(%arg10 : memref<64x128xf32, #tpu.memory_space<vmem>>) target(%dma_start3A_55 : memref<64x128xf32, #tpu.memory_space<vmem_shared>>) target_semaphore(%run_scoped3A : memref<!tpu.dma_semaphore, #tpu.memory_space<semaphore_mem>>)
      %dma_wait3A = arith.constant 0 : i32
      %dma_wait3A_56 = tpu.memref_slice %arg7[%add3A_40, %dma_wait3A] : memref<10240x128xf32, #tpu.memory_space<vmem_shared>> -> memref<64x128xf32, #tpu.memory_space<vmem_shared>>
      %dma_wait3A_57 = arith.constant 0 : i32
      %dma_wait3A_58 = tpu.memref_slice %arg7[%add3A_40, %dma_wait3A_57] : memref<10240x128xf32, #tpu.memory_space<vmem_shared>> -> memref<64x128xf32, #tpu.memory_space<vmem_shared>>
      tpu.wait_dma2 semaphore(%run_scoped3A : memref<!tpu.dma_semaphore, #tpu.memory_space<semaphore_mem>>) src(%arg10 : memref<64x128xf32, #tpu.memory_space<vmem>>) dst(%dma_wait3A_58 : memref<64x128xf32, #tpu.memory_space<vmem_shared>>)
      tpu.yield
    }) : () -> ()
    %barrier3A = arith.constant 0 : index
    tpu.barrier barrier_id(%barrier3A)
    %scan3A = arith.constant 0 : i32
    %scan3A_41 = arith.constant 158 : i32
    %scan3A_42 = arith.addi %scan3A, %scan3A_41 : i32
    %scan3A_43 = arith.constant 1 : i32
    scf.for %scan3A_53 = %scan3A to %scan3A_42 step %scan3A_43  : i32 {
      %mul3A_54 = arith.constant 1 : i32
      %mul3A_55 = arith.muli %scan3A_53, %mul3A_54 : i32
      %add3A_56 = arith.constant 0 : i32
      %add3A_57 = arith.addi %add3A_56, %mul3A_55 : i32
      %mul3A_58 = arith.constant 10112 : i32
      %mul3A_59 = arith.muli %add3A, %mul3A_58 : i32
      %mul3A_60 = arith.constant 64 : i32
      %mul3A_61 = arith.muli %add3A_57, %mul3A_60 : i32
      %add3A_62 = arith.addi %mul3A_59, %mul3A_61 : i32
      "tpu.region"() ({
        %run_scoped3A = tpu.sem_alloc : memref<!tpu.dma_semaphore, #tpu.memory_space<semaphore_mem>>
        %dma_start3A_67 = tpu.memref_slice %arg3[%add3A_62] : memref<323584xi32, #tpu.memory_space<hbm>> -> memref<64xi32, #tpu.memory_space<hbm>>
        %dma_start3A_68 = tpu.memref_slice %arg3[%add3A_62] : memref<323584xi32, #tpu.memory_space<hbm>> -> memref<64xi32, #tpu.memory_space<hbm>>
        tpu.enqueue_dma source(%dma_start3A_68 : memref<64xi32, #tpu.memory_space<hbm>>) target(%arg8 : memref<64xi32, #tpu.memory_space<vmem>>) target_semaphore(%run_scoped3A : memref<!tpu.dma_semaphore, #tpu.memory_space<semaphore_mem>>)
        %dma_wait3A_69 = tpu.memref_slice %arg3[%add3A_62] : memref<323584xi32, #tpu.memory_space<hbm>> -> memref<64xi32, #tpu.memory_space<hbm>>
        %dma_wait3A_70 = tpu.memref_slice %arg3[%add3A_62] : memref<323584xi32, #tpu.memory_space<hbm>> -> memref<64xi32, #tpu.memory_space<hbm>>
        tpu.wait_dma2 semaphore(%run_scoped3A : memref<!tpu.dma_semaphore, #tpu.memory_space<semaphore_mem>>) src(%dma_wait3A_70 : memref<64xi32, #tpu.memory_space<hbm>>) dst(%arg8 : memref<64xi32, #tpu.memory_space<vmem>>)
        tpu.yield
      }) : () -> ()
      "tpu.region"() ({
        %run_scoped3A = tpu.sem_alloc : memref<!tpu.dma_semaphore, #tpu.memory_space<semaphore_mem>>
        %dma_start3A_67 = tpu.memref_slice %arg4[%add3A_62] : memref<323584xi32, #tpu.memory_space<hbm>> -> memref<64xi32, #tpu.memory_space<hbm>>
        %dma_start3A_68 = tpu.memref_slice %arg4[%add3A_62] : memref<323584xi32, #tpu.memory_space<hbm>> -> memref<64xi32, #tpu.memory_space<hbm>>
        tpu.enqueue_dma source(%dma_start3A_68 : memref<64xi32, #tpu.memory_space<hbm>>) target(%arg9 : memref<64xi32, #tpu.memory_space<vmem>>) target_semaphore(%run_scoped3A : memref<!tpu.dma_semaphore, #tpu.memory_space<semaphore_mem>>)
        %dma_wait3A_69 = tpu.memref_slice %arg4[%add3A_62] : memref<323584xi32, #tpu.memory_space<hbm>> -> memref<64xi32, #tpu.memory_space<hbm>>
        %dma_wait3A_70 = tpu.memref_slice %arg4[%add3A_62] : memref<323584xi32, #tpu.memory_space<hbm>> -> memref<64xi32, #tpu.memory_space<hbm>>
        tpu.wait_dma2 semaphore(%run_scoped3A : memref<!tpu.dma_semaphore, #tpu.memory_space<semaphore_mem>>) src(%dma_wait3A_70 : memref<64xi32, #tpu.memory_space<hbm>>) dst(%arg9 : memref<64xi32, #tpu.memory_space<vmem>>)
        tpu.yield
      }) : () -> ()
      %dma_start3A = arith.constant 0 : i32
      %dma_start3A_63 = arith.constant 0 : i32
      %dma_start3A_64 = tpu.memref_slice %arg2[%dma_start3A, %dma_start3A_63] : memref<10240x128xf32, #tpu.memory_space<hbm>> -> memref<10240x128xf32, #tpu.memory_space<hbm>>
      tpu.enqueue_indirect_dma source(%dma_start3A_64 : memref<10240x128xf32, #tpu.memory_space<hbm>>) target(%arg10 : memref<64x128xf32, #tpu.memory_space<vmem>>) offsets(%arg8 : memref<64xi32, #tpu.memory_space<vmem>>) semaphore(%arg11 : memref<!tpu.dma_semaphore, #tpu.memory_space<semaphore_mem>>)
      %dma_wait3A = arith.constant 0 : i32
      %dma_wait3A_65 = arith.constant 0 : i32
      %dma_wait3A_66 = tpu.memref_slice %arg2[%dma_wait3A, %dma_wait3A_65] : memref<10240x128xf32, #tpu.memory_space<hbm>> -> memref<10240x128xf32, #tpu.memory_space<hbm>>
      tpu.wait_indirect_dma semaphore(%arg11 : memref<!tpu.dma_semaphore, #tpu.memory_space<semaphore_mem>>) src(%dma_wait3A_66 : memref<10240x128xf32, #tpu.memory_space<hbm>>) dst(%arg10 : memref<64x128xf32, #tpu.memory_space<vmem>>)
      "tpu.region"() ({
        %run_scoped3A = tpu.sem_alloc : memref<!tpu.dma_semaphore, #tpu.memory_space<semaphore_mem>>
        %dma_start3A_67 = arith.constant 0 : i32
        %dma_start3A_68 = arith.constant 0 : i32
        %dma_start3A_69 = tpu.memref_slice %arg7[%dma_start3A_67, %dma_start3A_68] : memref<10240x128xf32, #tpu.memory_space<vmem_shared>> -> memref<10240x128xf32, #tpu.memory_space<vmem_shared>>
        tpu.enqueue_indirect_dma source(%arg10 : memref<64x128xf32, #tpu.memory_space<vmem>>) target(%dma_start3A_69 : memref<10240x128xf32, #tpu.memory_space<vmem_shared>>) offsets(%arg9 : memref<64xi32, #tpu.memory_space<vmem>>) semaphore(%run_scoped3A : memref<!tpu.dma_semaphore, #tpu.memory_space<semaphore_mem>>) {add = true}
        %dma_wait3A_70 = arith.constant 0 : i32
        %dma_wait3A_71 = arith.constant 0 : i32
        %dma_wait3A_72 = tpu.memref_slice %arg7[%dma_wait3A_70, %dma_wait3A_71] : memref<10240x128xf32, #tpu.memory_space<vmem_shared>> -> memref<10240x128xf32, #tpu.memory_space<vmem_shared>>
        tpu.wait_indirect_dma semaphore(%run_scoped3A : memref<!tpu.dma_semaphore, #tpu.memory_space<semaphore_mem>>) src(%arg10 : memref<64x128xf32, #tpu.memory_space<vmem>>) dst(%dma_wait3A_72 : memref<10240x128xf32, #tpu.memory_space<vmem_shared>>)
        tpu.yield
      }) : () -> ()
    }
    %scan3A_44 = arith.constant 158 : i32
    %barrier3A_45 = arith.constant 0 : index
    tpu.barrier barrier_id(%barrier3A_45)
    %mul3A_46 = arith.constant 640 : i32
    %mul3A_47 = arith.muli %arg1, %mul3A_46 : i32
    %mul3A_48 = arith.constant 10240 : i32
    %mul3A_49 = arith.muli %arg0, %mul3A_48 : i32
    %mul3A_50 = arith.constant 640 : i32
    %mul3A_51 = arith.muli %arg1, %mul3A_50 : i32
    %add3A_52 = arith.addi %mul3A_49, %mul3A_51 : i32
    "tpu.region"() ({
      %run_scoped3A = tpu.sem_alloc : memref<!tpu.dma_semaphore, #tpu.memory_space<semaphore_mem>>
      %dma_start3A = arith.constant 0 : i32
      %dma_start3A_53 = tpu.memref_slice %arg6[%add3A_52, %dma_start3A] : memref<20480x128xf32, #tpu.memory_space<hbm>> -> memref<640x128xf32, #tpu.memory_space<hbm>>
      %dma_start3A_54 = arith.constant 0 : i32
      %dma_start3A_55 = tpu.memref_slice %arg7[%mul3A_47, %dma_start3A_54] : memref<10240x128xf32, #tpu.memory_space<vmem_shared>> -> memref<640x128xf32, #tpu.memory_space<vmem_shared>>
      tpu.enqueue_dma source(%dma_start3A_55 : memref<640x128xf32, #tpu.memory_space<vmem_shared>>) target(%dma_start3A_53 : memref<640x128xf32, #tpu.memory_space<hbm>>) target_semaphore(%run_scoped3A : memref<!tpu.dma_semaphore, #tpu.memory_space<semaphore_mem>>)
      %dma_wait3A = arith.constant 0 : i32
      %dma_wait3A_56 = tpu.memref_slice %arg6[%add3A_52, %dma_wait3A] : memref<20480x128xf32, #tpu.memory_space<hbm>> -> memref<640x128xf32, #tpu.memory_space<hbm>>
      %dma_wait3A_57 = arith.constant 0 : i32
      %dma_wait3A_58 = tpu.memref_slice %arg7[%mul3A_47, %dma_wait3A_57] : memref<10240x128xf32, #tpu.memory_space<vmem_shared>> -> memref<640x128xf32, #tpu.memory_space<vmem_shared>>
      tpu.wait_dma2 semaphore(%run_scoped3A : memref<!tpu.dma_semaphore, #tpu.memory_space<semaphore_mem>>) src(%dma_wait3A_58 : memref<640x128xf32, #tpu.memory_space<vmem_shared>>) dst(%dma_wait3A_56 : memref<640x128xf32, #tpu.memory_space<hbm>>)
      tpu.yield
    }) : () -> ()
    return
  }
}

#map = affine_map<(d0, d1) -> (0)>
#map1 = affine_map<(d0, d1) -> (0, 0)>
module attributes {stable_mosaic.version = 14 : i64} {
  func.func @_sc_hist(%arg0: i32, %arg1: i32, %arg2: memref<647168xi32, #tpu.memory_space<hbm>>, %arg3: memref<64x128xf32, #tpu.memory_space<hbm>>, %arg4: memref<20480x128xf32, #tpu.memory_space<hbm>>, %arg5: memref<10240x128xf32, #tpu.memory_space<vmem_shared>>, %arg6: memref<64xi32, #tpu.memory_space<vmem>>, %arg7: memref<64x128xf32, #tpu.memory_space<vmem>>, %arg8: memref<64x128xf32, #tpu.memory_space<vmem>>) attributes {dimension_semantics = [#tpu.dimension_semantics<core_parallel>, #tpu.dimension_semantics<subcore_parallel>], iteration_bounds = array<i64: 2, 16>, scalar_prefetch = 0 : i64, scratch_operands = 4 : i64, tpu.core_type = #tpu.core_type<sc_vector_subcore>, window_params = [{transform_indices = #map}, {transform_indices = #map1}, {transform_indices = #map1}]} {
    "tpu.region"() ({
      %run_scoped3A = tpu.sem_alloc : memref<!tpu.dma_semaphore, #tpu.memory_space<semaphore_mem>>
      tpu.enqueue_dma source(%arg3 : memref<64x128xf32, #tpu.memory_space<hbm>>) target(%arg8 : memref<64x128xf32, #tpu.memory_space<vmem>>) target_semaphore(%run_scoped3A : memref<!tpu.dma_semaphore, #tpu.memory_space<semaphore_mem>>)
      tpu.wait_dma2 semaphore(%run_scoped3A : memref<!tpu.dma_semaphore, #tpu.memory_space<semaphore_mem>>) src(%arg3 : memref<64x128xf32, #tpu.memory_space<hbm>>) dst(%arg8 : memref<64x128xf32, #tpu.memory_space<vmem>>)
      tpu.yield
    }) : () -> ()
    "tpu.region"() ({
      %run_scoped3A = tpu.sem_alloc : memref<!tpu.dma_semaphore, #tpu.memory_space<semaphore_mem>>
      tpu.enqueue_dma source(%arg3 : memref<64x128xf32, #tpu.memory_space<hbm>>) target(%arg7 : memref<64x128xf32, #tpu.memory_space<vmem>>) target_semaphore(%run_scoped3A : memref<!tpu.dma_semaphore, #tpu.memory_space<semaphore_mem>>)
      tpu.wait_dma2 semaphore(%run_scoped3A : memref<!tpu.dma_semaphore, #tpu.memory_space<semaphore_mem>>) src(%arg3 : memref<64x128xf32, #tpu.memory_space<hbm>>) dst(%arg7 : memref<64x128xf32, #tpu.memory_space<vmem>>)
      tpu.yield
    }) : () -> ()
    %iota3A = tpu.iota {dimensions = array<i32: 0>} : vector<16xi32>
    %eq3A = arith.constant 0 : i32
    %eq3A_0 = vector.broadcast %eq3A : i32 to vector<16xi32>
    %eq3A_1 = arith.cmpi eq, %iota3A, %eq3A_0 : vector<16xi32>
    %jit3A = arith.constant 1.000000e+00 : f32
    %jit3A_2 = arith.constant 0.000000e+00 : f32
    %broadcast_in_dim3A = vector.broadcast %jit3A : f32 to vector<16xf32>
    %broadcast_in_dim3A_3 = vector.broadcast %jit3A_2 : f32 to vector<16xf32>
    %select_n3A = arith.select %eq3A_1, %broadcast_in_dim3A, %broadcast_in_dim3A_3 : vector<16xi1>, vector<16xf32>
    %scan3A = arith.constant 0 : i32
    %scan3A_4 = arith.constant 64 : i32
    %scan3A_5 = arith.addi %scan3A, %scan3A_4 : i32
    %scan3A_6 = arith.constant 1 : i32
    scf.for %scan3A_59 = %scan3A to %scan3A_5 step %scan3A_6  : i32 {
      %mul3A_60 = arith.constant 1 : i32
      %mul3A_61 = arith.muli %scan3A_59, %mul3A_60 : i32
      %add3A_62 = arith.constant 0 : i32
      %add3A_63 = arith.addi %add3A_62, %mul3A_61 : i32
      %swap3A = arith.index_cast %add3A_63 : i32 to index
      %swap3A_64 = arith.constant 0 : index
      %swap3A_65 = tpu.vector_load %arg7[%swap3A, %swap3A_64] {strides = array<i32>} : memref<64x128xf32, #tpu.memory_space<vmem>>, vector<1x16xf32>,
      %swap3A_66 = vector.shape_cast %swap3A_65 : vector<1x16xf32> to vector<16xf32>
      %swap3A_67 = vector.shape_cast %select_n3A : vector<16xf32> to vector<1x16xf32>
      tpu.vector_store %arg7[%swap3A, %swap3A_64], %swap3A_67 {strides = array<i32>} : memref<64x128xf32, #tpu.memory_space<vmem>>, vector<1x16xf32>,
    }
    %scan3A_7 = arith.constant 64 : i32
    %mul3A = arith.constant 640 : i32
    %mul3A_8 = arith.muli %arg1, %mul3A : i32
    %add3A = arith.constant 0 : i32
    %add3A_9 = arith.addi %mul3A_8, %add3A : i32
    "tpu.region"() ({
      %run_scoped3A = tpu.sem_alloc : memref<!tpu.dma_semaphore, #tpu.memory_space<semaphore_mem>>
      %dma_start3A = arith.constant 0 : i32
      %dma_start3A_59 = tpu.memref_slice %arg5[%add3A_9, %dma_start3A] : memref<10240x128xf32, #tpu.memory_space<vmem_shared>> -> memref<64x128xf32, #tpu.memory_space<vmem_shared>>
      %dma_start3A_60 = arith.constant 0 : i32
      %dma_start3A_61 = tpu.memref_slice %arg5[%add3A_9, %dma_start3A_60] : memref<10240x128xf32, #tpu.memory_space<vmem_shared>> -> memref<64x128xf32, #tpu.memory_space<vmem_shared>>
      tpu.enqueue_dma source(%arg8 : memref<64x128xf32, #tpu.memory_space<vmem>>) target(%dma_start3A_61 : memref<64x128xf32, #tpu.memory_space<vmem_shared>>) target_semaphore(%run_scoped3A : memref<!tpu.dma_semaphore, #tpu.memory_space<semaphore_mem>>)
      %dma_wait3A = arith.constant 0 : i32
      %dma_wait3A_62 = tpu.memref_slice %arg5[%add3A_9, %dma_wait3A] : memref<10240x128xf32, #tpu.memory_space<vmem_shared>> -> memref<64x128xf32, #tpu.memory_space<vmem_shared>>
      %dma_wait3A_63 = arith.constant 0 : i32
      %dma_wait3A_64 = tpu.memref_slice %arg5[%add3A_9, %dma_wait3A_63] : memref<10240x128xf32, #tpu.memory_space<vmem_shared>> -> memref<64x128xf32, #tpu.memory_space<vmem_shared>>
      tpu.wait_dma2 semaphore(%run_scoped3A : memref<!tpu.dma_semaphore, #tpu.memory_space<semaphore_mem>>) src(%arg8 : memref<64x128xf32, #tpu.memory_space<vmem>>) dst(%dma_wait3A_64 : memref<64x128xf32, #tpu.memory_space<vmem_shared>>)
      tpu.yield
    }) : () -> ()
    %mul3A_10 = arith.constant 640 : i32
    %mul3A_11 = arith.muli %arg1, %mul3A_10 : i32
    %add3A_12 = arith.constant 64 : i32
    %add3A_13 = arith.addi %mul3A_11, %add3A_12 : i32
    "tpu.region"() ({
      %run_scoped3A = tpu.sem_alloc : memref<!tpu.dma_semaphore, #tpu.memory_space<semaphore_mem>>
      %dma_start3A = arith.constant 0 : i32
      %dma_start3A_59 = tpu.memref_slice %arg5[%add3A_13, %dma_start3A] : memref<10240x128xf32, #tpu.memory_space<vmem_shared>> -> memref<64x128xf32, #tpu.memory_space<vmem_shared>>
      %dma_start3A_60 = arith.constant 0 : i32
      %dma_start3A_61 = tpu.memref_slice %arg5[%add3A_13, %dma_start3A_60] : memref<10240x128xf32, #tpu.memory_space<vmem_shared>> -> memref<64x128xf32, #tpu.memory_space<vmem_shared>>
      tpu.enqueue_dma source(%arg8 : memref<64x128xf32, #tpu.memory_space<vmem>>) target(%dma_start3A_61 : memref<64x128xf32, #tpu.memory_space<vmem_shared>>) target_semaphore(%run_scoped3A : memref<!tpu.dma_semaphore, #tpu.memory_space<semaphore_mem>>)
      %dma_wait3A = arith.constant 0 : i32
      %dma_wait3A_62 = tpu.memref_slice %arg5[%add3A_13, %dma_wait3A] : memref<10240x128xf32, #tpu.memory_space<vmem_shared>> -> memref<64x128xf32, #tpu.memory_space<vmem_shared>>
      %dma_wait3A_63 = arith.constant 0 : i32
      %dma_wait3A_64 = tpu.memref_slice %arg5[%add3A_13, %dma_wait3A_63] : memref<10240x128xf32, #tpu.memory_space<vmem_shared>> -> memref<64x128xf32, #tpu.memory_space<vmem_shared>>
      tpu.wait_dma2 semaphore(%run_scoped3A : memref<!tpu.dma_semaphore, #tpu.memory_space<semaphore_mem>>) src(%arg8 : memref<64x128xf32, #tpu.memory_space<vmem>>) dst(%dma_wait3A_64 : memref<64x128xf32, #tpu.memory_space<vmem_shared>>)
      tpu.yield
    }) : () -> ()
    %mul3A_14 = arith.constant 640 : i32
    %mul3A_15 = arith.muli %arg1, %mul3A_14 : i32
    %add3A_16 = arith.constant 128 : i32
    %add3A_17 = arith.addi %mul3A_15, %add3A_16 : i32
    "tpu.region"() ({
      %run_scoped3A = tpu.sem_alloc : memref<!tpu.dma_semaphore, #tpu.memory_space<semaphore_mem>>
      %dma_start3A = arith.constant 0 : i32
      %dma_start3A_59 = tpu.memref_slice %arg5[%add3A_17, %dma_start3A] : memref<10240x128xf32, #tpu.memory_space<vmem_shared>> -> memref<64x128xf32, #tpu.memory_space<vmem_shared>>
      %dma_start3A_60 = arith.constant 0 : i32
      %dma_start3A_61 = tpu.memref_slice %arg5[%add3A_17, %dma_start3A_60] : memref<10240x128xf32, #tpu.memory_space<vmem_shared>> -> memref<64x128xf32, #tpu.memory_space<vmem_shared>>
      tpu.enqueue_dma source(%arg8 : memref<64x128xf32, #tpu.memory_space<vmem>>) target(%dma_start3A_61 : memref<64x128xf32, #tpu.memory_space<vmem_shared>>) target_semaphore(%run_scoped3A : memref<!tpu.dma_semaphore, #tpu.memory_space<semaphore_mem>>)
      %dma_wait3A = arith.constant 0 : i32
      %dma_wait3A_62 = tpu.memref_slice %arg5[%add3A_17, %dma_wait3A] : memref<10240x128xf32, #tpu.memory_space<vmem_shared>> -> memref<64x128xf32, #tpu.memory_space<vmem_shared>>
      %dma_wait3A_63 = arith.constant 0 : i32
      %dma_wait3A_64 = tpu.memref_slice %arg5[%add3A_17, %dma_wait3A_63] : memref<10240x128xf32, #tpu.memory_space<vmem_shared>> -> memref<64x128xf32, #tpu.memory_space<vmem_shared>>
      tpu.wait_dma2 semaphore(%run_scoped3A : memref<!tpu.dma_semaphore, #tpu.memory_space<semaphore_mem>>) src(%arg8 : memref<64x128xf32, #tpu.memory_space<vmem>>) dst(%dma_wait3A_64 : memref<64x128xf32, #tpu.memory_space<vmem_shared>>)
      tpu.yield
    }) : () -> ()
    %mul3A_18 = arith.constant 640 : i32
    %mul3A_19 = arith.muli %arg1, %mul3A_18 : i32
    %add3A_20 = arith.constant 192 : i32
    %add3A_21 = arith.addi %mul3A_19, %add3A_20 : i32
    "tpu.region"() ({
      %run_scoped3A = tpu.sem_alloc : memref<!tpu.dma_semaphore, #tpu.memory_space<semaphore_mem>>
      %dma_start3A = arith.constant 0 : i32
      %dma_start3A_59 = tpu.memref_slice %arg5[%add3A_21, %dma_start3A] : memref<10240x128xf32, #tpu.memory_space<vmem_shared>> -> memref<64x128xf32, #tpu.memory_space<vmem_shared>>
      %dma_start3A_60 = arith.constant 0 : i32
      %dma_start3A_61 = tpu.memref_slice %arg5[%add3A_21, %dma_start3A_60] : memref<10240x128xf32, #tpu.memory_space<vmem_shared>> -> memref<64x128xf32, #tpu.memory_space<vmem_shared>>
      tpu.enqueue_dma source(%arg8 : memref<64x128xf32, #tpu.memory_space<vmem>>) target(%dma_start3A_61 : memref<64x128xf32, #tpu.memory_space<vmem_shared>>) target_semaphore(%run_scoped3A : memref<!tpu.dma_semaphore, #tpu.memory_space<semaphore_mem>>)
      %dma_wait3A = arith.constant 0 : i32
      %dma_wait3A_62 = tpu.memref_slice %arg5[%add3A_21, %dma_wait3A] : memref<10240x128xf32, #tpu.memory_space<vmem_shared>> -> memref<64x128xf32, #tpu.memory_space<vmem_shared>>
      %dma_wait3A_63 = arith.constant 0 : i32
      %dma_wait3A_64 = tpu.memref_slice %arg5[%add3A_21, %dma_wait3A_63] : memref<10240x128xf32, #tpu.memory_space<vmem_shared>> -> memref<64x128xf32, #tpu.memory_space<vmem_shared>>
      tpu.wait_dma2 semaphore(%run_scoped3A : memref<!tpu.dma_semaphore, #tpu.memory_space<semaphore_mem>>) src(%arg8 : memref<64x128xf32, #tpu.memory_space<vmem>>) dst(%dma_wait3A_64 : memref<64x128xf32, #tpu.memory_space<vmem_shared>>)
      tpu.yield
    }) : () -> ()
    %mul3A_22 = arith.constant 640 : i32
    %mul3A_23 = arith.muli %arg1, %mul3A_22 : i32
    %add3A_24 = arith.constant 256 : i32
    %add3A_25 = arith.addi %mul3A_23, %add3A_24 : i32
    "tpu.region"() ({
      %run_scoped3A = tpu.sem_alloc : memref<!tpu.dma_semaphore, #tpu.memory_space<semaphore_mem>>
      %dma_start3A = arith.constant 0 : i32
      %dma_start3A_59 = tpu.memref_slice %arg5[%add3A_25, %dma_start3A] : memref<10240x128xf32, #tpu.memory_space<vmem_shared>> -> memref<64x128xf32, #tpu.memory_space<vmem_shared>>
      %dma_start3A_60 = arith.constant 0 : i32
      %dma_start3A_61 = tpu.memref_slice %arg5[%add3A_25, %dma_start3A_60] : memref<10240x128xf32, #tpu.memory_space<vmem_shared>> -> memref<64x128xf32, #tpu.memory_space<vmem_shared>>
      tpu.enqueue_dma source(%arg8 : memref<64x128xf32, #tpu.memory_space<vmem>>) target(%dma_start3A_61 : memref<64x128xf32, #tpu.memory_space<vmem_shared>>) target_semaphore(%run_scoped3A : memref<!tpu.dma_semaphore, #tpu.memory_space<semaphore_mem>>)
      %dma_wait3A = arith.constant 0 : i32
      %dma_wait3A_62 = tpu.memref_slice %arg5[%add3A_25, %dma_wait3A] : memref<10240x128xf32, #tpu.memory_space<vmem_shared>> -> memref<64x128xf32, #tpu.memory_space<vmem_shared>>
      %dma_wait3A_63 = arith.constant 0 : i32
      %dma_wait3A_64 = tpu.memref_slice %arg5[%add3A_25, %dma_wait3A_63] : memref<10240x128xf32, #tpu.memory_space<vmem_shared>> -> memref<64x128xf32, #tpu.memory_space<vmem_shared>>
      tpu.wait_dma2 semaphore(%run_scoped3A : memref<!tpu.dma_semaphore, #tpu.memory_space<semaphore_mem>>) src(%arg8 : memref<64x128xf32, #tpu.memory_space<vmem>>) dst(%dma_wait3A_64 : memref<64x128xf32, #tpu.memory_space<vmem_shared>>)
      tpu.yield
    }) : () -> ()
    %mul3A_26 = arith.constant 640 : i32
    %mul3A_27 = arith.muli %arg1, %mul3A_26 : i32
    %add3A_28 = arith.constant 320 : i32
    %add3A_29 = arith.addi %mul3A_27, %add3A_28 : i32
    "tpu.region"() ({
      %run_scoped3A = tpu.sem_alloc : memref<!tpu.dma_semaphore, #tpu.memory_space<semaphore_mem>>
      %dma_start3A = arith.constant 0 : i32
      %dma_start3A_59 = tpu.memref_slice %arg5[%add3A_29, %dma_start3A] : memref<10240x128xf32, #tpu.memory_space<vmem_shared>> -> memref<64x128xf32, #tpu.memory_space<vmem_shared>>
      %dma_start3A_60 = arith.constant 0 : i32
      %dma_start3A_61 = tpu.memref_slice %arg5[%add3A_29, %dma_start3A_60] : memref<10240x128xf32, #tpu.memory_space<vmem_shared>> -> memref<64x128xf32, #tpu.memory_space<vmem_shared>>
      tpu.enqueue_dma source(%arg8 : memref<64x128xf32, #tpu.memory_space<vmem>>) target(%dma_start3A_61 : memref<64x128xf32, #tpu.memory_space<vmem_shared>>) target_semaphore(%run_scoped3A : memref<!tpu.dma_semaphore, #tpu.memory_space<semaphore_mem>>)
      %dma_wait3A = arith.constant 0 : i32
      %dma_wait3A_62 = tpu.memref_slice %arg5[%add3A_29, %dma_wait3A] : memref<10240x128xf32, #tpu.memory_space<vmem_shared>> -> memref<64x128xf32, #tpu.memory_space<vmem_shared>>
      %dma_wait3A_63 = arith.constant 0 : i32
      %dma_wait3A_64 = tpu.memref_slice %arg5[%add3A_29, %dma_wait3A_63] : memref<10240x128xf32, #tpu.memory_space<vmem_shared>> -> memref<64x128xf32, #tpu.memory_space<vmem_shared>>
      tpu.wait_dma2 semaphore(%run_scoped3A : memref<!tpu.dma_semaphore, #tpu.memory_space<semaphore_mem>>) src(%arg8 : memref<64x128xf32, #tpu.memory_space<vmem>>) dst(%dma_wait3A_64 : memref<64x128xf32, #tpu.memory_space<vmem_shared>>)
      tpu.yield
    }) : () -> ()
    %mul3A_30 = arith.constant 640 : i32
    %mul3A_31 = arith.muli %arg1, %mul3A_30 : i32
    %add3A_32 = arith.constant 384 : i32
    %add3A_33 = arith.addi %mul3A_31, %add3A_32 : i32
    "tpu.region"() ({
      %run_scoped3A = tpu.sem_alloc : memref<!tpu.dma_semaphore, #tpu.memory_space<semaphore_mem>>
      %dma_start3A = arith.constant 0 : i32
      %dma_start3A_59 = tpu.memref_slice %arg5[%add3A_33, %dma_start3A] : memref<10240x128xf32, #tpu.memory_space<vmem_shared>> -> memref<64x128xf32, #tpu.memory_space<vmem_shared>>
      %dma_start3A_60 = arith.constant 0 : i32
      %dma_start3A_61 = tpu.memref_slice %arg5[%add3A_33, %dma_start3A_60] : memref<10240x128xf32, #tpu.memory_space<vmem_shared>> -> memref<64x128xf32, #tpu.memory_space<vmem_shared>>
      tpu.enqueue_dma source(%arg8 : memref<64x128xf32, #tpu.memory_space<vmem>>) target(%dma_start3A_61 : memref<64x128xf32, #tpu.memory_space<vmem_shared>>) target_semaphore(%run_scoped3A : memref<!tpu.dma_semaphore, #tpu.memory_space<semaphore_mem>>)
      %dma_wait3A = arith.constant 0 : i32
      %dma_wait3A_62 = tpu.memref_slice %arg5[%add3A_33, %dma_wait3A] : memref<10240x128xf32, #tpu.memory_space<vmem_shared>> -> memref<64x128xf32, #tpu.memory_space<vmem_shared>>
      %dma_wait3A_63 = arith.constant 0 : i32
      %dma_wait3A_64 = tpu.memref_slice %arg5[%add3A_33, %dma_wait3A_63] : memref<10240x128xf32, #tpu.memory_space<vmem_shared>> -> memref<64x128xf32, #tpu.memory_space<vmem_shared>>
      tpu.wait_dma2 semaphore(%run_scoped3A : memref<!tpu.dma_semaphore, #tpu.memory_space<semaphore_mem>>) src(%arg8 : memref<64x128xf32, #tpu.memory_space<vmem>>) dst(%dma_wait3A_64 : memref<64x128xf32, #tpu.memory_space<vmem_shared>>)
      tpu.yield
    }) : () -> ()
    %mul3A_34 = arith.constant 640 : i32
    %mul3A_35 = arith.muli %arg1, %mul3A_34 : i32
    %add3A_36 = arith.constant 448 : i32
    %add3A_37 = arith.addi %mul3A_35, %add3A_36 : i32
    "tpu.region"() ({
      %run_scoped3A = tpu.sem_alloc : memref<!tpu.dma_semaphore, #tpu.memory_space<semaphore_mem>>
      %dma_start3A = arith.constant 0 : i32
      %dma_start3A_59 = tpu.memref_slice %arg5[%add3A_37, %dma_start3A] : memref<10240x128xf32, #tpu.memory_space<vmem_shared>> -> memref<64x128xf32, #tpu.memory_space<vmem_shared>>
      %dma_start3A_60 = arith.constant 0 : i32
      %dma_start3A_61 = tpu.memref_slice %arg5[%add3A_37, %dma_start3A_60] : memref<10240x128xf32, #tpu.memory_space<vmem_shared>> -> memref<64x128xf32, #tpu.memory_space<vmem_shared>>
      tpu.enqueue_dma source(%arg8 : memref<64x128xf32, #tpu.memory_space<vmem>>) target(%dma_start3A_61 : memref<64x128xf32, #tpu.memory_space<vmem_shared>>) target_semaphore(%run_scoped3A : memref<!tpu.dma_semaphore, #tpu.memory_space<semaphore_mem>>)
      %dma_wait3A = arith.constant 0 : i32
      %dma_wait3A_62 = tpu.memref_slice %arg5[%add3A_37, %dma_wait3A] : memref<10240x128xf32, #tpu.memory_space<vmem_shared>> -> memref<64x128xf32, #tpu.memory_space<vmem_shared>>
      %dma_wait3A_63 = arith.constant 0 : i32
      %dma_wait3A_64 = tpu.memref_slice %arg5[%add3A_37, %dma_wait3A_63] : memref<10240x128xf32, #tpu.memory_space<vmem_shared>> -> memref<64x128xf32, #tpu.memory_space<vmem_shared>>
      tpu.wait_dma2 semaphore(%run_scoped3A : memref<!tpu.dma_semaphore, #tpu.memory_space<semaphore_mem>>) src(%arg8 : memref<64x128xf32, #tpu.memory_space<vmem>>) dst(%dma_wait3A_64 : memref<64x128xf32, #tpu.memory_space<vmem_shared>>)
      tpu.yield
    }) : () -> ()
    %mul3A_38 = arith.constant 640 : i32
    %mul3A_39 = arith.muli %arg1, %mul3A_38 : i32
    %add3A_40 = arith.constant 512 : i32
    %add3A_41 = arith.addi %mul3A_39, %add3A_40 : i32
    "tpu.region"() ({
      %run_scoped3A = tpu.sem_alloc : memref<!tpu.dma_semaphore, #tpu.memory_space<semaphore_mem>>
      %dma_start3A = arith.constant 0 : i32
      %dma_start3A_59 = tpu.memref_slice %arg5[%add3A_41, %dma_start3A] : memref<10240x128xf32, #tpu.memory_space<vmem_shared>> -> memref<64x128xf32, #tpu.memory_space<vmem_shared>>
      %dma_start3A_60 = arith.constant 0 : i32
      %dma_start3A_61 = tpu.memref_slice %arg5[%add3A_41, %dma_start3A_60] : memref<10240x128xf32, #tpu.memory_space<vmem_shared>> -> memref<64x128xf32, #tpu.memory_space<vmem_shared>>
      tpu.enqueue_dma source(%arg8 : memref<64x128xf32, #tpu.memory_space<vmem>>) target(%dma_start3A_61 : memref<64x128xf32, #tpu.memory_space<vmem_shared>>) target_semaphore(%run_scoped3A : memref<!tpu.dma_semaphore, #tpu.memory_space<semaphore_mem>>)
      %dma_wait3A = arith.constant 0 : i32
      %dma_wait3A_62 = tpu.memref_slice %arg5[%add3A_41, %dma_wait3A] : memref<10240x128xf32, #tpu.memory_space<vmem_shared>> -> memref<64x128xf32, #tpu.memory_space<vmem_shared>>
      %dma_wait3A_63 = arith.constant 0 : i32
      %dma_wait3A_64 = tpu.memref_slice %arg5[%add3A_41, %dma_wait3A_63] : memref<10240x128xf32, #tpu.memory_space<vmem_shared>> -> memref<64x128xf32, #tpu.memory_space<vmem_shared>>
      tpu.wait_dma2 semaphore(%run_scoped3A : memref<!tpu.dma_semaphore, #tpu.memory_space<semaphore_mem>>) src(%arg8 : memref<64x128xf32, #tpu.memory_space<vmem>>) dst(%dma_wait3A_64 : memref<64x128xf32, #tpu.memory_space<vmem_shared>>)
      tpu.yield
    }) : () -> ()
    %mul3A_42 = arith.constant 640 : i32
    %mul3A_43 = arith.muli %arg1, %mul3A_42 : i32
    %add3A_44 = arith.constant 576 : i32
    %add3A_45 = arith.addi %mul3A_43, %add3A_44 : i32
    "tpu.region"() ({
      %run_scoped3A = tpu.sem_alloc : memref<!tpu.dma_semaphore, #tpu.memory_space<semaphore_mem>>
      %dma_start3A = arith.constant 0 : i32
      %dma_start3A_59 = tpu.memref_slice %arg5[%add3A_45, %dma_start3A] : memref<10240x128xf32, #tpu.memory_space<vmem_shared>> -> memref<64x128xf32, #tpu.memory_space<vmem_shared>>
      %dma_start3A_60 = arith.constant 0 : i32
      %dma_start3A_61 = tpu.memref_slice %arg5[%add3A_45, %dma_start3A_60] : memref<10240x128xf32, #tpu.memory_space<vmem_shared>> -> memref<64x128xf32, #tpu.memory_space<vmem_shared>>
      tpu.enqueue_dma source(%arg8 : memref<64x128xf32, #tpu.memory_space<vmem>>) target(%dma_start3A_61 : memref<64x128xf32, #tpu.memory_space<vmem_shared>>) target_semaphore(%run_scoped3A : memref<!tpu.dma_semaphore, #tpu.memory_space<semaphore_mem>>)
      %dma_wait3A = arith.constant 0 : i32
      %dma_wait3A_62 = tpu.memref_slice %arg5[%add3A_45, %dma_wait3A] : memref<10240x128xf32, #tpu.memory_space<vmem_shared>> -> memref<64x128xf32, #tpu.memory_space<vmem_shared>>
      %dma_wait3A_63 = arith.constant 0 : i32
      %dma_wait3A_64 = tpu.memref_slice %arg5[%add3A_45, %dma_wait3A_63] : memref<10240x128xf32, #tpu.memory_space<vmem_shared>> -> memref<64x128xf32, #tpu.memory_space<vmem_shared>>
      tpu.wait_dma2 semaphore(%run_scoped3A : memref<!tpu.dma_semaphore, #tpu.memory_space<semaphore_mem>>) src(%arg8 : memref<64x128xf32, #tpu.memory_space<vmem>>) dst(%dma_wait3A_64 : memref<64x128xf32, #tpu.memory_space<vmem_shared>>)
      tpu.yield
    }) : () -> ()
    %barrier3A = arith.constant 0 : index
    tpu.barrier barrier_id(%barrier3A)
    %scan3A_46 = arith.constant 0 : i32
    %scan3A_47 = arith.constant 316 : i32
    %scan3A_48 = arith.addi %scan3A_46, %scan3A_47 : i32
    %scan3A_49 = arith.constant 1 : i32
    scf.for %scan3A_59 = %scan3A_46 to %scan3A_48 step %scan3A_49  : i32 {
      %mul3A_60 = arith.constant 1 : i32
      %mul3A_61 = arith.muli %scan3A_59, %mul3A_60 : i32
      %add3A_62 = arith.constant 0 : i32
      %add3A_63 = arith.addi %add3A_62, %mul3A_61 : i32
      %mul3A_64 = arith.constant 323584 : i32
      %mul3A_65 = arith.muli %arg0, %mul3A_64 : i32
      %mul3A_66 = arith.constant 20224 : i32
      %mul3A_67 = arith.muli %arg1, %mul3A_66 : i32
      %add3A_68 = arith.addi %mul3A_65, %mul3A_67 : i32
      %mul3A_69 = arith.constant 64 : i32
      %mul3A_70 = arith.muli %add3A_63, %mul3A_69 : i32
      %add3A_71 = arith.addi %add3A_68, %mul3A_70 : i32
      "tpu.region"() ({
        %run_scoped3A = tpu.sem_alloc : memref<!tpu.dma_semaphore, #tpu.memory_space<semaphore_mem>>
        %dma_start3A = tpu.memref_slice %arg2[%add3A_71] : memref<647168xi32, #tpu.memory_space<hbm>> -> memref<64xi32, #tpu.memory_space<hbm>>
        %dma_start3A_72 = tpu.memref_slice %arg2[%add3A_71] : memref<647168xi32, #tpu.memory_space<hbm>> -> memref<64xi32, #tpu.memory_space<hbm>>
        tpu.enqueue_dma source(%dma_start3A_72 : memref<64xi32, #tpu.memory_space<hbm>>) target(%arg6 : memref<64xi32, #tpu.memory_space<vmem>>) target_semaphore(%run_scoped3A : memref<!tpu.dma_semaphore, #tpu.memory_space<semaphore_mem>>)
        %dma_wait3A = tpu.memref_slice %arg2[%add3A_71] : memref<647168xi32, #tpu.memory_space<hbm>> -> memref<64xi32, #tpu.memory_space<hbm>>
        %dma_wait3A_73 = tpu.memref_slice %arg2[%add3A_71] : memref<647168xi32, #tpu.memory_space<hbm>> -> memref<64xi32, #tpu.memory_space<hbm>>
        tpu.wait_dma2 semaphore(%run_scoped3A : memref<!tpu.dma_semaphore, #tpu.memory_space<semaphore_mem>>) src(%dma_wait3A_73 : memref<64xi32, #tpu.memory_space<hbm>>) dst(%arg6 : memref<64xi32, #tpu.memory_space<vmem>>)
        tpu.yield
      }) : () -> ()
      "tpu.region"() ({
        %run_scoped3A = tpu.sem_alloc : memref<!tpu.dma_semaphore, #tpu.memory_space<semaphore_mem>>
        %dma_start3A = arith.constant 0 : i32
        %dma_start3A_72 = arith.constant 0 : i32
        %dma_start3A_73 = tpu.memref_slice %arg5[%dma_start3A, %dma_start3A_72] : memref<10240x128xf32, #tpu.memory_space<vmem_shared>> -> memref<10240x128xf32, #tpu.memory_space<vmem_shared>>
        tpu.enqueue_indirect_dma source(%arg7 : memref<64x128xf32, #tpu.memory_space<vmem>>) target(%dma_start3A_73 : memref<10240x128xf32, #tpu.memory_space<vmem_shared>>) offsets(%arg6 : memref<64xi32, #tpu.memory_space<vmem>>) semaphore(%run_scoped3A : memref<!tpu.dma_semaphore, #tpu.memory_space<semaphore_mem>>) {add = true}
        %dma_wait3A = arith.constant 0 : i32
        %dma_wait3A_74 = arith.constant 0 : i32
        %dma_wait3A_75 = tpu.memref_slice %arg5[%dma_wait3A, %dma_wait3A_74] : memref<10240x128xf32, #tpu.memory_space<vmem_shared>> -> memref<10240x128xf32, #tpu.memory_space<vmem_shared>>
        tpu.wait_indirect_dma semaphore(%run_scoped3A : memref<!tpu.dma_semaphore, #tpu.memory_space<semaphore_mem>>) src(%arg7 : memref<64x128xf32, #tpu.memory_space<vmem>>) dst(%dma_wait3A_75 : memref<10240x128xf32, #tpu.memory_space<vmem_shared>>)
        tpu.yield
      }) : () -> ()
    }
    %scan3A_50 = arith.constant 316 : i32
    %barrier3A_51 = arith.constant 0 : index
    tpu.barrier barrier_id(%barrier3A_51)
    %mul3A_52 = arith.constant 640 : i32
    %mul3A_53 = arith.muli %arg1, %mul3A_52 : i32
    %mul3A_54 = arith.constant 10240 : i32
    %mul3A_55 = arith.muli %arg0, %mul3A_54 : i32
    %mul3A_56 = arith.constant 640 : i32
    %mul3A_57 = arith.muli %arg1, %mul3A_56 : i32
    %add3A_58 = arith.addi %mul3A_55, %mul3A_57 : i32
    "tpu.region"() ({
      %run_scoped3A = tpu.sem_alloc : memref<!tpu.dma_semaphore, #tpu.memory_space<semaphore_mem>>
      %dma_start3A = arith.constant 0 : i32
      %dma_start3A_59 = tpu.memref_slice %arg4[%add3A_58, %dma_start3A] : memref<20480x128xf32, #tpu.memory_space<hbm>> -> memref<640x128xf32, #tpu.memory_space<hbm>>
      %dma_start3A_60 = arith.constant 0 : i32
      %dma_start3A_61 = tpu.memref_slice %arg5[%mul3A_53, %dma_start3A_60] : memref<10240x128xf32, #tpu.memory_space<vmem_shared>> -> memref<640x128xf32, #tpu.memory_space<vmem_shared>>
      tpu.enqueue_dma source(%dma_start3A_61 : memref<640x128xf32, #tpu.memory_space<vmem_shared>>) target(%dma_start3A_59 : memref<640x128xf32, #tpu.memory_space<hbm>>) target_semaphore(%run_scoped3A : memref<!tpu.dma_semaphore, #tpu.memory_space<semaphore_mem>>)
      %dma_wait3A = arith.constant 0 : i32
      %dma_wait3A_62 = tpu.memref_slice %arg4[%add3A_58, %dma_wait3A] : memref<20480x128xf32, #tpu.memory_space<hbm>> -> memref<640x128xf32, #tpu.memory_space<hbm>>
      %dma_wait3A_63 = arith.constant 0 : i32
      %dma_wait3A_64 = tpu.memref_slice %arg5[%mul3A_53, %dma_wait3A_63] : memref<10240x128xf32, #tpu.memory_space<vmem_shared>> -> memref<640x128xf32, #tpu.memory_space<vmem_shared>>
      tpu.wait_dma2 semaphore(%run_scoped3A : memref<!tpu.dma_semaphore, #tpu.memory_space<semaphore_mem>>) src(%dma_wait3A_64 : memref<640x128xf32, #tpu.memory_space<vmem_shared>>) dst(%dma_wait3A_62 : memref<640x128xf32, #tpu.memory_space<hbm>>)
      tpu.yield
    }) : () -> ()
    return
  }
}

#map = affine_map<(d0, d1) -> (0, 0)>
#map1 = affine_map<(d0, d1) -> (0)>
module attributes {stable_mosaic.version = 14 : i64} {
  func.func @k(%arg0: i32, %arg1: i32, %arg2: memref<10240x128xf32, #tpu.memory_space<hbm>>, %arg3: memref<323584xi32, #tpu.memory_space<hbm>>, %arg4: memref<323584xi32, #tpu.memory_space<hbm>>, %arg5: memref<64x128xf32, #tpu.memory_space<hbm>>, %arg6: memref<20480x128xf32, #tpu.memory_space<hbm>>, %arg7: memref<10240x128xf32, #tpu.memory_space<vmem_shared>>, %arg8: memref<64xi32, #tpu.memory_space<vmem>>, %arg9: memref<64xi32, #tpu.memory_space<vmem>>, %arg10: memref<64x128xf32, #tpu.memory_space<vmem>>, %arg11: memref<!tpu.dma_semaphore, #tpu.memory_space<semaphore_mem>>) attributes {dimension_semantics = [#tpu.dimension_semantics<core_parallel>, #tpu.dimension_semantics<subcore_parallel>], iteration_bounds = array<i64: 2, 16>, scalar_prefetch = 0 : i64, scratch_operands = 5 : i64, tpu.core_type = #tpu.core_type<sc_vector_subcore>, window_params = [{transform_indices = #map}, {transform_indices = #map1}, {transform_indices = #map1}, {transform_indices = #map}, {transform_indices = #map}]} {
    %mul3A = arith.constant 16 : i32
    %mul3A_0 = arith.muli %arg0, %mul3A : i32
    %add3A = arith.addi %mul3A_0, %arg1 : i32
    "tpu.region"() ({
      %run_scoped3A = tpu.sem_alloc : memref<!tpu.dma_semaphore, #tpu.memory_space<semaphore_mem>>
      tpu.enqueue_dma source(%arg5 : memref<64x128xf32, #tpu.memory_space<hbm>>) target(%arg10 : memref<64x128xf32, #tpu.memory_space<vmem>>) target_semaphore(%run_scoped3A : memref<!tpu.dma_semaphore, #tpu.memory_space<semaphore_mem>>)
      tpu.wait_dma2 semaphore(%run_scoped3A : memref<!tpu.dma_semaphore, #tpu.memory_space<semaphore_mem>>) src(%arg5 : memref<64x128xf32, #tpu.memory_space<hbm>>) dst(%arg10 : memref<64x128xf32, #tpu.memory_space<vmem>>)
      tpu.yield
    }) : () -> ()
    %mul3A_1 = arith.constant 640 : i32
    %mul3A_2 = arith.muli %arg1, %mul3A_1 : i32
    %add3A_3 = arith.constant 0 : i32
    %add3A_4 = arith.addi %mul3A_2, %add3A_3 : i32
    "tpu.region"() ({
      %run_scoped3A = tpu.sem_alloc : memref<!tpu.dma_semaphore, #tpu.memory_space<semaphore_mem>>
      %dma_start3A = arith.constant 0 : i32
      %dma_start3A_53 = tpu.memref_slice %arg7[%add3A_4, %dma_start3A] : memref<10240x128xf32, #tpu.memory_space<vmem_shared>> -> memref<64x128xf32, #tpu.memory_space<vmem_shared>>
      %dma_start3A_54 = arith.constant 0 : i32
      %dma_start3A_55 = tpu.memref_slice %arg7[%add3A_4, %dma_start3A_54] : memref<10240x128xf32, #tpu.memory_space<vmem_shared>> -> memref<64x128xf32, #tpu.memory_space<vmem_shared>>
      tpu.enqueue_dma source(%arg10 : memref<64x128xf32, #tpu.memory_space<vmem>>) target(%dma_start3A_55 : memref<64x128xf32, #tpu.memory_space<vmem_shared>>) target_semaphore(%run_scoped3A : memref<!tpu.dma_semaphore, #tpu.memory_space<semaphore_mem>>)
      %dma_wait3A = arith.constant 0 : i32
      %dma_wait3A_56 = tpu.memref_slice %arg7[%add3A_4, %dma_wait3A] : memref<10240x128xf32, #tpu.memory_space<vmem_shared>> -> memref<64x128xf32, #tpu.memory_space<vmem_shared>>
      %dma_wait3A_57 = arith.constant 0 : i32
      %dma_wait3A_58 = tpu.memref_slice %arg7[%add3A_4, %dma_wait3A_57] : memref<10240x128xf32, #tpu.memory_space<vmem_shared>> -> memref<64x128xf32, #tpu.memory_space<vmem_shared>>
      tpu.wait_dma2 semaphore(%run_scoped3A : memref<!tpu.dma_semaphore, #tpu.memory_space<semaphore_mem>>) src(%arg10 : memref<64x128xf32, #tpu.memory_space<vmem>>) dst(%dma_wait3A_58 : memref<64x128xf32, #tpu.memory_space<vmem_shared>>)
      tpu.yield
    }) : () -> ()
    %mul3A_5 = arith.constant 640 : i32
    %mul3A_6 = arith.muli %arg1, %mul3A_5 : i32
    %add3A_7 = arith.constant 64 : i32
    %add3A_8 = arith.addi %mul3A_6, %add3A_7 : i32
    "tpu.region"() ({
      %run_scoped3A = tpu.sem_alloc : memref<!tpu.dma_semaphore, #tpu.memory_space<semaphore_mem>>
      %dma_start3A = arith.constant 0 : i32
      %dma_start3A_53 = tpu.memref_slice %arg7[%add3A_8, %dma_start3A] : memref<10240x128xf32, #tpu.memory_space<vmem_shared>> -> memref<64x128xf32, #tpu.memory_space<vmem_shared>>
      %dma_start3A_54 = arith.constant 0 : i32
      %dma_start3A_55 = tpu.memref_slice %arg7[%add3A_8, %dma_start3A_54] : memref<10240x128xf32, #tpu.memory_space<vmem_shared>> -> memref<64x128xf32, #tpu.memory_space<vmem_shared>>
      tpu.enqueue_dma source(%arg10 : memref<64x128xf32, #tpu.memory_space<vmem>>) target(%dma_start3A_55 : memref<64x128xf32, #tpu.memory_space<vmem_shared>>) target_semaphore(%run_scoped3A : memref<!tpu.dma_semaphore, #tpu.memory_space<semaphore_mem>>)
      %dma_wait3A = arith.constant 0 : i32
      %dma_wait3A_56 = tpu.memref_slice %arg7[%add3A_8, %dma_wait3A] : memref<10240x128xf32, #tpu.memory_space<vmem_shared>> -> memref<64x128xf32, #tpu.memory_space<vmem_shared>>
      %dma_wait3A_57 = arith.constant 0 : i32
      %dma_wait3A_58 = tpu.memref_slice %arg7[%add3A_8, %dma_wait3A_57] : memref<10240x128xf32, #tpu.memory_space<vmem_shared>> -> memref<64x128xf32, #tpu.memory_space<vmem_shared>>
      tpu.wait_dma2 semaphore(%run_scoped3A : memref<!tpu.dma_semaphore, #tpu.memory_space<semaphore_mem>>) src(%arg10 : memref<64x128xf32, #tpu.memory_space<vmem>>) dst(%dma_wait3A_58 : memref<64x128xf32, #tpu.memory_space<vmem_shared>>)
      tpu.yield
    }) : () -> ()
    %mul3A_9 = arith.constant 640 : i32
    %mul3A_10 = arith.muli %arg1, %mul3A_9 : i32
    %add3A_11 = arith.constant 128 : i32
    %add3A_12 = arith.addi %mul3A_10, %add3A_11 : i32
    "tpu.region"() ({
      %run_scoped3A = tpu.sem_alloc : memref<!tpu.dma_semaphore, #tpu.memory_space<semaphore_mem>>
      %dma_start3A = arith.constant 0 : i32
      %dma_start3A_53 = tpu.memref_slice %arg7[%add3A_12, %dma_start3A] : memref<10240x128xf32, #tpu.memory_space<vmem_shared>> -> memref<64x128xf32, #tpu.memory_space<vmem_shared>>
      %dma_start3A_54 = arith.constant 0 : i32
      %dma_start3A_55 = tpu.memref_slice %arg7[%add3A_12, %dma_start3A_54] : memref<10240x128xf32, #tpu.memory_space<vmem_shared>> -> memref<64x128xf32, #tpu.memory_space<vmem_shared>>
      tpu.enqueue_dma source(%arg10 : memref<64x128xf32, #tpu.memory_space<vmem>>) target(%dma_start3A_55 : memref<64x128xf32, #tpu.memory_space<vmem_shared>>) target_semaphore(%run_scoped3A : memref<!tpu.dma_semaphore, #tpu.memory_space<semaphore_mem>>)
      %dma_wait3A = arith.constant 0 : i32
      %dma_wait3A_56 = tpu.memref_slice %arg7[%add3A_12, %dma_wait3A] : memref<10240x128xf32, #tpu.memory_space<vmem_shared>> -> memref<64x128xf32, #tpu.memory_space<vmem_shared>>
      %dma_wait3A_57 = arith.constant 0 : i32
      %dma_wait3A_58 = tpu.memref_slice %arg7[%add3A_12, %dma_wait3A_57] : memref<10240x128xf32, #tpu.memory_space<vmem_shared>> -> memref<64x128xf32, #tpu.memory_space<vmem_shared>>
      tpu.wait_dma2 semaphore(%run_scoped3A : memref<!tpu.dma_semaphore, #tpu.memory_space<semaphore_mem>>) src(%arg10 : memref<64x128xf32, #tpu.memory_space<vmem>>) dst(%dma_wait3A_58 : memref<64x128xf32, #tpu.memory_space<vmem_shared>>)
      tpu.yield
    }) : () -> ()
    %mul3A_13 = arith.constant 640 : i32
    %mul3A_14 = arith.muli %arg1, %mul3A_13 : i32
    %add3A_15 = arith.constant 192 : i32
    %add3A_16 = arith.addi %mul3A_14, %add3A_15 : i32
    "tpu.region"() ({
      %run_scoped3A = tpu.sem_alloc : memref<!tpu.dma_semaphore, #tpu.memory_space<semaphore_mem>>
      %dma_start3A = arith.constant 0 : i32
      %dma_start3A_53 = tpu.memref_slice %arg7[%add3A_16, %dma_start3A] : memref<10240x128xf32, #tpu.memory_space<vmem_shared>> -> memref<64x128xf32, #tpu.memory_space<vmem_shared>>
      %dma_start3A_54 = arith.constant 0 : i32
      %dma_start3A_55 = tpu.memref_slice %arg7[%add3A_16, %dma_start3A_54] : memref<10240x128xf32, #tpu.memory_space<vmem_shared>> -> memref<64x128xf32, #tpu.memory_space<vmem_shared>>
      tpu.enqueue_dma source(%arg10 : memref<64x128xf32, #tpu.memory_space<vmem>>) target(%dma_start3A_55 : memref<64x128xf32, #tpu.memory_space<vmem_shared>>) target_semaphore(%run_scoped3A : memref<!tpu.dma_semaphore, #tpu.memory_space<semaphore_mem>>)
      %dma_wait3A = arith.constant 0 : i32
      %dma_wait3A_56 = tpu.memref_slice %arg7[%add3A_16, %dma_wait3A] : memref<10240x128xf32, #tpu.memory_space<vmem_shared>> -> memref<64x128xf32, #tpu.memory_space<vmem_shared>>
      %dma_wait3A_57 = arith.constant 0 : i32
      %dma_wait3A_58 = tpu.memref_slice %arg7[%add3A_16, %dma_wait3A_57] : memref<10240x128xf32, #tpu.memory_space<vmem_shared>> -> memref<64x128xf32, #tpu.memory_space<vmem_shared>>
      tpu.wait_dma2 semaphore(%run_scoped3A : memref<!tpu.dma_semaphore, #tpu.memory_space<semaphore_mem>>) src(%arg10 : memref<64x128xf32, #tpu.memory_space<vmem>>) dst(%dma_wait3A_58 : memref<64x128xf32, #tpu.memory_space<vmem_shared>>)
      tpu.yield
    }) : () -> ()
    %mul3A_17 = arith.constant 640 : i32
    %mul3A_18 = arith.muli %arg1, %mul3A_17 : i32
    %add3A_19 = arith.constant 256 : i32
    %add3A_20 = arith.addi %mul3A_18, %add3A_19 : i32
    "tpu.region"() ({
      %run_scoped3A = tpu.sem_alloc : memref<!tpu.dma_semaphore, #tpu.memory_space<semaphore_mem>>
      %dma_start3A = arith.constant 0 : i32
      %dma_start3A_53 = tpu.memref_slice %arg7[%add3A_20, %dma_start3A] : memref<10240x128xf32, #tpu.memory_space<vmem_shared>> -> memref<64x128xf32, #tpu.memory_space<vmem_shared>>
      %dma_start3A_54 = arith.constant 0 : i32
      %dma_start3A_55 = tpu.memref_slice %arg7[%add3A_20, %dma_start3A_54] : memref<10240x128xf32, #tpu.memory_space<vmem_shared>> -> memref<64x128xf32, #tpu.memory_space<vmem_shared>>
      tpu.enqueue_dma source(%arg10 : memref<64x128xf32, #tpu.memory_space<vmem>>) target(%dma_start3A_55 : memref<64x128xf32, #tpu.memory_space<vmem_shared>>) target_semaphore(%run_scoped3A : memref<!tpu.dma_semaphore, #tpu.memory_space<semaphore_mem>>)
      %dma_wait3A = arith.constant 0 : i32
      %dma_wait3A_56 = tpu.memref_slice %arg7[%add3A_20, %dma_wait3A] : memref<10240x128xf32, #tpu.memory_space<vmem_shared>> -> memref<64x128xf32, #tpu.memory_space<vmem_shared>>
      %dma_wait3A_57 = arith.constant 0 : i32
      %dma_wait3A_58 = tpu.memref_slice %arg7[%add3A_20, %dma_wait3A_57] : memref<10240x128xf32, #tpu.memory_space<vmem_shared>> -> memref<64x128xf32, #tpu.memory_space<vmem_shared>>
      tpu.wait_dma2 semaphore(%run_scoped3A : memref<!tpu.dma_semaphore, #tpu.memory_space<semaphore_mem>>) src(%arg10 : memref<64x128xf32, #tpu.memory_space<vmem>>) dst(%dma_wait3A_58 : memref<64x128xf32, #tpu.memory_space<vmem_shared>>)
      tpu.yield
    }) : () -> ()
    %mul3A_21 = arith.constant 640 : i32
    %mul3A_22 = arith.muli %arg1, %mul3A_21 : i32
    %add3A_23 = arith.constant 320 : i32
    %add3A_24 = arith.addi %mul3A_22, %add3A_23 : i32
    "tpu.region"() ({
      %run_scoped3A = tpu.sem_alloc : memref<!tpu.dma_semaphore, #tpu.memory_space<semaphore_mem>>
      %dma_start3A = arith.constant 0 : i32
      %dma_start3A_53 = tpu.memref_slice %arg7[%add3A_24, %dma_start3A] : memref<10240x128xf32, #tpu.memory_space<vmem_shared>> -> memref<64x128xf32, #tpu.memory_space<vmem_shared>>
      %dma_start3A_54 = arith.constant 0 : i32
      %dma_start3A_55 = tpu.memref_slice %arg7[%add3A_24, %dma_start3A_54] : memref<10240x128xf32, #tpu.memory_space<vmem_shared>> -> memref<64x128xf32, #tpu.memory_space<vmem_shared>>
      tpu.enqueue_dma source(%arg10 : memref<64x128xf32, #tpu.memory_space<vmem>>) target(%dma_start3A_55 : memref<64x128xf32, #tpu.memory_space<vmem_shared>>) target_semaphore(%run_scoped3A : memref<!tpu.dma_semaphore, #tpu.memory_space<semaphore_mem>>)
      %dma_wait3A = arith.constant 0 : i32
      %dma_wait3A_56 = tpu.memref_slice %arg7[%add3A_24, %dma_wait3A] : memref<10240x128xf32, #tpu.memory_space<vmem_shared>> -> memref<64x128xf32, #tpu.memory_space<vmem_shared>>
      %dma_wait3A_57 = arith.constant 0 : i32
      %dma_wait3A_58 = tpu.memref_slice %arg7[%add3A_24, %dma_wait3A_57] : memref<10240x128xf32, #tpu.memory_space<vmem_shared>> -> memref<64x128xf32, #tpu.memory_space<vmem_shared>>
      tpu.wait_dma2 semaphore(%run_scoped3A : memref<!tpu.dma_semaphore, #tpu.memory_space<semaphore_mem>>) src(%arg10 : memref<64x128xf32, #tpu.memory_space<vmem>>) dst(%dma_wait3A_58 : memref<64x128xf32, #tpu.memory_space<vmem_shared>>)
      tpu.yield
    }) : () -> ()
    %mul3A_25 = arith.constant 640 : i32
    %mul3A_26 = arith.muli %arg1, %mul3A_25 : i32
    %add3A_27 = arith.constant 384 : i32
    %add3A_28 = arith.addi %mul3A_26, %add3A_27 : i32
    "tpu.region"() ({
      %run_scoped3A = tpu.sem_alloc : memref<!tpu.dma_semaphore, #tpu.memory_space<semaphore_mem>>
      %dma_start3A = arith.constant 0 : i32
      %dma_start3A_53 = tpu.memref_slice %arg7[%add3A_28, %dma_start3A] : memref<10240x128xf32, #tpu.memory_space<vmem_shared>> -> memref<64x128xf32, #tpu.memory_space<vmem_shared>>
      %dma_start3A_54 = arith.constant 0 : i32
      %dma_start3A_55 = tpu.memref_slice %arg7[%add3A_28, %dma_start3A_54] : memref<10240x128xf32, #tpu.memory_space<vmem_shared>> -> memref<64x128xf32, #tpu.memory_space<vmem_shared>>
      tpu.enqueue_dma source(%arg10 : memref<64x128xf32, #tpu.memory_space<vmem>>) target(%dma_start3A_55 : memref<64x128xf32, #tpu.memory_space<vmem_shared>>) target_semaphore(%run_scoped3A : memref<!tpu.dma_semaphore, #tpu.memory_space<semaphore_mem>>)
      %dma_wait3A = arith.constant 0 : i32
      %dma_wait3A_56 = tpu.memref_slice %arg7[%add3A_28, %dma_wait3A] : memref<10240x128xf32, #tpu.memory_space<vmem_shared>> -> memref<64x128xf32, #tpu.memory_space<vmem_shared>>
      %dma_wait3A_57 = arith.constant 0 : i32
      %dma_wait3A_58 = tpu.memref_slice %arg7[%add3A_28, %dma_wait3A_57] : memref<10240x128xf32, #tpu.memory_space<vmem_shared>> -> memref<64x128xf32, #tpu.memory_space<vmem_shared>>
      tpu.wait_dma2 semaphore(%run_scoped3A : memref<!tpu.dma_semaphore, #tpu.memory_space<semaphore_mem>>) src(%arg10 : memref<64x128xf32, #tpu.memory_space<vmem>>) dst(%dma_wait3A_58 : memref<64x128xf32, #tpu.memory_space<vmem_shared>>)
      tpu.yield
    }) : () -> ()
    %mul3A_29 = arith.constant 640 : i32
    %mul3A_30 = arith.muli %arg1, %mul3A_29 : i32
    %add3A_31 = arith.constant 448 : i32
    %add3A_32 = arith.addi %mul3A_30, %add3A_31 : i32
    "tpu.region"() ({
      %run_scoped3A = tpu.sem_alloc : memref<!tpu.dma_semaphore, #tpu.memory_space<semaphore_mem>>
      %dma_start3A = arith.constant 0 : i32
      %dma_start3A_53 = tpu.memref_slice %arg7[%add3A_32, %dma_start3A] : memref<10240x128xf32, #tpu.memory_space<vmem_shared>> -> memref<64x128xf32, #tpu.memory_space<vmem_shared>>
      %dma_start3A_54 = arith.constant 0 : i32
      %dma_start3A_55 = tpu.memref_slice %arg7[%add3A_32, %dma_start3A_54] : memref<10240x128xf32, #tpu.memory_space<vmem_shared>> -> memref<64x128xf32, #tpu.memory_space<vmem_shared>>
      tpu.enqueue_dma source(%arg10 : memref<64x128xf32, #tpu.memory_space<vmem>>) target(%dma_start3A_55 : memref<64x128xf32, #tpu.memory_space<vmem_shared>>) target_semaphore(%run_scoped3A : memref<!tpu.dma_semaphore, #tpu.memory_space<semaphore_mem>>)
      %dma_wait3A = arith.constant 0 : i32
      %dma_wait3A_56 = tpu.memref_slice %arg7[%add3A_32, %dma_wait3A] : memref<10240x128xf32, #tpu.memory_space<vmem_shared>> -> memref<64x128xf32, #tpu.memory_space<vmem_shared>>
      %dma_wait3A_57 = arith.constant 0 : i32
      %dma_wait3A_58 = tpu.memref_slice %arg7[%add3A_32, %dma_wait3A_57] : memref<10240x128xf32, #tpu.memory_space<vmem_shared>> -> memref<64x128xf32, #tpu.memory_space<vmem_shared>>
      tpu.wait_dma2 semaphore(%run_scoped3A : memref<!tpu.dma_semaphore, #tpu.memory_space<semaphore_mem>>) src(%arg10 : memref<64x128xf32, #tpu.memory_space<vmem>>) dst(%dma_wait3A_58 : memref<64x128xf32, #tpu.memory_space<vmem_shared>>)
      tpu.yield
    }) : () -> ()
    %mul3A_33 = arith.constant 640 : i32
    %mul3A_34 = arith.muli %arg1, %mul3A_33 : i32
    %add3A_35 = arith.constant 512 : i32
    %add3A_36 = arith.addi %mul3A_34, %add3A_35 : i32
    "tpu.region"() ({
      %run_scoped3A = tpu.sem_alloc : memref<!tpu.dma_semaphore, #tpu.memory_space<semaphore_mem>>
      %dma_start3A = arith.constant 0 : i32
      %dma_start3A_53 = tpu.memref_slice %arg7[%add3A_36, %dma_start3A] : memref<10240x128xf32, #tpu.memory_space<vmem_shared>> -> memref<64x128xf32, #tpu.memory_space<vmem_shared>>
      %dma_start3A_54 = arith.constant 0 : i32
      %dma_start3A_55 = tpu.memref_slice %arg7[%add3A_36, %dma_start3A_54] : memref<10240x128xf32, #tpu.memory_space<vmem_shared>> -> memref<64x128xf32, #tpu.memory_space<vmem_shared>>
      tpu.enqueue_dma source(%arg10 : memref<64x128xf32, #tpu.memory_space<vmem>>) target(%dma_start3A_55 : memref<64x128xf32, #tpu.memory_space<vmem_shared>>) target_semaphore(%run_scoped3A : memref<!tpu.dma_semaphore, #tpu.memory_space<semaphore_mem>>)
      %dma_wait3A = arith.constant 0 : i32
      %dma_wait3A_56 = tpu.memref_slice %arg7[%add3A_36, %dma_wait3A] : memref<10240x128xf32, #tpu.memory_space<vmem_shared>> -> memref<64x128xf32, #tpu.memory_space<vmem_shared>>
      %dma_wait3A_57 = arith.constant 0 : i32
      %dma_wait3A_58 = tpu.memref_slice %arg7[%add3A_36, %dma_wait3A_57] : memref<10240x128xf32, #tpu.memory_space<vmem_shared>> -> memref<64x128xf32, #tpu.memory_space<vmem_shared>>
      tpu.wait_dma2 semaphore(%run_scoped3A : memref<!tpu.dma_semaphore, #tpu.memory_space<semaphore_mem>>) src(%arg10 : memref<64x128xf32, #tpu.memory_space<vmem>>) dst(%dma_wait3A_58 : memref<64x128xf32, #tpu.memory_space<vmem_shared>>)
      tpu.yield
    }) : () -> ()
    %mul3A_37 = arith.constant 640 : i32
    %mul3A_38 = arith.muli %arg1, %mul3A_37 : i32
    %add3A_39 = arith.constant 576 : i32
    %add3A_40 = arith.addi %mul3A_38, %add3A_39 : i32
    "tpu.region"() ({
      %run_scoped3A = tpu.sem_alloc : memref<!tpu.dma_semaphore, #tpu.memory_space<semaphore_mem>>
      %dma_start3A = arith.constant 0 : i32
      %dma_start3A_53 = tpu.memref_slice %arg7[%add3A_40, %dma_start3A] : memref<10240x128xf32, #tpu.memory_space<vmem_shared>> -> memref<64x128xf32, #tpu.memory_space<vmem_shared>>
      %dma_start3A_54 = arith.constant 0 : i32
      %dma_start3A_55 = tpu.memref_slice %arg7[%add3A_40, %dma_start3A_54] : memref<10240x128xf32, #tpu.memory_space<vmem_shared>> -> memref<64x128xf32, #tpu.memory_space<vmem_shared>>
      tpu.enqueue_dma source(%arg10 : memref<64x128xf32, #tpu.memory_space<vmem>>) target(%dma_start3A_55 : memref<64x128xf32, #tpu.memory_space<vmem_shared>>) target_semaphore(%run_scoped3A : memref<!tpu.dma_semaphore, #tpu.memory_space<semaphore_mem>>)
      %dma_wait3A = arith.constant 0 : i32
      %dma_wait3A_56 = tpu.memref_slice %arg7[%add3A_40, %dma_wait3A] : memref<10240x128xf32, #tpu.memory_space<vmem_shared>> -> memref<64x128xf32, #tpu.memory_space<vmem_shared>>
      %dma_wait3A_57 = arith.constant 0 : i32
      %dma_wait3A_58 = tpu.memref_slice %arg7[%add3A_40, %dma_wait3A_57] : memref<10240x128xf32, #tpu.memory_space<vmem_shared>> -> memref<64x128xf32, #tpu.memory_space<vmem_shared>>
      tpu.wait_dma2 semaphore(%run_scoped3A : memref<!tpu.dma_semaphore, #tpu.memory_space<semaphore_mem>>) src(%arg10 : memref<64x128xf32, #tpu.memory_space<vmem>>) dst(%dma_wait3A_58 : memref<64x128xf32, #tpu.memory_space<vmem_shared>>)
      tpu.yield
    }) : () -> ()
    %barrier3A = arith.constant 0 : index
    tpu.barrier barrier_id(%barrier3A)
    %scan3A = arith.constant 0 : i32
    %scan3A_41 = arith.constant 158 : i32
    %scan3A_42 = arith.addi %scan3A, %scan3A_41 : i32
    %scan3A_43 = arith.constant 1 : i32
    scf.for %scan3A_53 = %scan3A to %scan3A_42 step %scan3A_43  : i32 {
      %mul3A_54 = arith.constant 1 : i32
      %mul3A_55 = arith.muli %scan3A_53, %mul3A_54 : i32
      %add3A_56 = arith.constant 0 : i32
      %add3A_57 = arith.addi %add3A_56, %mul3A_55 : i32
      %mul3A_58 = arith.constant 10112 : i32
      %mul3A_59 = arith.muli %add3A, %mul3A_58 : i32
      %mul3A_60 = arith.constant 64 : i32
      %mul3A_61 = arith.muli %add3A_57, %mul3A_60 : i32
      %add3A_62 = arith.addi %mul3A_59, %mul3A_61 : i32
      "tpu.region"() ({
        %run_scoped3A = tpu.sem_alloc : memref<!tpu.dma_semaphore, #tpu.memory_space<semaphore_mem>>
        %dma_start3A_67 = tpu.memref_slice %arg3[%add3A_62] : memref<323584xi32, #tpu.memory_space<hbm>> -> memref<64xi32, #tpu.memory_space<hbm>>
        %dma_start3A_68 = tpu.memref_slice %arg3[%add3A_62] : memref<323584xi32, #tpu.memory_space<hbm>> -> memref<64xi32, #tpu.memory_space<hbm>>
        tpu.enqueue_dma source(%dma_start3A_68 : memref<64xi32, #tpu.memory_space<hbm>>) target(%arg8 : memref<64xi32, #tpu.memory_space<vmem>>) target_semaphore(%run_scoped3A : memref<!tpu.dma_semaphore, #tpu.memory_space<semaphore_mem>>)
        %dma_wait3A_69 = tpu.memref_slice %arg3[%add3A_62] : memref<323584xi32, #tpu.memory_space<hbm>> -> memref<64xi32, #tpu.memory_space<hbm>>
        %dma_wait3A_70 = tpu.memref_slice %arg3[%add3A_62] : memref<323584xi32, #tpu.memory_space<hbm>> -> memref<64xi32, #tpu.memory_space<hbm>>
        tpu.wait_dma2 semaphore(%run_scoped3A : memref<!tpu.dma_semaphore, #tpu.memory_space<semaphore_mem>>) src(%dma_wait3A_70 : memref<64xi32, #tpu.memory_space<hbm>>) dst(%arg8 : memref<64xi32, #tpu.memory_space<vmem>>)
        tpu.yield
      }) : () -> ()
      "tpu.region"() ({
        %run_scoped3A = tpu.sem_alloc : memref<!tpu.dma_semaphore, #tpu.memory_space<semaphore_mem>>
        %dma_start3A_67 = tpu.memref_slice %arg4[%add3A_62] : memref<323584xi32, #tpu.memory_space<hbm>> -> memref<64xi32, #tpu.memory_space<hbm>>
        %dma_start3A_68 = tpu.memref_slice %arg4[%add3A_62] : memref<323584xi32, #tpu.memory_space<hbm>> -> memref<64xi32, #tpu.memory_space<hbm>>
        tpu.enqueue_dma source(%dma_start3A_68 : memref<64xi32, #tpu.memory_space<hbm>>) target(%arg9 : memref<64xi32, #tpu.memory_space<vmem>>) target_semaphore(%run_scoped3A : memref<!tpu.dma_semaphore, #tpu.memory_space<semaphore_mem>>)
        %dma_wait3A_69 = tpu.memref_slice %arg4[%add3A_62] : memref<323584xi32, #tpu.memory_space<hbm>> -> memref<64xi32, #tpu.memory_space<hbm>>
        %dma_wait3A_70 = tpu.memref_slice %arg4[%add3A_62] : memref<323584xi32, #tpu.memory_space<hbm>> -> memref<64xi32, #tpu.memory_space<hbm>>
        tpu.wait_dma2 semaphore(%run_scoped3A : memref<!tpu.dma_semaphore, #tpu.memory_space<semaphore_mem>>) src(%dma_wait3A_70 : memref<64xi32, #tpu.memory_space<hbm>>) dst(%arg9 : memref<64xi32, #tpu.memory_space<vmem>>)
        tpu.yield
      }) : () -> ()
      %dma_start3A = arith.constant 0 : i32
      %dma_start3A_63 = arith.constant 0 : i32
      %dma_start3A_64 = tpu.memref_slice %arg2[%dma_start3A, %dma_start3A_63] : memref<10240x128xf32, #tpu.memory_space<hbm>> -> memref<10240x128xf32, #tpu.memory_space<hbm>>
      tpu.enqueue_indirect_dma source(%dma_start3A_64 : memref<10240x128xf32, #tpu.memory_space<hbm>>) target(%arg10 : memref<64x128xf32, #tpu.memory_space<vmem>>) offsets(%arg8 : memref<64xi32, #tpu.memory_space<vmem>>) semaphore(%arg11 : memref<!tpu.dma_semaphore, #tpu.memory_space<semaphore_mem>>)
      %dma_wait3A = arith.constant 0 : i32
      %dma_wait3A_65 = arith.constant 0 : i32
      %dma_wait3A_66 = tpu.memref_slice %arg2[%dma_wait3A, %dma_wait3A_65] : memref<10240x128xf32, #tpu.memory_space<hbm>> -> memref<10240x128xf32, #tpu.memory_space<hbm>>
      tpu.wait_indirect_dma semaphore(%arg11 : memref<!tpu.dma_semaphore, #tpu.memory_space<semaphore_mem>>) src(%dma_wait3A_66 : memref<10240x128xf32, #tpu.memory_space<hbm>>) dst(%arg10 : memref<64x128xf32, #tpu.memory_space<vmem>>)
      "tpu.region"() ({
        %run_scoped3A = tpu.sem_alloc : memref<!tpu.dma_semaphore, #tpu.memory_space<semaphore_mem>>
        %dma_start3A_67 = arith.constant 0 : i32
        %dma_start3A_68 = arith.constant 0 : i32
        %dma_start3A_69 = tpu.memref_slice %arg7[%dma_start3A_67, %dma_start3A_68] : memref<10240x128xf32, #tpu.memory_space<vmem_shared>> -> memref<10240x128xf32, #tpu.memory_space<vmem_shared>>
        tpu.enqueue_indirect_dma source(%arg10 : memref<64x128xf32, #tpu.memory_space<vmem>>) target(%dma_start3A_69 : memref<10240x128xf32, #tpu.memory_space<vmem_shared>>) offsets(%arg9 : memref<64xi32, #tpu.memory_space<vmem>>) semaphore(%run_scoped3A : memref<!tpu.dma_semaphore, #tpu.memory_space<semaphore_mem>>) {add = true}
        %dma_wait3A_70 = arith.constant 0 : i32
        %dma_wait3A_71 = arith.constant 0 : i32
        %dma_wait3A_72 = tpu.memref_slice %arg7[%dma_wait3A_70, %dma_wait3A_71] : memref<10240x128xf32, #tpu.memory_space<vmem_shared>> -> memref<10240x128xf32, #tpu.memory_space<vmem_shared>>
        tpu.wait_indirect_dma semaphore(%run_scoped3A : memref<!tpu.dma_semaphore, #tpu.memory_space<semaphore_mem>>) src(%arg10 : memref<64x128xf32, #tpu.memory_space<vmem>>) dst(%dma_wait3A_72 : memref<10240x128xf32, #tpu.memory_space<vmem_shared>>)
        tpu.yield
      }) : () -> ()
    }
    %scan3A_44 = arith.constant 158 : i32
    %barrier3A_45 = arith.constant 0 : index
    tpu.barrier barrier_id(%barrier3A_45)
    %mul3A_46 = arith.constant 640 : i32
    %mul3A_47 = arith.muli %arg1, %mul3A_46 : i32
    %mul3A_48 = arith.constant 10240 : i32
    %mul3A_49 = arith.muli %arg0, %mul3A_48 : i32
    %mul3A_50 = arith.constant 640 : i32
    %mul3A_51 = arith.muli %arg1, %mul3A_50 : i32
    %add3A_52 = arith.addi %mul3A_49, %mul3A_51 : i32
    "tpu.region"() ({
      %run_scoped3A = tpu.sem_alloc : memref<!tpu.dma_semaphore, #tpu.memory_space<semaphore_mem>>
      %dma_start3A = arith.constant 0 : i32
      %dma_start3A_53 = tpu.memref_slice %arg6[%add3A_52, %dma_start3A] : memref<20480x128xf32, #tpu.memory_space<hbm>> -> memref<640x128xf32, #tpu.memory_space<hbm>>
      %dma_start3A_54 = arith.constant 0 : i32
      %dma_start3A_55 = tpu.memref_slice %arg7[%mul3A_47, %dma_start3A_54] : memref<10240x128xf32, #tpu.memory_space<vmem_shared>> -> memref<640x128xf32, #tpu.memory_space<vmem_shared>>
      tpu.enqueue_dma source(%dma_start3A_55 : memref<640x128xf32, #tpu.memory_space<vmem_shared>>) target(%dma_start3A_53 : memref<640x128xf32, #tpu.memory_space<hbm>>) target_semaphore(%run_scoped3A : memref<!tpu.dma_semaphore, #tpu.memory_space<semaphore_mem>>)
      %dma_wait3A = arith.constant 0 : i32
      %dma_wait3A_56 = tpu.memref_slice %arg6[%add3A_52, %dma_wait3A] : memref<20480x128xf32, #tpu.memory_space<hbm>> -> memref<640x128xf32, #tpu.memory_space<hbm>>
      %dma_wait3A_57 = arith.constant 0 : i32
      %dma_wait3A_58 = tpu.memref_slice %arg7[%mul3A_47, %dma_wait3A_57] : memref<10240x128xf32, #tpu.memory_space<vmem_shared>> -> memref<640x128xf32, #tpu.memory_space<vmem_shared>>
      tpu.wait_dma2 semaphore(%run_scoped3A : memref<!tpu.dma_semaphore, #tpu.memory_space<semaphore_mem>>) src(%dma_wait3A_58 : memref<640x128xf32, #tpu.memory_space<vmem_shared>>) dst(%dma_wait3A_56 : memref<640x128xf32, #tpu.memory_space<hbm>>)
      tpu.yield
    }) : () -> ()
    return
  }
}

#map = affine_map<(d0, d1) -> (0, 0)>
#map1 = affine_map<(d0, d1) -> (0)>
module attributes {stable_mosaic.version = 14 : i64} {
  func.func @k(%arg0: i32, %arg1: i32, %arg2: memref<10240x128xf32, #tpu.memory_space<hbm>>, %arg3: memref<323584xi32, #tpu.memory_space<hbm>>, %arg4: memref<323584xi32, #tpu.memory_space<hbm>>, %arg5: memref<64x128xf32, #tpu.memory_space<hbm>>, %arg6: memref<20480x128xf32, #tpu.memory_space<hbm>>, %arg7: memref<10240x128xf32, #tpu.memory_space<vmem_shared>>, %arg8: memref<64xi32, #tpu.memory_space<vmem>>, %arg9: memref<64xi32, #tpu.memory_space<vmem>>, %arg10: memref<64x128xf32, #tpu.memory_space<vmem>>, %arg11: memref<!tpu.dma_semaphore, #tpu.memory_space<semaphore_mem>>) attributes {dimension_semantics = [#tpu.dimension_semantics<core_parallel>, #tpu.dimension_semantics<subcore_parallel>], iteration_bounds = array<i64: 2, 16>, scalar_prefetch = 0 : i64, scratch_operands = 5 : i64, tpu.core_type = #tpu.core_type<sc_vector_subcore>, window_params = [{transform_indices = #map}, {transform_indices = #map1}, {transform_indices = #map1}, {transform_indices = #map}, {transform_indices = #map}]} {
    %mul3A = arith.constant 16 : i32
    %mul3A_0 = arith.muli %arg0, %mul3A : i32
    %add3A = arith.addi %mul3A_0, %arg1 : i32
    "tpu.region"() ({
      %run_scoped3A = tpu.sem_alloc : memref<!tpu.dma_semaphore, #tpu.memory_space<semaphore_mem>>
      tpu.enqueue_dma source(%arg5 : memref<64x128xf32, #tpu.memory_space<hbm>>) target(%arg10 : memref<64x128xf32, #tpu.memory_space<vmem>>) target_semaphore(%run_scoped3A : memref<!tpu.dma_semaphore, #tpu.memory_space<semaphore_mem>>)
      tpu.wait_dma2 semaphore(%run_scoped3A : memref<!tpu.dma_semaphore, #tpu.memory_space<semaphore_mem>>) src(%arg5 : memref<64x128xf32, #tpu.memory_space<hbm>>) dst(%arg10 : memref<64x128xf32, #tpu.memory_space<vmem>>)
      tpu.yield
    }) : () -> ()
    %mul3A_1 = arith.constant 640 : i32
    %mul3A_2 = arith.muli %arg1, %mul3A_1 : i32
    %add3A_3 = arith.constant 0 : i32
    %add3A_4 = arith.addi %mul3A_2, %add3A_3 : i32
    "tpu.region"() ({
      %run_scoped3A = tpu.sem_alloc : memref<!tpu.dma_semaphore, #tpu.memory_space<semaphore_mem>>
      %dma_start3A = arith.constant 0 : i32
      %dma_start3A_53 = tpu.memref_slice %arg7[%add3A_4, %dma_start3A] : memref<10240x128xf32, #tpu.memory_space<vmem_shared>> -> memref<64x128xf32, #tpu.memory_space<vmem_shared>>
      %dma_start3A_54 = arith.constant 0 : i32
      %dma_start3A_55 = tpu.memref_slice %arg7[%add3A_4, %dma_start3A_54] : memref<10240x128xf32, #tpu.memory_space<vmem_shared>> -> memref<64x128xf32, #tpu.memory_space<vmem_shared>>
      tpu.enqueue_dma source(%arg10 : memref<64x128xf32, #tpu.memory_space<vmem>>) target(%dma_start3A_55 : memref<64x128xf32, #tpu.memory_space<vmem_shared>>) target_semaphore(%run_scoped3A : memref<!tpu.dma_semaphore, #tpu.memory_space<semaphore_mem>>)
      %dma_wait3A = arith.constant 0 : i32
      %dma_wait3A_56 = tpu.memref_slice %arg7[%add3A_4, %dma_wait3A] : memref<10240x128xf32, #tpu.memory_space<vmem_shared>> -> memref<64x128xf32, #tpu.memory_space<vmem_shared>>
      %dma_wait3A_57 = arith.constant 0 : i32
      %dma_wait3A_58 = tpu.memref_slice %arg7[%add3A_4, %dma_wait3A_57] : memref<10240x128xf32, #tpu.memory_space<vmem_shared>> -> memref<64x128xf32, #tpu.memory_space<vmem_shared>>
      tpu.wait_dma2 semaphore(%run_scoped3A : memref<!tpu.dma_semaphore, #tpu.memory_space<semaphore_mem>>) src(%arg10 : memref<64x128xf32, #tpu.memory_space<vmem>>) dst(%dma_wait3A_58 : memref<64x128xf32, #tpu.memory_space<vmem_shared>>)
      tpu.yield
    }) : () -> ()
    %mul3A_5 = arith.constant 640 : i32
    %mul3A_6 = arith.muli %arg1, %mul3A_5 : i32
    %add3A_7 = arith.constant 64 : i32
    %add3A_8 = arith.addi %mul3A_6, %add3A_7 : i32
    "tpu.region"() ({
      %run_scoped3A = tpu.sem_alloc : memref<!tpu.dma_semaphore, #tpu.memory_space<semaphore_mem>>
      %dma_start3A = arith.constant 0 : i32
      %dma_start3A_53 = tpu.memref_slice %arg7[%add3A_8, %dma_start3A] : memref<10240x128xf32, #tpu.memory_space<vmem_shared>> -> memref<64x128xf32, #tpu.memory_space<vmem_shared>>
      %dma_start3A_54 = arith.constant 0 : i32
      %dma_start3A_55 = tpu.memref_slice %arg7[%add3A_8, %dma_start3A_54] : memref<10240x128xf32, #tpu.memory_space<vmem_shared>> -> memref<64x128xf32, #tpu.memory_space<vmem_shared>>
      tpu.enqueue_dma source(%arg10 : memref<64x128xf32, #tpu.memory_space<vmem>>) target(%dma_start3A_55 : memref<64x128xf32, #tpu.memory_space<vmem_shared>>) target_semaphore(%run_scoped3A : memref<!tpu.dma_semaphore, #tpu.memory_space<semaphore_mem>>)
      %dma_wait3A = arith.constant 0 : i32
      %dma_wait3A_56 = tpu.memref_slice %arg7[%add3A_8, %dma_wait3A] : memref<10240x128xf32, #tpu.memory_space<vmem_shared>> -> memref<64x128xf32, #tpu.memory_space<vmem_shared>>
      %dma_wait3A_57 = arith.constant 0 : i32
      %dma_wait3A_58 = tpu.memref_slice %arg7[%add3A_8, %dma_wait3A_57] : memref<10240x128xf32, #tpu.memory_space<vmem_shared>> -> memref<64x128xf32, #tpu.memory_space<vmem_shared>>
      tpu.wait_dma2 semaphore(%run_scoped3A : memref<!tpu.dma_semaphore, #tpu.memory_space<semaphore_mem>>) src(%arg10 : memref<64x128xf32, #tpu.memory_space<vmem>>) dst(%dma_wait3A_58 : memref<64x128xf32, #tpu.memory_space<vmem_shared>>)
      tpu.yield
    }) : () -> ()
    %mul3A_9 = arith.constant 640 : i32
    %mul3A_10 = arith.muli %arg1, %mul3A_9 : i32
    %add3A_11 = arith.constant 128 : i32
    %add3A_12 = arith.addi %mul3A_10, %add3A_11 : i32
    "tpu.region"() ({
      %run_scoped3A = tpu.sem_alloc : memref<!tpu.dma_semaphore, #tpu.memory_space<semaphore_mem>>
      %dma_start3A = arith.constant 0 : i32
      %dma_start3A_53 = tpu.memref_slice %arg7[%add3A_12, %dma_start3A] : memref<10240x128xf32, #tpu.memory_space<vmem_shared>> -> memref<64x128xf32, #tpu.memory_space<vmem_shared>>
      %dma_start3A_54 = arith.constant 0 : i32
      %dma_start3A_55 = tpu.memref_slice %arg7[%add3A_12, %dma_start3A_54] : memref<10240x128xf32, #tpu.memory_space<vmem_shared>> -> memref<64x128xf32, #tpu.memory_space<vmem_shared>>
      tpu.enqueue_dma source(%arg10 : memref<64x128xf32, #tpu.memory_space<vmem>>) target(%dma_start3A_55 : memref<64x128xf32, #tpu.memory_space<vmem_shared>>) target_semaphore(%run_scoped3A : memref<!tpu.dma_semaphore, #tpu.memory_space<semaphore_mem>>)
      %dma_wait3A = arith.constant 0 : i32
      %dma_wait3A_56 = tpu.memref_slice %arg7[%add3A_12, %dma_wait3A] : memref<10240x128xf32, #tpu.memory_space<vmem_shared>> -> memref<64x128xf32, #tpu.memory_space<vmem_shared>>
      %dma_wait3A_57 = arith.constant 0 : i32
      %dma_wait3A_58 = tpu.memref_slice %arg7[%add3A_12, %dma_wait3A_57] : memref<10240x128xf32, #tpu.memory_space<vmem_shared>> -> memref<64x128xf32, #tpu.memory_space<vmem_shared>>
      tpu.wait_dma2 semaphore(%run_scoped3A : memref<!tpu.dma_semaphore, #tpu.memory_space<semaphore_mem>>) src(%arg10 : memref<64x128xf32, #tpu.memory_space<vmem>>) dst(%dma_wait3A_58 : memref<64x128xf32, #tpu.memory_space<vmem_shared>>)
      tpu.yield
    }) : () -> ()
    %mul3A_13 = arith.constant 640 : i32
    %mul3A_14 = arith.muli %arg1, %mul3A_13 : i32
    %add3A_15 = arith.constant 192 : i32
    %add3A_16 = arith.addi %mul3A_14, %add3A_15 : i32
    "tpu.region"() ({
      %run_scoped3A = tpu.sem_alloc : memref<!tpu.dma_semaphore, #tpu.memory_space<semaphore_mem>>
      %dma_start3A = arith.constant 0 : i32
      %dma_start3A_53 = tpu.memref_slice %arg7[%add3A_16, %dma_start3A] : memref<10240x128xf32, #tpu.memory_space<vmem_shared>> -> memref<64x128xf32, #tpu.memory_space<vmem_shared>>
      %dma_start3A_54 = arith.constant 0 : i32
      %dma_start3A_55 = tpu.memref_slice %arg7[%add3A_16, %dma_start3A_54] : memref<10240x128xf32, #tpu.memory_space<vmem_shared>> -> memref<64x128xf32, #tpu.memory_space<vmem_shared>>
      tpu.enqueue_dma source(%arg10 : memref<64x128xf32, #tpu.memory_space<vmem>>) target(%dma_start3A_55 : memref<64x128xf32, #tpu.memory_space<vmem_shared>>) target_semaphore(%run_scoped3A : memref<!tpu.dma_semaphore, #tpu.memory_space<semaphore_mem>>)
      %dma_wait3A = arith.constant 0 : i32
      %dma_wait3A_56 = tpu.memref_slice %arg7[%add3A_16, %dma_wait3A] : memref<10240x128xf32, #tpu.memory_space<vmem_shared>> -> memref<64x128xf32, #tpu.memory_space<vmem_shared>>
      %dma_wait3A_57 = arith.constant 0 : i32
      %dma_wait3A_58 = tpu.memref_slice %arg7[%add3A_16, %dma_wait3A_57] : memref<10240x128xf32, #tpu.memory_space<vmem_shared>> -> memref<64x128xf32, #tpu.memory_space<vmem_shared>>
      tpu.wait_dma2 semaphore(%run_scoped3A : memref<!tpu.dma_semaphore, #tpu.memory_space<semaphore_mem>>) src(%arg10 : memref<64x128xf32, #tpu.memory_space<vmem>>) dst(%dma_wait3A_58 : memref<64x128xf32, #tpu.memory_space<vmem_shared>>)
      tpu.yield
    }) : () -> ()
    %mul3A_17 = arith.constant 640 : i32
    %mul3A_18 = arith.muli %arg1, %mul3A_17 : i32
    %add3A_19 = arith.constant 256 : i32
    %add3A_20 = arith.addi %mul3A_18, %add3A_19 : i32
    "tpu.region"() ({
      %run_scoped3A = tpu.sem_alloc : memref<!tpu.dma_semaphore, #tpu.memory_space<semaphore_mem>>
      %dma_start3A = arith.constant 0 : i32
      %dma_start3A_53 = tpu.memref_slice %arg7[%add3A_20, %dma_start3A] : memref<10240x128xf32, #tpu.memory_space<vmem_shared>> -> memref<64x128xf32, #tpu.memory_space<vmem_shared>>
      %dma_start3A_54 = arith.constant 0 : i32
      %dma_start3A_55 = tpu.memref_slice %arg7[%add3A_20, %dma_start3A_54] : memref<10240x128xf32, #tpu.memory_space<vmem_shared>> -> memref<64x128xf32, #tpu.memory_space<vmem_shared>>
      tpu.enqueue_dma source(%arg10 : memref<64x128xf32, #tpu.memory_space<vmem>>) target(%dma_start3A_55 : memref<64x128xf32, #tpu.memory_space<vmem_shared>>) target_semaphore(%run_scoped3A : memref<!tpu.dma_semaphore, #tpu.memory_space<semaphore_mem>>)
      %dma_wait3A = arith.constant 0 : i32
      %dma_wait3A_56 = tpu.memref_slice %arg7[%add3A_20, %dma_wait3A] : memref<10240x128xf32, #tpu.memory_space<vmem_shared>> -> memref<64x128xf32, #tpu.memory_space<vmem_shared>>
      %dma_wait3A_57 = arith.constant 0 : i32
      %dma_wait3A_58 = tpu.memref_slice %arg7[%add3A_20, %dma_wait3A_57] : memref<10240x128xf32, #tpu.memory_space<vmem_shared>> -> memref<64x128xf32, #tpu.memory_space<vmem_shared>>
      tpu.wait_dma2 semaphore(%run_scoped3A : memref<!tpu.dma_semaphore, #tpu.memory_space<semaphore_mem>>) src(%arg10 : memref<64x128xf32, #tpu.memory_space<vmem>>) dst(%dma_wait3A_58 : memref<64x128xf32, #tpu.memory_space<vmem_shared>>)
      tpu.yield
    }) : () -> ()
    %mul3A_21 = arith.constant 640 : i32
    %mul3A_22 = arith.muli %arg1, %mul3A_21 : i32
    %add3A_23 = arith.constant 320 : i32
    %add3A_24 = arith.addi %mul3A_22, %add3A_23 : i32
    "tpu.region"() ({
      %run_scoped3A = tpu.sem_alloc : memref<!tpu.dma_semaphore, #tpu.memory_space<semaphore_mem>>
      %dma_start3A = arith.constant 0 : i32
      %dma_start3A_53 = tpu.memref_slice %arg7[%add3A_24, %dma_start3A] : memref<10240x128xf32, #tpu.memory_space<vmem_shared>> -> memref<64x128xf32, #tpu.memory_space<vmem_shared>>
      %dma_start3A_54 = arith.constant 0 : i32
      %dma_start3A_55 = tpu.memref_slice %arg7[%add3A_24, %dma_start3A_54] : memref<10240x128xf32, #tpu.memory_space<vmem_shared>> -> memref<64x128xf32, #tpu.memory_space<vmem_shared>>
      tpu.enqueue_dma source(%arg10 : memref<64x128xf32, #tpu.memory_space<vmem>>) target(%dma_start3A_55 : memref<64x128xf32, #tpu.memory_space<vmem_shared>>) target_semaphore(%run_scoped3A : memref<!tpu.dma_semaphore, #tpu.memory_space<semaphore_mem>>)
      %dma_wait3A = arith.constant 0 : i32
      %dma_wait3A_56 = tpu.memref_slice %arg7[%add3A_24, %dma_wait3A] : memref<10240x128xf32, #tpu.memory_space<vmem_shared>> -> memref<64x128xf32, #tpu.memory_space<vmem_shared>>
      %dma_wait3A_57 = arith.constant 0 : i32
      %dma_wait3A_58 = tpu.memref_slice %arg7[%add3A_24, %dma_wait3A_57] : memref<10240x128xf32, #tpu.memory_space<vmem_shared>> -> memref<64x128xf32, #tpu.memory_space<vmem_shared>>
      tpu.wait_dma2 semaphore(%run_scoped3A : memref<!tpu.dma_semaphore, #tpu.memory_space<semaphore_mem>>) src(%arg10 : memref<64x128xf32, #tpu.memory_space<vmem>>) dst(%dma_wait3A_58 : memref<64x128xf32, #tpu.memory_space<vmem_shared>>)
      tpu.yield
    }) : () -> ()
    %mul3A_25 = arith.constant 640 : i32
    %mul3A_26 = arith.muli %arg1, %mul3A_25 : i32
    %add3A_27 = arith.constant 384 : i32
    %add3A_28 = arith.addi %mul3A_26, %add3A_27 : i32
    "tpu.region"() ({
      %run_scoped3A = tpu.sem_alloc : memref<!tpu.dma_semaphore, #tpu.memory_space<semaphore_mem>>
      %dma_start3A = arith.constant 0 : i32
      %dma_start3A_53 = tpu.memref_slice %arg7[%add3A_28, %dma_start3A] : memref<10240x128xf32, #tpu.memory_space<vmem_shared>> -> memref<64x128xf32, #tpu.memory_space<vmem_shared>>
      %dma_start3A_54 = arith.constant 0 : i32
      %dma_start3A_55 = tpu.memref_slice %arg7[%add3A_28, %dma_start3A_54] : memref<10240x128xf32, #tpu.memory_space<vmem_shared>> -> memref<64x128xf32, #tpu.memory_space<vmem_shared>>
      tpu.enqueue_dma source(%arg10 : memref<64x128xf32, #tpu.memory_space<vmem>>) target(%dma_start3A_55 : memref<64x128xf32, #tpu.memory_space<vmem_shared>>) target_semaphore(%run_scoped3A : memref<!tpu.dma_semaphore, #tpu.memory_space<semaphore_mem>>)
      %dma_wait3A = arith.constant 0 : i32
      %dma_wait3A_56 = tpu.memref_slice %arg7[%add3A_28, %dma_wait3A] : memref<10240x128xf32, #tpu.memory_space<vmem_shared>> -> memref<64x128xf32, #tpu.memory_space<vmem_shared>>
      %dma_wait3A_57 = arith.constant 0 : i32
      %dma_wait3A_58 = tpu.memref_slice %arg7[%add3A_28, %dma_wait3A_57] : memref<10240x128xf32, #tpu.memory_space<vmem_shared>> -> memref<64x128xf32, #tpu.memory_space<vmem_shared>>
      tpu.wait_dma2 semaphore(%run_scoped3A : memref<!tpu.dma_semaphore, #tpu.memory_space<semaphore_mem>>) src(%arg10 : memref<64x128xf32, #tpu.memory_space<vmem>>) dst(%dma_wait3A_58 : memref<64x128xf32, #tpu.memory_space<vmem_shared>>)
      tpu.yield
    }) : () -> ()
    %mul3A_29 = arith.constant 640 : i32
    %mul3A_30 = arith.muli %arg1, %mul3A_29 : i32
    %add3A_31 = arith.constant 448 : i32
    %add3A_32 = arith.addi %mul3A_30, %add3A_31 : i32
    "tpu.region"() ({
      %run_scoped3A = tpu.sem_alloc : memref<!tpu.dma_semaphore, #tpu.memory_space<semaphore_mem>>
      %dma_start3A = arith.constant 0 : i32
      %dma_start3A_53 = tpu.memref_slice %arg7[%add3A_32, %dma_start3A] : memref<10240x128xf32, #tpu.memory_space<vmem_shared>> -> memref<64x128xf32, #tpu.memory_space<vmem_shared>>
      %dma_start3A_54 = arith.constant 0 : i32
      %dma_start3A_55 = tpu.memref_slice %arg7[%add3A_32, %dma_start3A_54] : memref<10240x128xf32, #tpu.memory_space<vmem_shared>> -> memref<64x128xf32, #tpu.memory_space<vmem_shared>>
      tpu.enqueue_dma source(%arg10 : memref<64x128xf32, #tpu.memory_space<vmem>>) target(%dma_start3A_55 : memref<64x128xf32, #tpu.memory_space<vmem_shared>>) target_semaphore(%run_scoped3A : memref<!tpu.dma_semaphore, #tpu.memory_space<semaphore_mem>>)
      %dma_wait3A = arith.constant 0 : i32
      %dma_wait3A_56 = tpu.memref_slice %arg7[%add3A_32, %dma_wait3A] : memref<10240x128xf32, #tpu.memory_space<vmem_shared>> -> memref<64x128xf32, #tpu.memory_space<vmem_shared>>
      %dma_wait3A_57 = arith.constant 0 : i32
      %dma_wait3A_58 = tpu.memref_slice %arg7[%add3A_32, %dma_wait3A_57] : memref<10240x128xf32, #tpu.memory_space<vmem_shared>> -> memref<64x128xf32, #tpu.memory_space<vmem_shared>>
      tpu.wait_dma2 semaphore(%run_scoped3A : memref<!tpu.dma_semaphore, #tpu.memory_space<semaphore_mem>>) src(%arg10 : memref<64x128xf32, #tpu.memory_space<vmem>>) dst(%dma_wait3A_58 : memref<64x128xf32, #tpu.memory_space<vmem_shared>>)
      tpu.yield
    }) : () -> ()
    %mul3A_33 = arith.constant 640 : i32
    %mul3A_34 = arith.muli %arg1, %mul3A_33 : i32
    %add3A_35 = arith.constant 512 : i32
    %add3A_36 = arith.addi %mul3A_34, %add3A_35 : i32
    "tpu.region"() ({
      %run_scoped3A = tpu.sem_alloc : memref<!tpu.dma_semaphore, #tpu.memory_space<semaphore_mem>>
      %dma_start3A = arith.constant 0 : i32
      %dma_start3A_53 = tpu.memref_slice %arg7[%add3A_36, %dma_start3A] : memref<10240x128xf32, #tpu.memory_space<vmem_shared>> -> memref<64x128xf32, #tpu.memory_space<vmem_shared>>
      %dma_start3A_54 = arith.constant 0 : i32
      %dma_start3A_55 = tpu.memref_slice %arg7[%add3A_36, %dma_start3A_54] : memref<10240x128xf32, #tpu.memory_space<vmem_shared>> -> memref<64x128xf32, #tpu.memory_space<vmem_shared>>
      tpu.enqueue_dma source(%arg10 : memref<64x128xf32, #tpu.memory_space<vmem>>) target(%dma_start3A_55 : memref<64x128xf32, #tpu.memory_space<vmem_shared>>) target_semaphore(%run_scoped3A : memref<!tpu.dma_semaphore, #tpu.memory_space<semaphore_mem>>)
      %dma_wait3A = arith.constant 0 : i32
      %dma_wait3A_56 = tpu.memref_slice %arg7[%add3A_36, %dma_wait3A] : memref<10240x128xf32, #tpu.memory_space<vmem_shared>> -> memref<64x128xf32, #tpu.memory_space<vmem_shared>>
      %dma_wait3A_57 = arith.constant 0 : i32
      %dma_wait3A_58 = tpu.memref_slice %arg7[%add3A_36, %dma_wait3A_57] : memref<10240x128xf32, #tpu.memory_space<vmem_shared>> -> memref<64x128xf32, #tpu.memory_space<vmem_shared>>
      tpu.wait_dma2 semaphore(%run_scoped3A : memref<!tpu.dma_semaphore, #tpu.memory_space<semaphore_mem>>) src(%arg10 : memref<64x128xf32, #tpu.memory_space<vmem>>) dst(%dma_wait3A_58 : memref<64x128xf32, #tpu.memory_space<vmem_shared>>)
      tpu.yield
    }) : () -> ()
    %mul3A_37 = arith.constant 640 : i32
    %mul3A_38 = arith.muli %arg1, %mul3A_37 : i32
    %add3A_39 = arith.constant 576 : i32
    %add3A_40 = arith.addi %mul3A_38, %add3A_39 : i32
    "tpu.region"() ({
      %run_scoped3A = tpu.sem_alloc : memref<!tpu.dma_semaphore, #tpu.memory_space<semaphore_mem>>
      %dma_start3A = arith.constant 0 : i32
      %dma_start3A_53 = tpu.memref_slice %arg7[%add3A_40, %dma_start3A] : memref<10240x128xf32, #tpu.memory_space<vmem_shared>> -> memref<64x128xf32, #tpu.memory_space<vmem_shared>>
      %dma_start3A_54 = arith.constant 0 : i32
      %dma_start3A_55 = tpu.memref_slice %arg7[%add3A_40, %dma_start3A_54] : memref<10240x128xf32, #tpu.memory_space<vmem_shared>> -> memref<64x128xf32, #tpu.memory_space<vmem_shared>>
      tpu.enqueue_dma source(%arg10 : memref<64x128xf32, #tpu.memory_space<vmem>>) target(%dma_start3A_55 : memref<64x128xf32, #tpu.memory_space<vmem_shared>>) target_semaphore(%run_scoped3A : memref<!tpu.dma_semaphore, #tpu.memory_space<semaphore_mem>>)
      %dma_wait3A = arith.constant 0 : i32
      %dma_wait3A_56 = tpu.memref_slice %arg7[%add3A_40, %dma_wait3A] : memref<10240x128xf32, #tpu.memory_space<vmem_shared>> -> memref<64x128xf32, #tpu.memory_space<vmem_shared>>
      %dma_wait3A_57 = arith.constant 0 : i32
      %dma_wait3A_58 = tpu.memref_slice %arg7[%add3A_40, %dma_wait3A_57] : memref<10240x128xf32, #tpu.memory_space<vmem_shared>> -> memref<64x128xf32, #tpu.memory_space<vmem_shared>>
      tpu.wait_dma2 semaphore(%run_scoped3A : memref<!tpu.dma_semaphore, #tpu.memory_space<semaphore_mem>>) src(%arg10 : memref<64x128xf32, #tpu.memory_space<vmem>>) dst(%dma_wait3A_58 : memref<64x128xf32, #tpu.memory_space<vmem_shared>>)
      tpu.yield
    }) : () -> ()
    %barrier3A = arith.constant 0 : index
    tpu.barrier barrier_id(%barrier3A)
    %scan3A = arith.constant 0 : i32
    %scan3A_41 = arith.constant 158 : i32
    %scan3A_42 = arith.addi %scan3A, %scan3A_41 : i32
    %scan3A_43 = arith.constant 1 : i32
    scf.for %scan3A_53 = %scan3A to %scan3A_42 step %scan3A_43  : i32 {
      %mul3A_54 = arith.constant 1 : i32
      %mul3A_55 = arith.muli %scan3A_53, %mul3A_54 : i32
      %add3A_56 = arith.constant 0 : i32
      %add3A_57 = arith.addi %add3A_56, %mul3A_55 : i32
      %mul3A_58 = arith.constant 10112 : i32
      %mul3A_59 = arith.muli %add3A, %mul3A_58 : i32
      %mul3A_60 = arith.constant 64 : i32
      %mul3A_61 = arith.muli %add3A_57, %mul3A_60 : i32
      %add3A_62 = arith.addi %mul3A_59, %mul3A_61 : i32
      "tpu.region"() ({
        %run_scoped3A = tpu.sem_alloc : memref<!tpu.dma_semaphore, #tpu.memory_space<semaphore_mem>>
        %dma_start3A_67 = tpu.memref_slice %arg3[%add3A_62] : memref<323584xi32, #tpu.memory_space<hbm>> -> memref<64xi32, #tpu.memory_space<hbm>>
        %dma_start3A_68 = tpu.memref_slice %arg3[%add3A_62] : memref<323584xi32, #tpu.memory_space<hbm>> -> memref<64xi32, #tpu.memory_space<hbm>>
        tpu.enqueue_dma source(%dma_start3A_68 : memref<64xi32, #tpu.memory_space<hbm>>) target(%arg8 : memref<64xi32, #tpu.memory_space<vmem>>) target_semaphore(%run_scoped3A : memref<!tpu.dma_semaphore, #tpu.memory_space<semaphore_mem>>)
        %dma_wait3A_69 = tpu.memref_slice %arg3[%add3A_62] : memref<323584xi32, #tpu.memory_space<hbm>> -> memref<64xi32, #tpu.memory_space<hbm>>
        %dma_wait3A_70 = tpu.memref_slice %arg3[%add3A_62] : memref<323584xi32, #tpu.memory_space<hbm>> -> memref<64xi32, #tpu.memory_space<hbm>>
        tpu.wait_dma2 semaphore(%run_scoped3A : memref<!tpu.dma_semaphore, #tpu.memory_space<semaphore_mem>>) src(%dma_wait3A_70 : memref<64xi32, #tpu.memory_space<hbm>>) dst(%arg8 : memref<64xi32, #tpu.memory_space<vmem>>)
        tpu.yield
      }) : () -> ()
      "tpu.region"() ({
        %run_scoped3A = tpu.sem_alloc : memref<!tpu.dma_semaphore, #tpu.memory_space<semaphore_mem>>
        %dma_start3A_67 = tpu.memref_slice %arg4[%add3A_62] : memref<323584xi32, #tpu.memory_space<hbm>> -> memref<64xi32, #tpu.memory_space<hbm>>
        %dma_start3A_68 = tpu.memref_slice %arg4[%add3A_62] : memref<323584xi32, #tpu.memory_space<hbm>> -> memref<64xi32, #tpu.memory_space<hbm>>
        tpu.enqueue_dma source(%dma_start3A_68 : memref<64xi32, #tpu.memory_space<hbm>>) target(%arg9 : memref<64xi32, #tpu.memory_space<vmem>>) target_semaphore(%run_scoped3A : memref<!tpu.dma_semaphore, #tpu.memory_space<semaphore_mem>>)
        %dma_wait3A_69 = tpu.memref_slice %arg4[%add3A_62] : memref<323584xi32, #tpu.memory_space<hbm>> -> memref<64xi32, #tpu.memory_space<hbm>>
        %dma_wait3A_70 = tpu.memref_slice %arg4[%add3A_62] : memref<323584xi32, #tpu.memory_space<hbm>> -> memref<64xi32, #tpu.memory_space<hbm>>
        tpu.wait_dma2 semaphore(%run_scoped3A : memref<!tpu.dma_semaphore, #tpu.memory_space<semaphore_mem>>) src(%dma_wait3A_70 : memref<64xi32, #tpu.memory_space<hbm>>) dst(%arg9 : memref<64xi32, #tpu.memory_space<vmem>>)
        tpu.yield
      }) : () -> ()
      %dma_start3A = arith.constant 0 : i32
      %dma_start3A_63 = arith.constant 0 : i32
      %dma_start3A_64 = tpu.memref_slice %arg2[%dma_start3A, %dma_start3A_63] : memref<10240x128xf32, #tpu.memory_space<hbm>> -> memref<10240x128xf32, #tpu.memory_space<hbm>>
      tpu.enqueue_indirect_dma source(%dma_start3A_64 : memref<10240x128xf32, #tpu.memory_space<hbm>>) target(%arg10 : memref<64x128xf32, #tpu.memory_space<vmem>>) offsets(%arg8 : memref<64xi32, #tpu.memory_space<vmem>>) semaphore(%arg11 : memref<!tpu.dma_semaphore, #tpu.memory_space<semaphore_mem>>)
      %dma_wait3A = arith.constant 0 : i32
      %dma_wait3A_65 = arith.constant 0 : i32
      %dma_wait3A_66 = tpu.memref_slice %arg2[%dma_wait3A, %dma_wait3A_65] : memref<10240x128xf32, #tpu.memory_space<hbm>> -> memref<10240x128xf32, #tpu.memory_space<hbm>>
      tpu.wait_indirect_dma semaphore(%arg11 : memref<!tpu.dma_semaphore, #tpu.memory_space<semaphore_mem>>) src(%dma_wait3A_66 : memref<10240x128xf32, #tpu.memory_space<hbm>>) dst(%arg10 : memref<64x128xf32, #tpu.memory_space<vmem>>)
      "tpu.region"() ({
        %run_scoped3A = tpu.sem_alloc : memref<!tpu.dma_semaphore, #tpu.memory_space<semaphore_mem>>
        %dma_start3A_67 = arith.constant 0 : i32
        %dma_start3A_68 = arith.constant 0 : i32
        %dma_start3A_69 = tpu.memref_slice %arg7[%dma_start3A_67, %dma_start3A_68] : memref<10240x128xf32, #tpu.memory_space<vmem_shared>> -> memref<10240x128xf32, #tpu.memory_space<vmem_shared>>
        tpu.enqueue_indirect_dma source(%arg10 : memref<64x128xf32, #tpu.memory_space<vmem>>) target(%dma_start3A_69 : memref<10240x128xf32, #tpu.memory_space<vmem_shared>>) offsets(%arg9 : memref<64xi32, #tpu.memory_space<vmem>>) semaphore(%run_scoped3A : memref<!tpu.dma_semaphore, #tpu.memory_space<semaphore_mem>>) {add = true}
        %dma_wait3A_70 = arith.constant 0 : i32
        %dma_wait3A_71 = arith.constant 0 : i32
        %dma_wait3A_72 = tpu.memref_slice %arg7[%dma_wait3A_70, %dma_wait3A_71] : memref<10240x128xf32, #tpu.memory_space<vmem_shared>> -> memref<10240x128xf32, #tpu.memory_space<vmem_shared>>
        tpu.wait_indirect_dma semaphore(%run_scoped3A : memref<!tpu.dma_semaphore, #tpu.memory_space<semaphore_mem>>) src(%arg10 : memref<64x128xf32, #tpu.memory_space<vmem>>) dst(%dma_wait3A_72 : memref<10240x128xf32, #tpu.memory_space<vmem_shared>>)
        tpu.yield
      }) : () -> ()
    }
    %scan3A_44 = arith.constant 158 : i32
    %barrier3A_45 = arith.constant 0 : index
    tpu.barrier barrier_id(%barrier3A_45)
    %mul3A_46 = arith.constant 640 : i32
    %mul3A_47 = arith.muli %arg1, %mul3A_46 : i32
    %mul3A_48 = arith.constant 10240 : i32
    %mul3A_49 = arith.muli %arg0, %mul3A_48 : i32
    %mul3A_50 = arith.constant 640 : i32
    %mul3A_51 = arith.muli %arg1, %mul3A_50 : i32
    %add3A_52 = arith.addi %mul3A_49, %mul3A_51 : i32
    "tpu.region"() ({
      %run_scoped3A = tpu.sem_alloc : memref<!tpu.dma_semaphore, #tpu.memory_space<semaphore_mem>>
      %dma_start3A = arith.constant 0 : i32
      %dma_start3A_53 = tpu.memref_slice %arg6[%add3A_52, %dma_start3A] : memref<20480x128xf32, #tpu.memory_space<hbm>> -> memref<640x128xf32, #tpu.memory_space<hbm>>
      %dma_start3A_54 = arith.constant 0 : i32
      %dma_start3A_55 = tpu.memref_slice %arg7[%mul3A_47, %dma_start3A_54] : memref<10240x128xf32, #tpu.memory_space<vmem_shared>> -> memref<640x128xf32, #tpu.memory_space<vmem_shared>>
      tpu.enqueue_dma source(%dma_start3A_55 : memref<640x128xf32, #tpu.memory_space<vmem_shared>>) target(%dma_start3A_53 : memref<640x128xf32, #tpu.memory_space<hbm>>) target_semaphore(%run_scoped3A : memref<!tpu.dma_semaphore, #tpu.memory_space<semaphore_mem>>)
      %dma_wait3A = arith.constant 0 : i32
      %dma_wait3A_56 = tpu.memref_slice %arg6[%add3A_52, %dma_wait3A] : memref<20480x128xf32, #tpu.memory_space<hbm>> -> memref<640x128xf32, #tpu.memory_space<hbm>>
      %dma_wait3A_57 = arith.constant 0 : i32
      %dma_wait3A_58 = tpu.memref_slice %arg7[%mul3A_47, %dma_wait3A_57] : memref<10240x128xf32, #tpu.memory_space<vmem_shared>> -> memref<640x128xf32, #tpu.memory_space<vmem_shared>>
      tpu.wait_dma2 semaphore(%run_scoped3A : memref<!tpu.dma_semaphore, #tpu.memory_space<semaphore_mem>>) src(%dma_wait3A_58 : memref<640x128xf32, #tpu.memory_space<vmem_shared>>) dst(%dma_wait3A_56 : memref<640x128xf32, #tpu.memory_space<hbm>>)
      tpu.yield
    }) : () -> ()
    return
  }
}

module attributes {stable_mosaic.version = 14 : i64} {
  func.func @body(%arg0: i32, %arg1: memref<1024x128xf32, #tpu.memory_space<vmem>>, %arg2: memref<128x128xf32, #tpu.memory_space<vmem>>, %arg3: memref<1024x128xf32, #tpu.memory_space<vmem>>) attributes {dimension_semantics = [#tpu.dimension_semantics<arbitrary>], iteration_bounds = array<i64: 10>, scalar_prefetch = 0 : i64, scratch_operands = 0 : i64, tpu.core_type = #tpu.core_type<tc>, window_params = [{transform_indices = @transform_0, window_bounds = array<i64: 1024, 128>}, {pipeline_mode = #tpu.pipeline_mode<synchronous>, transform_indices = @transform_1, window_bounds = array<i64: 128, 128>}, {transform_indices = @transform_2, window_bounds = array<i64: 1024, 128>}]} {
    %get3A = arith.constant 0 : index
    %get3A_0 = arith.constant 0 : index
    %get3A_1 = vector.load %arg1[%get3A, %get3A_0] : memref<1024x128xf32, #tpu.memory_space<vmem>>, vector<1024x128xf32>
    %get3A_2 = arith.constant 0 : index
    %get3A_3 = arith.constant 0 : index
    %get3A_4 = vector.load %arg2[%get3A_2, %get3A_3] : memref<128x128xf32, #tpu.memory_space<vmem>>, vector<128x128xf32>
    %dot_general3A = arith.constant dense<0.000000e+00> : vector<1024x128xf32>
    %dot_general3A_5 = tpu.matmul %get3A_1, %get3A_4, %dot_general3A {dimension_numbers = #tpu.dot_dimension_numbers<[1], [0], [0], [1], [0, 0, 1, 1], [], []>, transpose_lhs_hint = false} : vector<1024x128xf32>, vector<128x128xf32>, vector<1024x128xf32> -> vector<1024x128xf32>
    %swap3A = arith.constant 0 : index
    %swap3A_6 = arith.constant 0 : index
    %swap3A_7 = vector.load %arg3[%swap3A, %swap3A_6] : memref<1024x128xf32, #tpu.memory_space<vmem>>, vector<1024x128xf32>
    tpu.vector_store %arg3[%swap3A, %swap3A_6], %dot_general3A_5 {strides = array<i32>} : memref<1024x128xf32, #tpu.memory_space<vmem>>, vector<1024x128xf32>,
    return
  }
  func.func @transform_0(%arg0: i32) -> (i32, i32) {
    %c0_i32 = arith.constant 0 : i32
    %c0_i32_0 = arith.constant 0 : i32
    return %arg0, %c0_i32 : i32, i32
  }
  func.func @transform_1(%arg0: i32) -> (i32, i32) {
    %c0_i32 = arith.constant 0 : i32
    %c0_i32_0 = arith.constant 0 : i32
    %c0_i32_1 = arith.constant 0 : i32
    return %c0_i32, %c0_i32_0 : i32, i32
  }
  func.func @transform_2(%arg0: i32) -> (i32, i32) {
    %c0_i32 = arith.constant 0 : i32
    %c0_i32_0 = arith.constant 0 : i32
    return %arg0, %c0_i32 : i32, i32
  }
}

module attributes {stable_mosaic.version = 14 : i64} {
  func.func @body(%arg0: i32, %arg1: memref<1024x128xf32, #tpu.memory_space<vmem>>, %arg2: memref<1024x128xf32, #tpu.memory_space<vmem>>, %arg3: memref<1024x128xf32, #tpu.memory_space<vmem>>, %arg4: memref<1024x128xf32, #tpu.memory_space<vmem>>) attributes {dimension_semantics = [#tpu.dimension_semantics<arbitrary>], iteration_bounds = array<i64: 10>, scalar_prefetch = 0 : i64, scratch_operands = 0 : i64, tpu.core_type = #tpu.core_type<tc>, window_params = [{transform_indices = @transform_0, window_bounds = array<i64: 1024, 128>}, {transform_indices = @transform_1, window_bounds = array<i64: 1024, 128>}, {transform_indices = @transform_2, window_bounds = array<i64: 1024, 128>}, {transform_indices = @transform_3, window_bounds = array<i64: 1024, 128>}]} {
    %get3A = arith.constant 0 : index
    %get3A_0 = arith.constant 0 : index
    %get3A_1 = vector.load %arg3[%get3A, %get3A_0] : memref<1024x128xf32, #tpu.memory_space<vmem>>, vector<1024x128xf32>
    %slice3A = vector.extract_strided_slice %get3A_1 {offsets = [0, 0], sizes = [1024, 1], strides = [1, 1]} : vector<1024x128xf32> to vector<1024x1xf32>
    %max3A = arith.constant 1.000000e+00 : f32
    %max3A_2 = vector.broadcast %max3A : f32 to vector<1024x1xf32>
    %max3A_3 = arith.maximumf %slice3A, %max3A_2 : vector<1024x1xf32>
    %get3A_4 = arith.constant 0 : index
    %get3A_5 = arith.constant 0 : index
    %get3A_6 = vector.load %arg1[%get3A_4, %get3A_5] : memref<1024x128xf32, #tpu.memory_space<vmem>>, vector<1024x128xf32>
    %get3A_7 = arith.constant 0 : index
    %get3A_8 = arith.constant 0 : index
    %get3A_9 = vector.load %arg2[%get3A_7, %get3A_8] : memref<1024x128xf32, #tpu.memory_space<vmem>>, vector<1024x128xf32>
    %add3A = arith.addf %get3A_6, %get3A_9 : vector<1024x128xf32>
    %div3A = vector.broadcast %max3A_3 : vector<1024x1xf32> to vector<1024x128xf32>
    %div3A_10 = arith.divf %add3A, %div3A : vector<1024x128xf32>
    %swap3A = arith.constant 0 : index
    %swap3A_11 = arith.constant 0 : index
    %swap3A_12 = vector.load %arg4[%swap3A, %swap3A_11] : memref<1024x128xf32, #tpu.memory_space<vmem>>, vector<1024x128xf32>
    tpu.vector_store %arg4[%swap3A, %swap3A_11], %div3A_10 {strides = array<i32>} : memref<1024x128xf32, #tpu.memory_space<vmem>>, vector<1024x128xf32>,
    return
  }
  func.func @transform_0(%arg0: i32) -> (i32, i32) {
    %c0_i32 = arith.constant 0 : i32
    %c0_i32_0 = arith.constant 0 : i32
    return %arg0, %c0_i32 : i32, i32
  }
  func.func @transform_1(%arg0: i32) -> (i32, i32) {
    %add3A = arith.constant 10 : i32
    %add3A_0 = arith.addi %arg0, %add3A : i32
    %c0_i32 = arith.constant 0 : i32
    %c0_i32_1 = arith.constant 0 : i32
    return %add3A_0, %c0_i32 : i32, i32
  }
  func.func @transform_2(%arg0: i32) -> (i32, i32) {
    %add3A = arith.constant 10 : i32
    %add3A_0 = arith.addi %arg0, %add3A : i32
    %c0_i32 = arith.constant 0 : i32
    %c0_i32_1 = arith.constant 0 : i32
    return %add3A_0, %c0_i32 : i32, i32
  }
  func.func @transform_3(%arg0: i32) -> (i32, i32) {
    %c0_i32 = arith.constant 0 : i32
    %c0_i32_0 = arith.constant 0 : i32
    return %arg0, %c0_i32 : i32, i32
  }
}

module attributes {stable_mosaic.version = 14 : i64} {
  func.func @body(%arg0: i32, %arg1: memref<1024x128xf32, #tpu.memory_space<vmem>>, %arg2: memref<1024x128xf32, #tpu.memory_space<vmem>>, %arg3: memref<1024x128xf32, #tpu.memory_space<vmem>>, %arg4: memref<1x128xf32, #tpu.memory_space<vmem>>, %arg5: memref<128x128xf32, #tpu.memory_space<vmem>>, %arg6: memref<1024x128xf32, #tpu.memory_space<vmem>>) attributes {dimension_semantics = [#tpu.dimension_semantics<arbitrary>], iteration_bounds = array<i64: 10>, scalar_prefetch = 0 : i64, scratch_operands = 0 : i64, tpu.core_type = #tpu.core_type<tc>, window_params = [{transform_indices = @transform_0, window_bounds = array<i64: 1024, 128>}, {transform_indices = @transform_1, window_bounds = array<i64: 1024, 128>}, {transform_indices = @transform_2, window_bounds = array<i64: 1024, 128>}, {pipeline_mode = #tpu.pipeline_mode<synchronous>, transform_indices = @transform_3, window_bounds = array<i64: 1, 128>}, {pipeline_mode = #tpu.pipeline_mode<synchronous>, transform_indices = @transform_4, window_bounds = array<i64: 128, 128>}, {transform_indices = @transform_5, window_bounds = array<i64: 1024, 128>}]} {
    %get3A = arith.constant 0 : index
    %get3A_0 = arith.constant 0 : index
    %get3A_1 = vector.load %arg3[%get3A, %get3A_0] : memref<1024x128xf32, #tpu.memory_space<vmem>>, vector<1024x128xf32>
    %slice3A = vector.extract_strided_slice %get3A_1 {offsets = [0, 0], sizes = [1024, 1], strides = [1, 1]} : vector<1024x128xf32> to vector<1024x1xf32>
    %max3A = arith.constant 1.000000e+00 : f32
    %max3A_2 = vector.broadcast %max3A : f32 to vector<1024x1xf32>
    %max3A_3 = arith.maximumf %slice3A, %max3A_2 : vector<1024x1xf32>
    %get3A_4 = arith.constant 0 : index
    %get3A_5 = arith.constant 0 : index
    %get3A_6 = vector.load %arg1[%get3A_4, %get3A_5] : memref<1024x128xf32, #tpu.memory_space<vmem>>, vector<1024x128xf32>
    %get3A_7 = arith.constant 0 : index
    %get3A_8 = arith.constant 0 : index
    %get3A_9 = vector.load %arg2[%get3A_7, %get3A_8] : memref<1024x128xf32, #tpu.memory_space<vmem>>, vector<1024x128xf32>
    %add3A = arith.addf %get3A_6, %get3A_9 : vector<1024x128xf32>
    %div3A = vector.broadcast %max3A_3 : vector<1024x1xf32> to vector<1024x128xf32>
    %div3A_10 = arith.divf %add3A, %div3A : vector<1024x128xf32>
    %get3A_11 = arith.constant 0 : index
    %get3A_12 = arith.constant 0 : index
    %get3A_13 = vector.load %arg4[%get3A_11, %get3A_12] : memref<1x128xf32, #tpu.memory_space<vmem>>, vector<1x128xf32>
    %add3A_14 = vector.broadcast %get3A_13 : vector<1x128xf32> to vector<1024x128xf32>
    %add3A_15 = arith.addf %div3A_10, %add3A_14 : vector<1024x128xf32>
    %max3A_16 = arith.constant 0.000000e+00 : f32
    %max3A_17 = vector.broadcast %max3A_16 : f32 to vector<1024x128xf32>
    %max3A_18 = arith.maximumf %add3A_15, %max3A_17 : vector<1024x128xf32>
    %get3A_19 = arith.constant 0 : index
    %get3A_20 = arith.constant 0 : index
    %get3A_21 = vector.load %arg5[%get3A_19, %get3A_20] : memref<128x128xf32, #tpu.memory_space<vmem>>, vector<128x128xf32>
    %dot_general3A = arith.constant dense<0.000000e+00> : vector<1024x128xf32>
    %dot_general3A_22 = tpu.matmul %max3A_18, %get3A_21, %dot_general3A {dimension_numbers = #tpu.dot_dimension_numbers<[1], [0], [0], [1], [0, 0, 1, 1], [], []>, transpose_lhs_hint = false} : vector<1024x128xf32>, vector<128x128xf32>, vector<1024x128xf32> -> vector<1024x128xf32>
    %swap3A = arith.constant 0 : index
    %swap3A_23 = arith.constant 0 : index
    %swap3A_24 = vector.load %arg6[%swap3A, %swap3A_23] : memref<1024x128xf32, #tpu.memory_space<vmem>>, vector<1024x128xf32>
    tpu.vector_store %arg6[%swap3A, %swap3A_23], %dot_general3A_22 {strides = array<i32>} : memref<1024x128xf32, #tpu.memory_space<vmem>>, vector<1024x128xf32>,
    return
  }
  func.func @transform_0(%arg0: i32) -> (i32, i32) {
    %c0_i32 = arith.constant 0 : i32
    %c0_i32_0 = arith.constant 0 : i32
    return %arg0, %c0_i32 : i32, i32
  }
  func.func @transform_1(%arg0: i32) -> (i32, i32) {
    %add3A = arith.constant 10 : i32
    %add3A_0 = arith.addi %arg0, %add3A : i32
    %c0_i32 = arith.constant 0 : i32
    %c0_i32_1 = arith.constant 0 : i32
    return %add3A_0, %c0_i32 : i32, i32
  }
  func.func @transform_2(%arg0: i32) -> (i32, i32) {
    %c0_i32 = arith.constant 0 : i32
    %c0_i32_0 = arith.constant 0 : i32
    return %arg0, %c0_i32 : i32, i32
  }
  func.func @transform_3(%arg0: i32) -> (i32, i32) {
    %c0_i32 = arith.constant 0 : i32
    %c0_i32_0 = arith.constant 0 : i32
    %c0_i32_1 = arith.constant 0 : i32
    return %c0_i32, %c0_i32_0 : i32, i32
  }
  func.func @transform_4(%arg0: i32) -> (i32, i32) {
    %c0_i32 = arith.constant 0 : i32
    %c0_i32_0 = arith.constant 0 : i32
    %c0_i32_1 = arith.constant 0 : i32
    return %c0_i32, %c0_i32_0 : i32, i32
  }
  func.func @transform_5(%arg0: i32) -> (i32, i32) {
    %c0_i32 = arith.constant 0 : i32
    %c0_i32_0 = arith.constant 0 : i32
    return %arg0, %c0_i32 : i32, i32
  }
}

module attributes {stable_mosaic.version = 14 : i64} {
  func.func @body(%arg0: i32, %arg1: memref<1024x128xf32, #tpu.memory_space<vmem>>, %arg2: memref<1024x128xf32, #tpu.memory_space<vmem>>, %arg3: memref<1024x128xf32, #tpu.memory_space<vmem>>, %arg4: memref<1x64xf32, #tpu.memory_space<vmem>>, %arg5: memref<1024x64xf32, #tpu.memory_space<vmem>>) attributes {dimension_semantics = [#tpu.dimension_semantics<arbitrary>], iteration_bounds = array<i64: 10>, scalar_prefetch = 0 : i64, scratch_operands = 0 : i64, tpu.core_type = #tpu.core_type<tc>, window_params = [{transform_indices = @transform_0, window_bounds = array<i64: 1024, 128>}, {transform_indices = @transform_1, window_bounds = array<i64: 1024, 128>}, {transform_indices = @transform_2, window_bounds = array<i64: 1024, 128>}, {pipeline_mode = #tpu.pipeline_mode<synchronous>, transform_indices = @transform_3, window_bounds = array<i64: 1, 64>}, {transform_indices = @transform_4, window_bounds = array<i64: 1024, 64>}]} {
    %get3A = arith.constant 0 : index
    %get3A_0 = arith.constant 0 : index
    %get3A_1 = vector.load %arg3[%get3A, %get3A_0] : memref<1024x128xf32, #tpu.memory_space<vmem>>, vector<1024x128xf32>
    %slice3A = vector.extract_strided_slice %get3A_1 {offsets = [0, 0], sizes = [1024, 1], strides = [1, 1]} : vector<1024x128xf32> to vector<1024x1xf32>
    %max3A = arith.constant 1.000000e+00 : f32
    %max3A_2 = vector.broadcast %max3A : f32 to vector<1024x1xf32>
    %max3A_3 = arith.maximumf %slice3A, %max3A_2 : vector<1024x1xf32>
    %get3A_4 = arith.constant 0 : index
    %get3A_5 = arith.constant 0 : index
    %get3A_6 = vector.load %arg1[%get3A_4, %get3A_5] : memref<1024x128xf32, #tpu.memory_space<vmem>>, vector<1024x128xf32>
    %get3A_7 = arith.constant 0 : index
    %get3A_8 = arith.constant 0 : index
    %get3A_9 = vector.load %arg2[%get3A_7, %get3A_8] : memref<1024x128xf32, #tpu.memory_space<vmem>>, vector<1024x128xf32>
    %add3A = arith.addf %get3A_6, %get3A_9 : vector<1024x128xf32>
    %slice3A_10 = vector.extract_strided_slice %add3A {offsets = [0, 0], sizes = [1024, 64], strides = [1, 1]} : vector<1024x128xf32> to vector<1024x64xf32>
    %div3A = vector.broadcast %max3A_3 : vector<1024x1xf32> to vector<1024x64xf32>
    %div3A_11 = arith.divf %slice3A_10, %div3A : vector<1024x64xf32>
    %get3A_12 = arith.constant 0 : index
    %get3A_13 = arith.constant 0 : index
    %get3A_14 = vector.load %arg4[%get3A_12, %get3A_13] : memref<1x64xf32, #tpu.memory_space<vmem>>, vector<1x64xf32>
    %add3A_15 = vector.broadcast %get3A_14 : vector<1x64xf32> to vector<1024x64xf32>
    %add3A_16 = arith.addf %div3A_11, %add3A_15 : vector<1024x64xf32>
    %swap3A = arith.constant 0 : index
    %swap3A_17 = arith.constant 0 : index
    %swap3A_18 = vector.load %arg5[%swap3A, %swap3A_17] : memref<1024x64xf32, #tpu.memory_space<vmem>>, vector<1024x64xf32>
    tpu.vector_store %arg5[%swap3A, %swap3A_17], %add3A_16 {strides = array<i32>} : memref<1024x64xf32, #tpu.memory_space<vmem>>, vector<1024x64xf32>,
    return
  }
  func.func @transform_0(%arg0: i32) -> (i32, i32) {
    %c0_i32 = arith.constant 0 : i32
    %c0_i32_0 = arith.constant 0 : i32
    return %arg0, %c0_i32 : i32, i32
  }
  func.func @transform_1(%arg0: i32) -> (i32, i32) {
    %add3A = arith.constant 10 : i32
    %add3A_0 = arith.addi %arg0, %add3A : i32
    %c0_i32 = arith.constant 0 : i32
    %c0_i32_1 = arith.constant 0 : i32
    return %add3A_0, %c0_i32 : i32, i32
  }
  func.func @transform_2(%arg0: i32) -> (i32, i32) {
    %c0_i32 = arith.constant 0 : i32
    %c0_i32_0 = arith.constant 0 : i32
    return %arg0, %c0_i32 : i32, i32
  }
  func.func @transform_3(%arg0: i32) -> (i32, i32) {
    %c0_i32 = arith.constant 0 : i32
    %c0_i32_0 = arith.constant 0 : i32
    %c0_i32_1 = arith.constant 0 : i32
    return %c0_i32, %c0_i32_0 : i32, i32
  }
  func.func @transform_4(%arg0: i32) -> (i32, i32) {
    %c0_i32 = arith.constant 0 : i32
    %c0_i32_0 = arith.constant 0 : i32
    return %arg0, %c0_i32 : i32, i32
  }
}

</mosaic_0001>

<sc_bundles>
// kernel: kernel.12.cloned.1.call-start
scs
__scs_entry_jumppad:
0x0: {  	(pc) =	sbr.rel $0x88, $3  }
0x1: {  	(tag) =	ssettag $0x0;
	lr =	simm.s32 $0x1  }
0x2: {  	[smem:$0x3F9B] =	sst lr;
	_ =	strace $0xD0000000  }
0x3: {  	_ = 	snop  }
0x4: {  	_ = 	snop  }
0x5: {  	_ = 	snop  }
0x6: {  	_ = 	snop  }
0x7: {  	_ = 	snop  }
__scs_overlays_trampoline_lowered:
0x8: {  	[smem:$0x3FAA] =	sst s0  }
0x9: {  	[smem:$0x3FAB] =	sst s1  }
0xa: {  	[smem:$0x3FAC] =	sst s2  }
0xb: {  	[smem:$0x3FAD] =	sst s3  }
0xc: {  	[smem:$0x3FAE] =	sst s4  }
0xd: {  	[smem:$0x3FAF] =	sst s5  }
0xe: {  	[smem:$0x3FB0] =	sst s6  }
0xf: {  	[smem:$0x3FB1] =	sst s7  }
0x10: {  	[smem:$0x3FB2] =	sst s8  }
0x11: {  	[smem:$0x3FB3] =	sst s9;
	s0 =	simm.s32 @!p0 $0x0  }
0x12: {  	s1 =	sld [smem:$0x3F99];
	s0 =	simm.s32 @p0 $0x1  }
0x13: {  	[smem:$0x3FB4] =	sst s0;
	s0 =	simm.s32 @!p1 $0x0  }
0x14: {  	s2 =	sld [smem:$0x3F98];
	s0 =	simm.s32 @p1 $0x1  }
0x15: {  	[smem:$0x3FB5] =	sst s0;
	s0 =	simm.s32 @!p2 $0x0  }
0x16: {  	s3 =	sld [smem:$0x3FDB];
	s0 =	simm.s32 @p2 $0x1  }
0x17: {  	s4 =	simm.s32 $0x1BF5;
	[smem:$0x3FB7] =	sst s0  }
0x18: {  	s0 =	sld [smem:$0x3F9A];
	_ =	swait.ge [sflag:s4], $0x0  }
0x19: {  	s7 =	sld [smem:$0x3F9B]  }
0x1a: {  	s8 =	sadd.s32 $0xFFFFE003, lr  }
0x1b: {  	s9 =	sadd.s32 $0xFFFFFEF7, lr;
	s5 =	simm.s32 $0xFFFFFFFF;
	p2 =	slt.u32 s8, $0xFFFFF086  }
0x1c: {  	p1 =	slt.u32 s9, $0xF7A;
	s5 =	simm.s32 @!p2 $0x0  }
0x1d: {  	s5 =	simm.s32 @p1 $0x1;
	p0 =	seq.s32 s7, s2  }
0x1e: {  	s7 =	smul.u32 @!p0 $0xF7A, s2;
	p2 =	seq.s32 @!p0 s5, $0x0  }
0x1f: {  	s9 =	smul.u32 $0xF7A, s1;
	s8 =	simm.s32 @!p0 $0x1BF5;
	p2 =	por !p2, p0  }
0x20: {  	[sflag:s8] =	ssyncset.s32 @!p0 $0xFFFFF086;
	s6 =	sadd.s32 @!p0 s3, s7;
	s7 =	simm.s32 @!p0 $0x108  }
0x21: {  	s3 =	sadd.s32 s3, s9;
	s6 =	sadd.s32 @!p0 $0x88, s6;
	s7 =	simm.s32 @p2 $0x1082  }
0x22: {  	[simem:s7], [sflag:s8] =	dma.local @!p0 [hbm:s6], $0xF7A  }
0x23: {  	s9 =	sor.u32 $0xD0000000, s2;
	s6 =	simm.s32 $0x108;
	_ =	swait.ge @!p0 [sflag:s8], $0x0  }
0x24: {  	s3 =	sadd.s32 $0x88, s3;
	s6 =	simm.s32 @!p1 $0x1082;
	[sflag:s4] =	ssyncset.s32 $0xFFFFF086  }
0x25: {  	[simem:s6], [sflag:s4] =	dma.local [hbm:s3], $0xF7A  }
0x26: {  	[smem:$0x3F9B] =	sst s1;
	(tag) =	ssettag s2;
	_ =	strace s9  }
0x27: {  	s1 =	sld [smem:$0x3FAB]  }
0x28: {  	s2 =	sld [smem:$0x3FAC]  }
0x29: {  	s4 =	sld [smem:$0x3FAE]  }
0x2a: {  	p0 =	seq.s32 s5, $0x0;
	s5 =	sld [smem:$0x3FAF]  }
0x2b: {  	s6 =	sld [smem:$0x3FB0]  }
0x2c: {  	s7 =	sld [smem:$0x3FB1]  }
0x2d: {  	s3 =	simm.s32 $0x108;
	s8 =	sld [smem:$0x3FB2]  }
0x2e: {  	s3 =	simm.s32 @!p0 $0x1082;
	s9 =	sld [smem:$0x3FB3]  }
0x2f: {  	lr =	sadd.s32 s0, s3;
	s0 =	sld [smem:$0x3FAA]  }
0x30: {  	s3 =	sld [smem:$0x3FAD]  }
0x31: {  	[smem:$0x3FB6] =	sst s10  }
0x32: {  	s10 =	sld [smem:$0x3FB4];
	_ =	sdelay $0x3  }
0x33: {  	p0 =	seq.s32 s10, $0x1;
	s10 =	sld [smem:$0x3FB6];
	_ =	sdelay $0x3  }
0x34: {  	[smem:$0x3FB6] =	sst s10  }
0x35: {  	s10 =	sld [smem:$0x3FB5];
	_ =	sdelay $0x3  }
0x36: {  	p1 =	seq.s32 s10, $0x1;
	s10 =	sld [smem:$0x3FB6];
	_ =	sdelay $0x3  }
0x37: {  	[smem:$0x3FB6] =	sst s10  }
0x38: {  	s10 =	sld [smem:$0x3FB7]  }
0x39: {  	_ = 	snop;
	(pc) =	sbr.ind lr, $3  }
0x3a: {  	_ = 	snop  }
0x3b: {  	_ = 	snop  }
0x3c: {  	p2 =	seq.s32 s10, $0x1;
	s10 =	sld [smem:$0x3FB6]  }
0x3d: {  	_ =	shalt  }
0x3e: {  	_ =	shalt  }
0x3f: {  	_ =	shalt  }
0x40: {  	_ =	shalt  }
0x41: {  	_ =	shalt  }
0x42: {  	_ =	shalt  }
0x43: {  	_ =	shalt  }
0x44: {  	_ =	shalt  }
0x45: {  	_ =	shalt  }
0x46: {  	_ =	shalt  }
0x47: {  	_ =	shalt  }
0x48: {  	_ =	shalt  }
0x49: {  	_ =	shalt  }
0x4a: {  	_ =	shalt  }
0x4b: {  	_ =	shalt  }
0x4c: {  	_ =	shalt  }
0x4d: {  	_ =	shalt  }
0x4e: {  	_ =	shalt  }
0x4f: {  	_ =	shalt  }
0x50: {  	_ =	shalt  }
0x51: {  	_ =	shalt  }
0x52: {  	_ =	shalt  }
0x53: {  	_ =	shalt  }
0x54: {  	_ =	shalt  }
0x55: {  	_ =	shalt  }
0x56: {  	_ =	shalt  }
0x57: {  	_ =	shalt  }
0x58: {  	_ =	shalt  }
0x59: {  	_ =	shalt  }
0x5a: {  	_ =	shalt  }
0x5b: {  	_ =	shalt  }
0x5c: {  	_ =	shalt  }
0x5d: {  	_ =	shalt  }
0x5e: {  	_ =	shalt  }
0x5f: {  	_ =	shalt  }
0x60: {  	_ =	shalt  }
0x61: {  	_ =	shalt  }
0x62: {  	_ =	shalt  }
0x63: {  	_ =	shalt  }
0x64: {  	_ =	shalt  }
0x65: {  	_ =	shalt  }
0x66: {  	_ =	shalt  }
0x67: {  	_ =	shalt  }
0x68: {  	_ =	shalt  }
0x69: {  	_ =	shalt  }
0x6a: {  	_ =	shalt  }
0x6b: {  	_ =	shalt  }
0x6c: {  	_ =	shalt  }
0x6d: {  	_ =	shalt  }
0x6e: {  	_ =	shalt  }
0x6f: {  	_ =	shalt  }
0x70: {  	_ =	shalt  }
0x71: {  	_ =	shalt  }
0x72: {  	_ =	shalt  }
0x73: {  	_ =	shalt  }
0x74: {  	_ =	shalt  }
0x75: {  	_ =	shalt  }
0x76: {  	_ =	shalt  }
0x77: {  	_ =	shalt  }
0x78: {  	_ =	shalt  }
0x79: {  	_ =	shalt  }
0x7a: {  	_ =	shalt  }
0x7b: {  	_ =	shalt  }
0x7c: {  	_ =	shalt  }
0x7d: {  	_ =	shalt  }
0x7e: {  	_ =	shalt  }
0x7f: {  	_ =	shalt  }
0x80: {  	_ =	shalt  }
0x81: {  	_ =	shalt  }
0x82: {  	_ =	shalt  }
0x83: {  	_ =	shalt  }
0x84: {  	_ =	shalt  }
0x85: {  	_ =	shalt  }
0x86: {  	_ =	shalt  }
0x87: {  	_ =	shalt  }
.Lfunc_end0:
.L_simem_size_0:
called_computation_lowered:
.L_overlay_start_0:
0x88: {  	s2 =	sld [smem:$0x3FD9]  }
0x89: {  	s3 =	sld [smem:$0x3FFE];
	_ =	sdelay $0x1  }
0x8a: {  	s1 =	srdreg.scid  }
0x8b: {  	s0 =	sand.u32 $0x1, s1  }
0x8c: {  	s17 =	sshll.u32 s0, $0xA;
	s2 =	sadd.s32 s3, s2  }
0x8d: {  	s2 =	sadd.s32 s2, s17  }
0x8e: {  	[smem:$0x3FC2] =	sst s2  }
0x8f: {  	_ = 	snop  }
0x90: {  	s18 =	sld [smem:$0x3FD0];
	(tm) =	ssettm $0x1  }
0x91: {  	s19 =	sld [smem:$0x3FFB];
	_ =	sdelay $0x3  }
0x92: {  	_ =	strace s19  }
0x93: {  	s2 =	sld [smem:$0x3FFC];
	_ =	sdelay $0x3  }
0x94: {  	_ =	strace s2  }
0x95: {  	s2 =	sld [smem:$0x3FFD];
	_ =	sdelay $0x3  }
0x96: {  	_ =	strace s2  }
0x97: {  	_ =	strace $0x8FFFFFFF  }
0x98: {  	s20 =	sld [smem:$0x3FDB];
	_ =	sdelay $0x1  }
0x99: {  	s4 =	simm.s32 $_scs_section_size  }
0x9a: {  	s5 =	simm.s32 $_size__tile_overlayer_lowered;
	s6 =	simm.s32 $_tile_overlayer_lowered  }
0x9b: {  	s7 =	simm.s32 $0x1BFF;
	s21 =	sshll.u32 s6, $0x1;
	s4 =	sadd.s32 s4, s20  }
0x9c: {  	s22 =	simm.s32 $0x0;
	s5 =	sshll.u32 s5, $0x1;
	s6 =	sadd.s32 s21, s4  }
0x9d: {  	[timem:s22], [sflag:s7] =	dma.local [hbm:s6], s5  }
0x9e: {  	_ =	swait.ge [sflag:s7], s5  }
0x9f: {  	s5 =	ssub.s32 $0x0, s5;
	[sflag:s7] =	ssyncset.done $0x0  }
0xa0: {  	[sflag:s7] =	ssyncadd.s32 s5;
	_ =	sdelay $0x1  }
0xa1: {  	s23 =	simm.s32 $0x1B8B  }
0xa2: {  	_ =	swait.ge [sflag:s23], $0x1  }
0xa3: {  	[sflag:s23] =	ssyncset.done $0x0  }
0xa4: {  	[sflag:s23] =	ssyncadd.s32 $0xFFFFFFFF  }
0xa5: {  	s5 =	sld [smem:$0x0]  }
0xa6: {  	s6 =	sand.u32 $0xFFFFFFFE, s1  }
0xa7: {  	p0 =	sne.s32 s1, s6  }
0xa8: {  	s6 =	sshll.u32 @p0 s6, $0xE  }
0xa9: {  	s6 =	sadd.s32 @p0 $0x11B8D, s6;
	s7 =	sshll.u32 @p0 s5, $0x11  }
0xaa: {  	s6 =	sor.u32 @p0 s7, s6  }
0xab: {  	[sflag:s6] =	ssyncadd.remote.s32 @p0 $0x1;
	_ =	sdelay $0x1  }
0xac: {  	s6 =	simm.s32 @p0 $0x1B8D  }
0xad: {  	_ =	swait.eq @p0 [sflag:s6], $0x1  }
0xae: {  	[sflag:s6] =	ssyncadd.s32 @p0 $0xFFFFFFFF  }
0xaf: {  	s7 =	sshll.u32 @!p0 s1, $0xE  }
0xb0: {  	s7 =	sor.u32 @!p0 $0x4000, s7;
	s6 =	simm.s32 @!p0 $0x1B8D  }
0xb1: {  	s5 =	sshll.u32 @!p0 s5, $0x11;
	s7 =	sadd.s32 @!p0 $0x11B8D, s7;
	_ =	swait.eq @!p0 [sflag:s6], $0x1  }
0xb2: {  	s5 =	sor.u32 @!p0 s5, s7;
	[sflag:s6] =	ssyncadd.s32 @!p0 $0xFFFFFFFF  }
0xb3: {  	s25 =	simm.s32 $0x1B8E;
	s24 =	sld [smem:$0x3FFE];
	[sflag:s5] =	ssyncadd.remote.s32 @!p0 $0x1  }
0xb4: {  	s26 =	simm.s32 $execute0_lowered;
	[smem:$0x3FD2] =	sst s25  }
0xb5: {  	s6 =	sshll.u32 s26, $0x1;
	_ =	strace $0x80000049;
	[dreg:$0x1] =	wrdreg $0xFFFFFFFF  }
0xb6: {  	s28 =	simm.s32 $_size_execute0_lowered;
	s4 =	sadd.s32 s4, s6;
	[dreg:$0x0] =	wrdreg $0x0  }
0xb7: {  	s6 =	sshll.u32 s28, $0x1;
	[dreg:$0x2] =	wrdreg s4  }
0xb8: {  	[dreg:$0x3] =	wrdreg s6  }
0xb9: {  	[dreg:$0x4] =	wrdreg $0xC0  }
0xba: {  	_ =	task [dreg:s22], $0x5FFFF  }
0xbb: {  	[dreg:$0x1] =	wrdreg $0xFFFFFFFF  }
0xbc: {  	[dreg:$0x0] =	wrdreg $0x60  }
0xbd: {  	[dreg:$0x2] =	wrdreg s18  }
0xbe: {  	[dreg:$0x3] =	wrdreg s24  }
0xbf: {  	[dreg:$0x4] =	wrdreg $0x0  }
0xc0: {  	[dreg:$0x5] =	wrdreg $0x9  }
0xc1: {  	_ =	task.clear_ibuf [dreg:s22], $0x6FFFF;
	_ =	strace $0x90000049  }
0xc2: {  	s29 =	simm.s32 $0x9;
	_ =	strace $0x8000004B  }
0xc3: {  	_ =	swait.ge [sflag:s29], $0x1  }
0xc4: {  	[sflag:s29] =	ssyncadd.s32 $0xFFFFFFFF  }
0xc5: {  	_ =	strace $0x9000004B  }
0xc6: {  	_ =	sfence  }
0xc7: {  	s30 =	sld [smem:$0x0];
	_ =	sdelay $0x2  }
0xc8: {  	s31 =	sshll.u32 s1, $0xD;
	s1 =	sshrl.u32 s1, $0x2  }
0xc9: {  	s4 =	sand.u32 $0x4000, s31;
	s1 =	sadd.s32 s1, s30  }
0xca: {  	s0 =	sor.u32 s4, s0;
	s1 =	sshll.u32 s1, $0x11  }
0xcb: {  	s0 =	sor.u32 s1, s0  }
0xcc: {  	s0 =	sadd.s32 $0x8F2B, s0  }
0xcd: {  	[sflag:s0] =	ssyncadd.remote.s32 $0x1  }
0xce: {  	_ =	sfence.sel $0xFFFF  }
0xcf: {  	[dreg:$0x0] =	wrdreg $0xFFFFFFFF;
	(pc) =	sbr.abs _section_cstart, $3  }
0xd0: {  	[dreg:$0x1] =	wrdreg $0xFFFFFFFF  }
0xd1: {  	_ =	task.clear_ibuf [dreg:s22], $0x2FFFF;
	_ =	strace $0x9FFFFFFF  }
0xd2: {  	(tm) =	ssettm $0x7FFFFFFF  }
0xd3: {  	_ =	shalt  }
tec
execute0_lowered:
.L_overlay_start_1:
0x0: {  	(tag) =	ssettag $0x1  }
0x1: {  	s17 =	rddreg [dreg:$0x0]  }
0x2: {  	s5 =	rddreg [dreg:$0x1]  }
0x3: {  	s2 =	rddreg [dreg:$0x2]  }
0x4: {  	s0 =	rddreg [dreg:$0x3]  }
0x5: {  	s4 =	srdreg.scid;
	s1 =	stileid.u32;
	s3 =	simm.s32 $0x0  }
0x6: {  	s19 =	simm.s32 $0x1;
	s20 =	simm.s32 $0x14080;
	s21 =	simm.s32 $0x14000  }
0x7: {  	s22 =	simm.s32 $0x40;
	s25 =	simm.s32 $0x0;
	s7 =	smul.u32 $0x2800, s1  }
0x8: {  	s6 =	sand.u32 $0x1, s4;
	[smem:$0x7FF] =	sst s3;
	s9 =	smul.u32 $0x50000, s1  }
0x9: {  	s4 =	sadd.s32 $0x3DC00, s5;
	s14 =	smul.u32 $0x4F00, s1;
	s23 =	sshll.u32 s1, $0x6  }
0xa: {  	s8 =	smul.u32 $0x28000, s6;
	_ =	strace $0x8000004A;
	s29 =	ssub.s32 $0x2, s6  }
0xb: {  	s13 =	smul.u32 $0x4F000, s6;
	s23 =	sor.u32 $0x1C01, s23;
	s30 =	sshrl.u32 s29, $0x1  }
0xc: {  	s31 =	sshrl.u32 s9, $0x2;
	s7 =	sadd.s32 s7, s8;
	s16 =	ssub.s32 s29, s30  }
0xd: {  	s18 =	sadd.s32 s14, s13;
	s15 =	sadd.s32 s7, s5;
	s5 =	sadd.s32 s31, s2  }
0xe: {  	s18 =	sshrl.u32 s18, $0x3;
	s16 =	smax.u32 s16, $0x1;
	s6 =	sadd.s32 $0x2000, s5  }
0xf: {  	s7 =	sadd.s32 $0x4000, s5;
	s8 =	sadd.s32 $0x6000, s5;
	s9 =	sadd.s32 $0x8000, s5  }
0x10: {  	s10 =	sadd.s32 $0xA000, s5;
	s11 =	sadd.s32 $0xC000, s5;
	s12 =	sadd.s32 $0xE000, s5  }
0x11: {  	v0 =	vimm.f32 $0.0e+00;
	vm0 =	vcmask $0x300;
	s13 =	sadd.s32 $0x10000, s5;
	s14 =	sadd.s32 $0x12000, s5;
	s15 =	sadd.s32 $0x8E000, s15  }
0x12: {  	v0 =	vsel vm0, $0x3F800000, v0;
	s17 =	sadd.s32 s18, s17;
	s18 =	simm.s32 $0x16080;
	s24 =	sshrl.u32 s5, $0x3  }
.LBB2_1:
0x13: {  	[tilespmem:s18], [sflag:$0x1] =	stream.linear.gather [hbm4b:s4+s3], $0x2000, $0x38;
	[tilespmem:$0x18080] =	vst v63  }
0x14: {  	_ =	swait.ge [sflag:s19], $0x2000  }
0x15: {  	[sflag:s19] =	ssyncset.done $0x0  }
0x16: {  	[sflag:s19] =	ssyncadd.s32 $0xFFFFE000  }
0x17: {  	[tilespmem:s20], [sflag:$0x1] =	stream.linear.gather [hbm4b:s4+s3], $0x2000, $0x38;
	[tilespmem:$0x18080] =	vst v63  }
0x18: {  	_ =	swait.ge [sflag:s19], $0x2000  }
0x19: {  	[sflag:s19] =	ssyncset.done $0x0  }
0x1a: {  	s26 =	simm.s32 $0x200;
	s28 =	simm.s32 $0x0;
	[sflag:s19] =	ssyncadd.s32 $0xFFFFE000  }
.LBB2_2:
0x1b: {  	p0 =	sne.s32 s26, $0x7E00;
	[tilespmem:s28+$0x14080] =	vst v0;
	s28 =	smov.u32 s26;
	s26 =	sadd.s32 $0x200, s26  }
.Ltmp0:
0x1c: {  	(pc) =	sbr.rel @p0 .LBB2_2-.Ltmp0, $2  }
0x1d: {  	_ =	sdelay $0x2  }
0x1e: {  	s28 =	sshra.s32 s28, $0x2  }
0x1f: {  	[tilespmem:s28+$0x14080] =	vst v0  }
0x20: {  	[spmem:s5] =	stream.linear.scatter [tilespmem:s18], [sflag:$0x1], $0x2000, $0x38;
	[tilespmem:$0x18080] =	vst v63  }
0x21: {  	_ =	swait.ge [sflag:s19], $0x2000  }
0x22: {  	[sflag:s19] =	ssyncset.done $0x0  }
0x23: {  	[sflag:s19] =	ssyncadd.s32 $0xFFFFE000  }
0x24: {  	[spmem:s6] =	stream.linear.scatter [tilespmem:s18], [sflag:$0x1], $0x2000, $0x38;
	[tilespmem:$0x18080] =	vst v63  }
0x25: {  	_ =	swait.ge [sflag:s19], $0x2000  }
0x26: {  	[sflag:s19] =	ssyncset.done $0x0  }
0x27: {  	[sflag:s19] =	ssyncadd.s32 $0xFFFFE000  }
0x28: {  	[spmem:s7] =	stream.linear.scatter [tilespmem:s18], [sflag:$0x1], $0x2000, $0x38;
	[tilespmem:$0x18080] =	vst v63  }
0x29: {  	_ =	swait.ge [sflag:s19], $0x2000  }
0x2a: {  	[sflag:s19] =	ssyncset.done $0x0  }
0x2b: {  	[sflag:s19] =	ssyncadd.s32 $0xFFFFE000  }
0x2c: {  	[spmem:s8] =	stream.linear.scatter [tilespmem:s18], [sflag:$0x1], $0x2000, $0x38;
	[tilespmem:$0x18080] =	vst v63  }
0x2d: {  	_ =	swait.ge [sflag:s19], $0x2000  }
0x2e: {  	[sflag:s19] =	ssyncset.done $0x0  }
0x2f: {  	[sflag:s19] =	ssyncadd.s32 $0xFFFFE000  }
0x30: {  	[spmem:s9] =	stream.linear.scatter [tilespmem:s18], [sflag:$0x1], $0x2000, $0x38;
	[tilespmem:$0x18080] =	vst v63  }
0x31: {  	_ =	swait.ge [sflag:s19], $0x2000  }
0x32: {  	[sflag:s19] =	ssyncset.done $0x0  }
0x33: {  	[sflag:s19] =	ssyncadd.s32 $0xFFFFE000  }
0x34: {  	[spmem:s10] =	stream.linear.scatter [tilespmem:s18], [sflag:$0x1], $0x2000, $0x38;
	[tilespmem:$0x18080] =	vst v63  }
0x35: {  	_ =	swait.ge [sflag:s19], $0x2000  }
0x36: {  	[sflag:s19] =	ssyncset.done $0x0  }
0x37: {  	[sflag:s19] =	ssyncadd.s32 $0xFFFFE000  }
0x38: {  	[spmem:s11] =	stream.linear.scatter [tilespmem:s18], [sflag:$0x1], $0x2000, $0x38;
	[tilespmem:$0x18080] =	vst v63  }
0x39: {  	_ =	swait.ge [sflag:s19], $0x2000  }
0x3a: {  	[sflag:s19] =	ssyncset.done $0x0  }
0x3b: {  	[sflag:s19] =	ssyncadd.s32 $0xFFFFE000  }
0x3c: {  	[spmem:s12] =	stream.linear.scatter [tilespmem:s18], [sflag:$0x1], $0x2000, $0x38;
	[tilespmem:$0x18080] =	vst v63  }
0x3d: {  	_ =	swait.ge [sflag:s19], $0x2000  }
0x3e: {  	[sflag:s19] =	ssyncset.done $0x0  }
0x3f: {  	[sflag:s19] =	ssyncadd.s32 $0xFFFFE000  }
0x40: {  	[spmem:s13] =	stream.linear.scatter [tilespmem:s18], [sflag:$0x1], $0x2000, $0x38;
	[tilespmem:$0x18080] =	vst v63  }
0x41: {  	_ =	swait.ge [sflag:s19], $0x2000  }
0x42: {  	[sflag:s19] =	ssyncset.done $0x0  }
0x43: {  	[sflag:s19] =	ssyncadd.s32 $0xFFFFE000  }
0x44: {  	[spmem:s14] =	stream.linear.scatter [tilespmem:s18], [sflag:$0x1], $0x2000, $0x38;
	[tilespmem:$0x18080] =	vst v63  }
0x45: {  	_ =	swait.ge [sflag:s19], $0x2000  }
0x46: {  	[sflag:s19] =	ssyncset.done $0x0  }
0x47: {  	[sflag:s19] =	ssyncadd.s32 $0xFFFFE000  }
0x48: {  	s26 =	sadd.s32 $0x0, s17;
	[bflag:$0x0] =	sbarrier.arrive $0xFFFF  }
0x49: {  	[tilespmem:s21], [sflag:$0x1] =	stream.linear.gather [hbm4b:s26+s3], $0x40, $0x38;
	[tilespmem:$0x18080] =	vst v63  }
0x4a: {  	_ =	swait.ge [sflag:s19], $0x40  }
0x4b: {  	[sflag:s19] =	ssyncset.done $0x0  }
0x4c: {  	[sflag:s19] =	ssyncadd.s32 $0xFFFFFFC0  }
0x4d: {  	[spmem:s2] =	stream.indirect.scatter.add.f32 [tilespmem:s20], [sflag:$0x1], $0x80, s21, s22, $0xb8;
	[tilespmem:$0x18080] =	vst v63  }
0x4e: {  	_ =	swait.ge [sflag:s19], $0x2000  }
0x4f: {  	s28 =	simm.s32 $0x10;
	s26 =	simm.s32 $0x8;
	[sflag:s19] =	ssyncset.done $0x0  }
.LBB2_4:
0x50: {  	s29 =	sadd.s32 s26, s17  }
0x51: {  	[sflag:s19] =	ssyncadd.s32 $0xFFFFE000;
	s26 =	smov.u32 s28;
	s30 =	sadd.s32 $0x8, s28  }
0x52: {  	[tilespmem:s21], [sflag:$0x1] =	stream.linear.gather [hbm4b:s29+s3], $0x40, $0x38;
	[tilespmem:$0x18080] =	vst v63  }
0x53: {  	p0 =	sne.s32 s28, $0x9D8;
	_ =	swait.ge [sflag:s19], $0x40  }
.Ltmp1:
0x54: {  	[sflag:s19] =	ssyncset.done $0x0;
	(pc) =	sbr.rel @p0 .LBB2_4-.Ltmp1, $4  }
0x55: {  	[sflag:s19] =	ssyncadd.s32 $0xFFFFFFC0  }
0x56: {  	[spmem:s2] =	stream.indirect.scatter.add.f32 [tilespmem:s20], [sflag:$0x1], $0x80, s21, s22, $0xb8;
	[tilespmem:$0x18080] =	vst v63  }
0x57: {  	_ =	swait.ge [sflag:s19], $0x2000  }
0x58: {  	s28 =	smov.u32 s30;
	[sflag:s19] =	ssyncset.done $0x0  }
0x59: {  	s26 =	sadd.s32 s26, s17;
	[sflag:s19] =	ssyncadd.s32 $0xFFFFE000  }
0x5a: {  	[tilespmem:s21], [sflag:$0x1] =	stream.linear.gather [hbm4b:s26+s3], $0x40, $0x38;
	[tilespmem:$0x18080] =	vst v63  }
0x5b: {  	_ =	swait.ge [sflag:s19], $0x40  }
0x5c: {  	[sflag:s19] =	ssyncset.done $0x0  }
0x5d: {  	[sflag:s19] =	ssyncadd.s32 $0xFFFFFFC0  }
0x5e: {  	[spmem:s2] =	stream.indirect.scatter.add.f32 [tilespmem:s20], [sflag:$0x1], $0x80, s21, s22, $0xb8;
	[tilespmem:$0x18080] =	vst v63  }
0x5f: {  	_ =	swait.ge [sflag:s19], $0x2000  }
0x60: {  	s25 =	sadd.s32 $0x1, s25;
	[sflag:s19] =	ssyncset.done $0x0  }
0x61: {  	p0 =	sne.s32 s25, s16;
	[sflag:s19] =	ssyncadd.s32 $0xFFFFE000  }
.Ltmp2:
0x62: {  	[bflag:$0x0] =	sbarrier.arrive $0xFFFF;
	(pc) =	sbr.rel @p0 .LBB2_1-.Ltmp2, $4  }
0x63: {  	[hbm:s15], [sflag:s23] =	dma.local [spmem:s24], $0x2800  }
0x64: {  	_ =	swait.ge [sflag:s19], $0x2800  }
0x65: {  	[sflag:s19] =	ssyncset.done $0x0  }
0x66: {  	[sflag:s19] =	ssyncadd.s32 $0xFFFFD800  }
0x67: {  	_ =	sfence.sel $0x180000  }
0x68: {  	[bflag:$0x0] =	sbarrier.arrive $0xFFFF  }
0x69: {  	p0 =	sne.s32 s1, $0x0;
	_ =	strace $0x9000004A  }
0x6a: {  	s0 =	sadd.s32 @!p0 $0x100000, s0;
	[bflag:$0x2] =	sbarrier.arrive $0xFFFF  }
0x6b: {  	[sflag:s0] =	ssyncadd.tile.s32 @!p0 $0x1;
	_ =	shalt  }
.Lfunc_end2:
_tile_overlayer_lowered:
.L_overlay_start_2:
0x6c: {  	(tag) =	ssettag $0x2  }
0x6d: {  	s0 =	rddreg [dreg:$0x0];
	s2 =	stileid.u32  }
0x6e: {  	s1 =	rddreg [dreg:$0x1];
	p0 =	sne.s32 s2, $0x0  }
0x6f: {  	s3 =	rddreg [dreg:$0x2];
	[bflag:$0x3] =	sbarrier.arrive $0xFFFF;
	s2 =	simm.s32 @!p0 $0x1C01  }
0x70: {  	[timem:s3], [sflag:s2] =	dma.local @!p0 [hbm:s0], s1  }
0x71: {  	s0 =	simm.s32 @!p0 $0x1  }
0x72: {  	_ =	swait.ge @!p0 [sflag:s0], s1  }
0x73: {  	s1 =	ssub.s32 @!p0 $0x0, s1;
	[sflag:s0] =	ssyncset.done @!p0 $0x0  }
0x74: {  	[sflag:s0] =	ssyncadd.s32 @!p0 s1  }
0x75: {  	[bflag:$0x3] =	sbarrier.arrive $0xFFFF  }
0x76: {  	_ =	shalt  }

// kernel: kernel.15.cloned.1.call-start
scs
__scs_entry_jumppad:
0x0: {  	(pc) =	sbr.rel $0x88, $3  }
0x1: {  	(tag) =	ssettag $0x0;
	lr =	simm.s32 $0x1  }
0x2: {  	[smem:$0x3F9B] =	sst lr;
	_ =	strace $0xD0000000  }
0x3: {  	_ = 	snop  }
0x4: {  	_ = 	snop  }
0x5: {  	_ = 	snop  }
0x6: {  	_ = 	snop  }
0x7: {  	_ = 	snop  }
__scs_overlays_trampoline_lowered:
0x8: {  	[smem:$0x3FAA] =	sst s0  }
0x9: {  	[smem:$0x3FAB] =	sst s1  }
0xa: {  	[smem:$0x3FAC] =	sst s2  }
0xb: {  	[smem:$0x3FAD] =	sst s3  }
0xc: {  	[smem:$0x3FAE] =	sst s4  }
0xd: {  	[smem:$0x3FAF] =	sst s5  }
0xe: {  	[smem:$0x3FB0] =	sst s6  }
0xf: {  	[smem:$0x3FB1] =	sst s7  }
0x10: {  	[smem:$0x3FB2] =	sst s8  }
0x11: {  	[smem:$0x3FB3] =	sst s9;
	s0 =	simm.s32 @!p0 $0x0  }
0x12: {  	s1 =	sld [smem:$0x3F99];
	s0 =	simm.s32 @p0 $0x1  }
0x13: {  	[smem:$0x3FB4] =	sst s0;
	s0 =	simm.s32 @!p1 $0x0  }
0x14: {  	s2 =	sld [smem:$0x3F98];
	s0 =	simm.s32 @p1 $0x1  }
0x15: {  	[smem:$0x3FB5] =	sst s0;
	s0 =	simm.s32 @!p2 $0x0  }
0x16: {  	s3 =	sld [smem:$0x3FDB];
	s0 =	simm.s32 @p2 $0x1  }
0x17: {  	s4 =	simm.s32 $0x1BF5;
	[smem:$0x3FB7] =	sst s0  }
0x18: {  	s0 =	sld [smem:$0x3F9A];
	_ =	swait.ge [sflag:s4], $0x0  }
0x19: {  	s7 =	sld [smem:$0x3F9B]  }
0x1a: {  	s8 =	sadd.s32 $0xFFFFE003, lr  }
0x1b: {  	s9 =	sadd.s32 $0xFFFFFEF7, lr;
	s5 =	simm.s32 $0xFFFFFFFF;
	p2 =	slt.u32 s8, $0xFFFFF086  }
0x1c: {  	p1 =	slt.u32 s9, $0xF7A;
	s5 =	simm.s32 @!p2 $0x0  }
0x1d: {  	s5 =	simm.s32 @p1 $0x1;
	p0 =	seq.s32 s7, s2  }
0x1e: {  	s7 =	smul.u32 @!p0 $0xF7A, s2;
	p2 =	seq.s32 @!p0 s5, $0x0  }
0x1f: {  	s9 =	smul.u32 $0xF7A, s1;
	s8 =	simm.s32 @!p0 $0x1BF5;
	p2 =	por !p2, p0  }
0x20: {  	[sflag:s8] =	ssyncset.s32 @!p0 $0xFFFFF086;
	s6 =	sadd.s32 @!p0 s3, s7;
	s7 =	simm.s32 @!p0 $0x108  }
0x21: {  	s3 =	sadd.s32 s3, s9;
	s6 =	sadd.s32 @!p0 $0x88, s6;
	s7 =	simm.s32 @p2 $0x1082  }
0x22: {  	[simem:s7], [sflag:s8] =	dma.local @!p0 [hbm:s6], $0xF7A  }
0x23: {  	s9 =	sor.u32 $0xD0000000, s2;
	s6 =	simm.s32 $0x108;
	_ =	swait.ge @!p0 [sflag:s8], $0x0  }
0x24: {  	s3 =	sadd.s32 $0x88, s3;
	s6 =	simm.s32 @!p1 $0x1082;
	[sflag:s4] =	ssyncset.s32 $0xFFFFF086  }
0x25: {  	[simem:s6], [sflag:s4] =	dma.local [hbm:s3], $0xF7A  }
0x26: {  	[smem:$0x3F9B] =	sst s1;
	(tag) =	ssettag s2;
	_ =	strace s9  }
0x27: {  	s1 =	sld [smem:$0x3FAB]  }
0x28: {  	s2 =	sld [smem:$0x3FAC]  }
0x29: {  	s4 =	sld [smem:$0x3FAE]  }
0x2a: {  	p0 =	seq.s32 s5, $0x0;
	s5 =	sld [smem:$0x3FAF]  }
0x2b: {  	s6 =	sld [smem:$0x3FB0]  }
0x2c: {  	s7 =	sld [smem:$0x3FB1]  }
0x2d: {  	s3 =	simm.s32 $0x108;
	s8 =	sld [smem:$0x3FB2]  }
0x2e: {  	s3 =	simm.s32 @!p0 $0x1082;
	s9 =	sld [smem:$0x3FB3]  }
0x2f: {  	lr =	sadd.s32 s0, s3;
	s0 =	sld [smem:$0x3FAA]  }
0x30: {  	s3 =	sld [smem:$0x3FAD]  }
0x31: {  	[smem:$0x3FB6] =	sst s10  }
0x32: {  	s10 =	sld [smem:$0x3FB4];
	_ =	sdelay $0x3  }
0x33: {  	p0 =	seq.s32 s10, $0x1;
	s10 =	sld [smem:$0x3FB6];
	_ =	sdelay $0x3  }
0x34: {  	[smem:$0x3FB6] =	sst s10  }
0x35: {  	s10 =	sld [smem:$0x3FB5];
	_ =	sdelay $0x3  }
0x36: {  	p1 =	seq.s32 s10, $0x1;
	s10 =	sld [smem:$0x3FB6];
	_ =	sdelay $0x3  }
0x37: {  	[smem:$0x3FB6] =	sst s10  }
0x38: {  	s10 =	sld [smem:$0x3FB7]  }
0x39: {  	_ = 	snop;
	(pc) =	sbr.ind lr, $3  }
0x3a: {  	_ = 	snop  }
0x3b: {  	_ = 	snop  }
0x3c: {  	p2 =	seq.s32 s10, $0x1;
	s10 =	sld [smem:$0x3FB6]  }
0x3d: {  	_ =	shalt  }
0x3e: {  	_ =	shalt  }
0x3f: {  	_ =	shalt  }
0x40: {  	_ =	shalt  }
0x41: {  	_ =	shalt  }
0x42: {  	_ =	shalt  }
0x43: {  	_ =	shalt  }
0x44: {  	_ =	shalt  }
0x45: {  	_ =	shalt  }
0x46: {  	_ =	shalt  }
0x47: {  	_ =	shalt  }
0x48: {  	_ =	shalt  }
0x49: {  	_ =	shalt  }
0x4a: {  	_ =	shalt  }
0x4b: {  	_ =	shalt  }
0x4c: {  	_ =	shalt  }
0x4d: {  	_ =	shalt  }
0x4e: {  	_ =	shalt  }
0x4f: {  	_ =	shalt  }
0x50: {  	_ =	shalt  }
0x51: {  	_ =	shalt  }
0x52: {  	_ =	shalt  }
0x53: {  	_ =	shalt  }
0x54: {  	_ =	shalt  }
0x55: {  	_ =	shalt  }
0x56: {  	_ =	shalt  }
0x57: {  	_ =	shalt  }
0x58: {  	_ =	shalt  }
0x59: {  	_ =	shalt  }
0x5a: {  	_ =	shalt  }
0x5b: {  	_ =	shalt  }
0x5c: {  	_ =	shalt  }
0x5d: {  	_ =	shalt  }
0x5e: {  	_ =	shalt  }
0x5f: {  	_ =	shalt  }
0x60: {  	_ =	shalt  }
0x61: {  	_ =	shalt  }
0x62: {  	_ =	shalt  }
0x63: {  	_ =	shalt  }
0x64: {  	_ =	shalt  }
0x65: {  	_ =	shalt  }
0x66: {  	_ =	shalt  }
0x67: {  	_ =	shalt  }
0x68: {  	_ =	shalt  }
0x69: {  	_ =	shalt  }
0x6a: {  	_ =	shalt  }
0x6b: {  	_ =	shalt  }
0x6c: {  	_ =	shalt  }
0x6d: {  	_ =	shalt  }
0x6e: {  	_ =	shalt  }
0x6f: {  	_ =	shalt  }
0x70: {  	_ =	shalt  }
0x71: {  	_ =	shalt  }
0x72: {  	_ =	shalt  }
0x73: {  	_ =	shalt  }
0x74: {  	_ =	shalt  }
0x75: {  	_ =	shalt  }
0x76: {  	_ =	shalt  }
0x77: {  	_ =	shalt  }
0x78: {  	_ =	shalt  }
0x79: {  	_ =	shalt  }
0x7a: {  	_ =	shalt  }
0x7b: {  	_ =	shalt  }
0x7c: {  	_ =	shalt  }
0x7d: {  	_ =	shalt  }
0x7e: {  	_ =	shalt  }
0x7f: {  	_ =	shalt  }
0x80: {  	_ =	shalt  }
0x81: {  	_ =	shalt  }
0x82: {  	_ =	shalt  }
0x83: {  	_ =	shalt  }
0x84: {  	_ =	shalt  }
0x85: {  	_ =	shalt  }
0x86: {  	_ =	shalt  }
0x87: {  	_ =	shalt  }
.Lfunc_end0:
.L_simem_size_0:
called_computation.1_lowered:
.L_overlay_start_0:
0x88: {  	s2 =	sld [smem:$0x3FD9]  }
0x89: {  	s3 =	sld [smem:$0x3FFE];
	_ =	sdelay $0x1  }
0x8a: {  	s1 =	srdreg.scid  }
0x8b: {  	s0 =	sand.u32 $0x1, s1  }
0x8c: {  	s16 =	sshll.u32 s0, $0xA;
	s2 =	sadd.s32 s3, s2  }
0x8d: {  	s2 =	sadd.s32 s2, s16  }
0x8e: {  	[smem:$0x3FC2] =	sst s2  }
0x8f: {  	_ = 	snop  }
0x90: {  	(tm) =	ssettm $0x1  }
0x91: {  	s17 =	sld [smem:$0x3FFB];
	_ =	sdelay $0x3  }
0x92: {  	_ =	strace s17  }
0x93: {  	s2 =	sld [smem:$0x3FFC];
	_ =	sdelay $0x3  }
0x94: {  	_ =	strace s2  }
0x95: {  	s2 =	sld [smem:$0x3FFD];
	_ =	sdelay $0x3  }
0x96: {  	_ =	strace s2  }
0x97: {  	_ =	strace $0x8FFFFFFF  }
0x98: {  	s18 =	sld [smem:$0x3FDB];
	_ =	sdelay $0x1  }
0x99: {  	s19 =	simm.s32 $_scs_section_size  }
0x9a: {  	s4 =	simm.s32 $_size__tile_overlayer_lowered;
	s5 =	simm.s32 $_tile_overlayer_lowered  }
0x9b: {  	s22 =	simm.s32 $0x1BFF;
	s21 =	sshll.u32 s5, $0x1;
	s2 =	sadd.s32 s19, s18  }
0x9c: {  	s6 =	simm.s32 $0x0;
	s20 =	sshll.u32 s4, $0x1;
	s4 =	sadd.s32 s21, s2  }
0x9d: {  	[timem:s6], [sflag:s22] =	dma.local [hbm:s4], s20  }
0x9e: {  	_ =	swait.ge [sflag:s22], s20  }
0x9f: {  	s3 =	ssub.s32 $0x0, s20;
	[sflag:s22] =	ssyncset.done $0x0  }
0xa0: {  	[sflag:s22] =	ssyncadd.s32 s3;
	_ =	sdelay $0x1  }
0xa1: {  	s23 =	simm.s32 $0x1B8B  }
0xa2: {  	_ =	swait.ge [sflag:s23], $0x1  }
0xa3: {  	[sflag:s23] =	ssyncset.done $0x0  }
0xa4: {  	s25 =	simm.s32 $0x1B8E;
	s24 =	sld [smem:$0x3FFE];
	[sflag:s23] =	ssyncadd.s32 $0xFFFFFFFF  }
0xa5: {  	s26 =	simm.s32 $execute0_lowered;
	[smem:$0x3FD2] =	sst s25  }
0xa6: {  	s4 =	sshll.u32 s26, $0x1;
	_ =	strace $0x80000046;
	[dreg:$0x1] =	wrdreg $0xFFFFFFFF  }
0xa7: {  	s28 =	simm.s32 $_size_execute0_lowered;
	s2 =	sadd.s32 s2, s4;
	[dreg:$0x0] =	wrdreg $0x0  }
0xa8: {  	s4 =	sshll.u32 s28, $0x1;
	[dreg:$0x2] =	wrdreg s2  }
0xa9: {  	[dreg:$0x3] =	wrdreg s4  }
0xaa: {  	[dreg:$0x4] =	wrdreg $0xC0  }
0xab: {  	_ =	task [dreg:s6], $0x5FFFF  }
0xac: {  	[dreg:$0x1] =	wrdreg $0xFFFFFFFF  }
0xad: {  	[dreg:$0x0] =	wrdreg $0x60  }
0xae: {  	[dreg:$0x2] =	wrdreg s24  }
0xaf: {  	[dreg:$0x3] =	wrdreg $0x0  }
0xb0: {  	[dreg:$0x4] =	wrdreg $0xA  }
0xb1: {  	_ =	task.clear_ibuf [dreg:s6], $0x5FFFF;
	_ =	strace $0x90000046  }
0xb2: {  	s29 =	simm.s32 $0xA;
	_ =	strace $0x80000048  }
0xb3: {  	_ =	swait.ge [sflag:s29], $0x1  }
0xb4: {  	[sflag:s29] =	ssyncadd.s32 $0xFFFFFFFF  }
0xb5: {  	_ =	strace $0x90000048  }
0xb6: {  	_ =	sfence  }
0xb7: {  	s30 =	sld [smem:$0x0];
	_ =	sdelay $0x2  }
0xb8: {  	s31 =	sshll.u32 s1, $0xD;
	s1 =	sshrl.u32 s1, $0x2  }
0xb9: {  	s3 =	sand.u32 $0x4000, s31;
	s1 =	sadd.s32 s1, s30  }
0xba: {  	s0 =	sor.u32 s3, s0;
	s1 =	sshll.u32 s1, $0x11  }
0xbb: {  	s0 =	sor.u32 s1, s0  }
0xbc: {  	s0 =	sadd.s32 $0x8F2B, s0  }
0xbd: {  	[sflag:s0] =	ssyncadd.remote.s32 $0x1  }
0xbe: {  	_ =	sfence.sel $0xFFFF  }
0xbf: {  	[dreg:$0x0] =	wrdreg $0xFFFFFFFF;
	(pc) =	sbr.abs _section_cstart, $3  }
0xc0: {  	[dreg:$0x1] =	wrdreg $0xFFFFFFFF  }
0xc1: {  	_ =	task.clear_ibuf [dreg:s6], $0x2FFFF;
	_ =	strace $0x9FFFFFFF  }
0xc2: {  	(tm) =	ssettm $0x7FFFFFFF  }
0xc3: {  	_ =	shalt  }
tec
execute0_lowered:
.L_overlay_start_1:
0x0: {  	(tag) =	ssettag $0x1  }
0x1: {  	s0 =	srdreg.scid;
	s7 =	rddreg [dreg:$0x0]  }
0x2: {  	s29 =	stileid.u32;
	s2 =	rddreg [dreg:$0x1];
	s3 =	simm.s32 $0x0  }
0x3: {  	s20 =	simm.s32 $0x14100;
	s21 =	simm.s32 $0x2;
	s22 =	simm.s32 $0x14000  }
0x4: {  	s23 =	simm.s32 $0x14080;
	s24 =	simm.s32 $0x40;
	s5 =	smul.u32 $0x2780, s29  }
0x5: {  	s26 =	simm.s32 $0x1;
	s28 =	simm.s32 $0x0;
	s8 =	smul.u32 $0x2800, s29  }
0x6: {  	s6 =	sand.u32 $0x1, s0;
	[smem:$0x7FF] =	sst s3;
	s9 =	smul.u32 $0x50000, s29  }
0x7: {  	s25 =	sshll.u32 s29, $0x6;
	s4 =	smul.u32 $0x27800, s6;
	_ =	strace $0x80000047  }
0x8: {  	s10 =	smul.u32 $0x28000, s6;
	s11 =	ssub.s32 $0x2, s6;
	s25 =	sor.u32 $0x1C02, s25  }
0x9: {  	s30 =	sshrl.u32 s9, $0x2;
	s31 =	sshrl.u32 s11, $0x1;
	s4 =	sadd.s32 s5, s4  }
0xa: {  	s8 =	sadd.s32 s8, s10;
	s6 =	sadd.s32 s30, s2;
	s17 =	ssub.s32 s11, s31  }
0xb: {  	s5 =	sshrl.u32 s4, $0x3;
	s4 =	sadd.s32 $0x15C00, s7;
	s16 =	sadd.s32 s8, s7  }
0xc: {  	s8 =	sadd.s32 $0x4000, s6;
	s9 =	sadd.s32 $0x6000, s6;
	s10 =	sadd.s32 $0x8000, s6  }
0xd: {  	s11 =	sadd.s32 $0xA000, s6;
	s12 =	sadd.s32 $0xC000, s6;
	s13 =	sadd.s32 $0xE000, s6  }
0xe: {  	s14 =	sadd.s32 $0x10000, s6;
	s15 =	sadd.s32 $0x12000, s6;
	s17 =	smax.u32 s17, $0x1  }
0xf: {  	s19 =	sadd.s32 s5, s7;
	s5 =	sadd.s32 $0x3DC00, s7;
	s7 =	sadd.s32 $0x2000, s6  }
0x10: {  	s16 =	sadd.s32 $0x3E000, s16;
	s18 =	sadd.s32 $0xBE00, s19;
	s19 =	sadd.s32 $0x2000, s19  }
.LBB2_1:
0x11: {  	[tilespmem:s20], [sflag:$0x2] =	stream.linear.gather [hbm4b:s5+s3], $0x2000, $0x38;
	[tilespmem:$0x16100] =	vst v63  }
0x12: {  	_ =	swait.ge [sflag:s21], $0x2000  }
0x13: {  	[sflag:s21] =	ssyncset.done $0x0  }
0x14: {  	[sflag:s21] =	ssyncadd.s32 $0xFFFFE000  }
0x15: {  	[spmem:s6] =	stream.linear.scatter [tilespmem:s20], [sflag:$0x2], $0x2000, $0x38;
	[tilespmem:$0x16100] =	vst v63  }
0x16: {  	_ =	swait.ge [sflag:s21], $0x2000  }
0x17: {  	[sflag:s21] =	ssyncset.done $0x0  }
0x18: {  	[sflag:s21] =	ssyncadd.s32 $0xFFFFE000  }
0x19: {  	[spmem:s7] =	stream.linear.scatter [tilespmem:s20], [sflag:$0x2], $0x2000, $0x38;
	[tilespmem:$0x16100] =	vst v63  }
0x1a: {  	_ =	swait.ge [sflag:s21], $0x2000  }
0x1b: {  	[sflag:s21] =	ssyncset.done $0x0  }
0x1c: {  	[sflag:s21] =	ssyncadd.s32 $0xFFFFE000  }
0x1d: {  	[spmem:s8] =	stream.linear.scatter [tilespmem:s20], [sflag:$0x2], $0x2000, $0x38;
	[tilespmem:$0x16100] =	vst v63  }
0x1e: {  	_ =	swait.ge [sflag:s21], $0x2000  }
0x1f: {  	[sflag:s21] =	ssyncset.done $0x0  }
0x20: {  	[sflag:s21] =	ssyncadd.s32 $0xFFFFE000  }
0x21: {  	[spmem:s9] =	stream.linear.scatter [tilespmem:s20], [sflag:$0x2], $0x2000, $0x38;
	[tilespmem:$0x16100] =	vst v63  }
0x22: {  	_ =	swait.ge [sflag:s21], $0x2000  }
0x23: {  	[sflag:s21] =	ssyncset.done $0x0  }
0x24: {  	[sflag:s21] =	ssyncadd.s32 $0xFFFFE000  }
0x25: {  	[spmem:s10] =	stream.linear.scatter [tilespmem:s20], [sflag:$0x2], $0x2000, $0x38;
	[tilespmem:$0x16100] =	vst v63  }
0x26: {  	_ =	swait.ge [sflag:s21], $0x2000  }
0x27: {  	[sflag:s21] =	ssyncset.done $0x0  }
0x28: {  	[sflag:s21] =	ssyncadd.s32 $0xFFFFE000  }
0x29: {  	[spmem:s11] =	stream.linear.scatter [tilespmem:s20], [sflag:$0x2], $0x2000, $0x38;
	[tilespmem:$0x16100] =	vst v63  }
0x2a: {  	_ =	swait.ge [sflag:s21], $0x2000  }
0x2b: {  	[sflag:s21] =	ssyncset.done $0x0  }
0x2c: {  	[sflag:s21] =	ssyncadd.s32 $0xFFFFE000  }
0x2d: {  	[spmem:s12] =	stream.linear.scatter [tilespmem:s20], [sflag:$0x2], $0x2000, $0x38;
	[tilespmem:$0x16100] =	vst v63  }
0x2e: {  	_ =	swait.ge [sflag:s21], $0x2000  }
0x2f: {  	[sflag:s21] =	ssyncset.done $0x0  }
0x30: {  	[sflag:s21] =	ssyncadd.s32 $0xFFFFE000  }
0x31: {  	[spmem:s13] =	stream.linear.scatter [tilespmem:s20], [sflag:$0x2], $0x2000, $0x38;
	[tilespmem:$0x16100] =	vst v63  }
0x32: {  	_ =	swait.ge [sflag:s21], $0x2000  }
0x33: {  	[sflag:s21] =	ssyncset.done $0x0  }
0x34: {  	[sflag:s21] =	ssyncadd.s32 $0xFFFFE000  }
0x35: {  	[spmem:s14] =	stream.linear.scatter [tilespmem:s20], [sflag:$0x2], $0x2000, $0x38;
	[tilespmem:$0x16100] =	vst v63  }
0x36: {  	_ =	swait.ge [sflag:s21], $0x2000  }
0x37: {  	[sflag:s21] =	ssyncset.done $0x0  }
0x38: {  	[sflag:s21] =	ssyncadd.s32 $0xFFFFE000  }
0x39: {  	[spmem:s15] =	stream.linear.scatter [tilespmem:s20], [sflag:$0x2], $0x2000, $0x38;
	[tilespmem:$0x16100] =	vst v63  }
0x3a: {  	_ =	swait.ge [sflag:s21], $0x2000  }
0x3b: {  	[sflag:s21] =	ssyncset.done $0x0  }
0x3c: {  	[sflag:s21] =	ssyncadd.s32 $0xFFFFE000  }
0x3d: {  	s29 =	sadd.s32 $0x0, s19;
	[bflag:$0x0] =	sbarrier.arrive $0xFFFF  }
0x3e: {  	[tilespmem:s22], [sflag:$0x2] =	stream.linear.gather [hbm4b:s29+s3], $0x40, $0x38;
	[tilespmem:$0x16100] =	vst v63  }
0x3f: {  	_ =	swait.ge [sflag:s21], $0x40  }
0x40: {  	[sflag:s21] =	ssyncset.done $0x0  }
0x41: {  	s29 =	sadd.s32 $0x0, s18;
	[sflag:s21] =	ssyncadd.s32 $0xFFFFFFC0  }
0x42: {  	[tilespmem:s23], [sflag:$0x2] =	stream.linear.gather [hbm4b:s29+s3], $0x40, $0x38;
	[tilespmem:$0x16100] =	vst v63  }
0x43: {  	_ =	swait.ge [sflag:s21], $0x40  }
0x44: {  	[sflag:s21] =	ssyncset.done $0x0  }
0x45: {  	[sflag:s21] =	ssyncadd.s32 $0xFFFFFFC0  }
0x46: {  	[tilespmem:s20], [sflag:$0x1] =	stream.indirect.gather [hbm4b:s4+s24], $0x80, s22, s24, $0xb8;
	[tilespmem:$0x16100] =	vst v63  }
0x47: {  	_ =	swait.ge [sflag:s26], $0x2000  }
0x48: {  	[sflag:s26] =	ssyncset.done $0x0  }
0x49: {  	[sflag:s26] =	ssyncadd.s32 $0xFFFFE000  }
0x4a: {  	[spmem:s2] =	stream.indirect.scatter.add.f32 [tilespmem:s20], [sflag:$0x2], $0x80, s23, s24, $0xb8;
	[tilespmem:$0x16100] =	vst v63  }
0x4b: {  	_ =	swait.ge [sflag:s21], $0x2000  }
0x4c: {  	s30 =	simm.s32 $0x10;
	s29 =	simm.s32 $0x8;
	[sflag:s21] =	ssyncset.done $0x0  }
.LBB2_2:
0x4d: {  	s31 =	sadd.s32 s29, s19  }
0x4e: {  	[sflag:s21] =	ssyncadd.s32 $0xFFFFE000;
	s1 =	smov.u32 s30;
	s0 =	sadd.s32 $0x8, s30  }
0x4f: {  	[tilespmem:s22], [sflag:$0x2] =	stream.linear.gather [hbm4b:s31+s3], $0x40, $0x38;
	[tilespmem:$0x16100] =	vst v63  }
0x50: {  	p0 =	sne.s32 s30, $0x4E8;
	_ =	swait.ge [sflag:s21], $0x40  }
0x51: {  	[sflag:s21] =	ssyncset.done $0x0  }
0x52: {  	s30 =	sadd.s32 s29, s18;
	s29 =	smov.u32 s1;
	[sflag:s21] =	ssyncadd.s32 $0xFFFFFFC0  }
0x53: {  	[tilespmem:s23], [sflag:$0x2] =	stream.linear.gather [hbm4b:s30+s3], $0x40, $0x38;
	[tilespmem:$0x16100] =	vst v63  }
0x54: {  	_ =	swait.ge [sflag:s21], $0x40  }
0x55: {  	[sflag:s21] =	ssyncset.done $0x0  }
0x56: {  	[sflag:s21] =	ssyncadd.s32 $0xFFFFFFC0  }
0x57: {  	[tilespmem:s20], [sflag:$0x1] =	stream.indirect.gather [hbm4b:s4+s24], $0x80, s22, s24, $0xb8;
	[tilespmem:$0x16100] =	vst v63  }
0x58: {  	_ =	swait.ge [sflag:s26], $0x2000  }
.Ltmp0:
0x59: {  	[sflag:s26] =	ssyncset.done $0x0;
	(pc) =	sbr.rel @p0 .LBB2_2-.Ltmp0, $4  }
0x5a: {  	[sflag:s26] =	ssyncadd.s32 $0xFFFFE000  }
0x5b: {  	[spmem:s2] =	stream.indirect.scatter.add.f32 [tilespmem:s20], [sflag:$0x2], $0x80, s23, s24, $0xb8;
	[tilespmem:$0x16100] =	vst v63  }
0x5c: {  	_ =	swait.ge [sflag:s21], $0x2000  }
0x5d: {  	s30 =	smov.u32 s0;
	[sflag:s21] =	ssyncset.done $0x0  }
0x5e: {  	s0 =	sadd.s32 s29, s19;
	[sflag:s21] =	ssyncadd.s32 $0xFFFFE000  }
0x5f: {  	[tilespmem:s22], [sflag:$0x2] =	stream.linear.gather [hbm4b:s0+s3], $0x40, $0x38;
	[tilespmem:$0x16100] =	vst v63  }
0x60: {  	_ =	swait.ge [sflag:s21], $0x40  }
0x61: {  	[sflag:s21] =	ssyncset.done $0x0  }
0x62: {  	s30 =	sadd.s32 s29, s18;
	[sflag:s21] =	ssyncadd.s32 $0xFFFFFFC0  }
0x63: {  	[tilespmem:s23], [sflag:$0x2] =	stream.linear.gather [hbm4b:s30+s3], $0x40, $0x38;
	[tilespmem:$0x16100] =	vst v63  }
0x64: {  	_ =	swait.ge [sflag:s21], $0x40  }
0x65: {  	[sflag:s21] =	ssyncset.done $0x0  }
0x66: {  	[sflag:s21] =	ssyncadd.s32 $0xFFFFFFC0  }
0x67: {  	[tilespmem:s20], [sflag:$0x1] =	stream.indirect.gather [hbm4b:s4+s24], $0x80, s22, s24, $0xb8;
	[tilespmem:$0x16100] =	vst v63  }
0x68: {  	_ =	swait.ge [sflag:s26], $0x2000  }
0x69: {  	[sflag:s26] =	ssyncset.done $0x0  }
0x6a: {  	[sflag:s26] =	ssyncadd.s32 $0xFFFFE000  }
0x6b: {  	[spmem:s2] =	stream.indirect.scatter.add.f32 [tilespmem:s20], [sflag:$0x2], $0x80, s23, s24, $0xb8;
	[tilespmem:$0x16100] =	vst v63  }
0x6c: {  	_ =	swait.ge [sflag:s21], $0x2000  }
0x6d: {  	s28 =	sadd.s32 $0x1, s28;
	[sflag:s21] =	ssyncset.done $0x0  }
0x6e: {  	p0 =	sne.s32 s28, s17;
	[sflag:s21] =	ssyncadd.s32 $0xFFFFE000  }
.Ltmp1:
0x6f: {  	s31 =	sshrl.u32 s6, $0x3;
	[bflag:$0x0] =	sbarrier.arrive $0xFFFF;
	(pc) =	sbr.rel @p0 .LBB2_1-.Ltmp1, $4  }
0x70: {  	[hbm:s16], [sflag:s25] =	dma.local [spmem:s31], $0x2800  }
0x71: {  	_ =	swait.ge [sflag:s21], $0x2800  }
0x72: {  	[sflag:s21] =	ssyncset.done $0x0  }
0x73: {  	[sflag:s21] =	ssyncadd.s32 $0xFFFFD800  }
0x74: {  	_ =	sfence.sel $0x180000  }
0x75: {  	[bflag:$0x0] =	sbarrier.arrive $0xFFFF  }
0x76: {  	_ =	strace $0x90000047  }
0x77: {  	s0 =	stileid.u32;
	[bflag:$0x2] =	sbarrier.arrive $0xFFFF  }
0x78: {  	p0 =	sne.s32 s0, $0x0;
	s0 =	rddreg [dreg:$0x2]  }
0x79: {  	s0 =	sadd.s32 @!p0 $0x100000, s0  }
0x7a: {  	[sflag:s0] =	ssyncadd.tile.s32 @!p0 $0x1;
	_ =	shalt  }
.Lfunc_end2:
_tile_overlayer_lowered:
.L_overlay_start_2:
0x7b: {  	(tag) =	ssettag $0x2  }
0x7c: {  	s0 =	rddreg [dreg:$0x0];
	s2 =	stileid.u32  }
0x7d: {  	s1 =	rddreg [dreg:$0x1];
	p0 =	sne.s32 s2, $0x0  }
0x7e: {  	s3 =	rddreg [dreg:$0x2];
	[bflag:$0x3] =	sbarrier.arrive $0xFFFF;
	s2 =	simm.s32 @!p0 $0x1C02  }
0x7f: {  	[timem:s3], [sflag:s2] =	dma.local @!p0 [hbm:s0], s1  }
0x80: {  	s0 =	simm.s32 @!p0 $0x2  }
0x81: {  	_ =	swait.ge @!p0 [sflag:s0], s1  }
0x82: {  	s1 =	ssub.s32 @!p0 $0x0, s1;
	[sflag:s0] =	ssyncset.done @!p0 $0x0  }
0x83: {  	[sflag:s0] =	ssyncadd.s32 @!p0 s1  }
0x84: {  	[bflag:$0x3] =	sbarrier.arrive $0xFFFF  }
0x85: {  	_ =	shalt  }

// kernel: kernel.18.cloned.1.call-start
scs
__scs_entry_jumppad:
0x0: {  	(pc) =	sbr.rel $0x88, $3  }
0x1: {  	(tag) =	ssettag $0x0;
	lr =	simm.s32 $0x1  }
0x2: {  	[smem:$0x3F9B] =	sst lr;
	_ =	strace $0xD0000000  }
0x3: {  	_ = 	snop  }
0x4: {  	_ = 	snop  }
0x5: {  	_ = 	snop  }
0x6: {  	_ = 	snop  }
0x7: {  	_ = 	snop  }
__scs_overlays_trampoline_lowered:
0x8: {  	[smem:$0x3FAA] =	sst s0  }
0x9: {  	[smem:$0x3FAB] =	sst s1  }
0xa: {  	[smem:$0x3FAC] =	sst s2  }
0xb: {  	[smem:$0x3FAD] =	sst s3  }
0xc: {  	[smem:$0x3FAE] =	sst s4  }
0xd: {  	[smem:$0x3FAF] =	sst s5  }
0xe: {  	[smem:$0x3FB0] =	sst s6  }
0xf: {  	[smem:$0x3FB1] =	sst s7  }
0x10: {  	[smem:$0x3FB2] =	sst s8  }
0x11: {  	[smem:$0x3FB3] =	sst s9;
	s0 =	simm.s32 @!p0 $0x0  }
0x12: {  	s1 =	sld [smem:$0x3F99];
	s0 =	simm.s32 @p0 $0x1  }
0x13: {  	[smem:$0x3FB4] =	sst s0;
	s0 =	simm.s32 @!p1 $0x0  }
0x14: {  	s2 =	sld [smem:$0x3F98];
	s0 =	simm.s32 @p1 $0x1  }
0x15: {  	[smem:$0x3FB5] =	sst s0;
	s0 =	simm.s32 @!p2 $0x0  }
0x16: {  	s3 =	sld [smem:$0x3FDB];
	s0 =	simm.s32 @p2 $0x1  }
0x17: {  	s4 =	simm.s32 $0x1BF5;
	[smem:$0x3FB7] =	sst s0  }
0x18: {  	s0 =	sld [smem:$0x3F9A];
	_ =	swait.ge [sflag:s4], $0x0  }
0x19: {  	s7 =	sld [smem:$0x3F9B]  }
0x1a: {  	s8 =	sadd.s32 $0xFFFFE003, lr  }
0x1b: {  	s9 =	sadd.s32 $0xFFFFFEF7, lr;
	s5 =	simm.s32 $0xFFFFFFFF;
	p2 =	slt.u32 s8, $0xFFFFF086  }
0x1c: {  	p1 =	slt.u32 s9, $0xF7A;
	s5 =	simm.s32 @!p2 $0x0  }
0x1d: {  	s5 =	simm.s32 @p1 $0x1;
	p0 =	seq.s32 s7, s2  }
0x1e: {  	s7 =	smul.u32 @!p0 $0xF7A, s2;
	p2 =	seq.s32 @!p0 s5, $0x0  }
0x1f: {  	s9 =	smul.u32 $0xF7A, s1;
	s8 =	simm.s32 @!p0 $0x1BF5;
	p2 =	por !p2, p0  }
0x20: {  	[sflag:s8] =	ssyncset.s32 @!p0 $0xFFFFF086;
	s6 =	sadd.s32 @!p0 s3, s7;
	s7 =	simm.s32 @!p0 $0x108  }
0x21: {  	s3 =	sadd.s32 s3, s9;
	s6 =	sadd.s32 @!p0 $0x88, s6;
	s7 =	simm.s32 @p2 $0x1082  }
0x22: {  	[simem:s7], [sflag:s8] =	dma.local @!p0 [hbm:s6], $0xF7A  }
0x23: {  	s9 =	sor.u32 $0xD0000000, s2;
	s6 =	simm.s32 $0x108;
	_ =	swait.ge @!p0 [sflag:s8], $0x0  }
0x24: {  	s3 =	sadd.s32 $0x88, s3;
	s6 =	simm.s32 @!p1 $0x1082;
	[sflag:s4] =	ssyncset.s32 $0xFFFFF086  }
0x25: {  	[simem:s6], [sflag:s4] =	dma.local [hbm:s3], $0xF7A  }
0x26: {  	[smem:$0x3F9B] =	sst s1;
	(tag) =	ssettag s2;
	_ =	strace s9  }
0x27: {  	s1 =	sld [smem:$0x3FAB]  }
0x28: {  	s2 =	sld [smem:$0x3FAC]  }
0x29: {  	s4 =	sld [smem:$0x3FAE]  }
0x2a: {  	p0 =	seq.s32 s5, $0x0;
	s5 =	sld [smem:$0x3FAF]  }
0x2b: {  	s6 =	sld [smem:$0x3FB0]  }
0x2c: {  	s7 =	sld [smem:$0x3FB1]  }
0x2d: {  	s3 =	simm.s32 $0x108;
	s8 =	sld [smem:$0x3FB2]  }
0x2e: {  	s3 =	simm.s32 @!p0 $0x1082;
	s9 =	sld [smem:$0x3FB3]  }
0x2f: {  	lr =	sadd.s32 s0, s3;
	s0 =	sld [smem:$0x3FAA]  }
0x30: {  	s3 =	sld [smem:$0x3FAD]  }
0x31: {  	[smem:$0x3FB6] =	sst s10  }
0x32: {  	s10 =	sld [smem:$0x3FB4];
	_ =	sdelay $0x3  }
0x33: {  	p0 =	seq.s32 s10, $0x1;
	s10 =	sld [smem:$0x3FB6];
	_ =	sdelay $0x3  }
0x34: {  	[smem:$0x3FB6] =	sst s10  }
0x35: {  	s10 =	sld [smem:$0x3FB5];
	_ =	sdelay $0x3  }
0x36: {  	p1 =	seq.s32 s10, $0x1;
	s10 =	sld [smem:$0x3FB6];
	_ =	sdelay $0x3  }
0x37: {  	[smem:$0x3FB6] =	sst s10  }
0x38: {  	s10 =	sld [smem:$0x3FB7]  }
0x39: {  	_ = 	snop;
	(pc) =	sbr.ind lr, $3  }
0x3a: {  	_ = 	snop  }
0x3b: {  	_ = 	snop  }
0x3c: {  	p2 =	seq.s32 s10, $0x1;
	s10 =	sld [smem:$0x3FB6]  }
0x3d: {  	_ =	shalt  }
0x3e: {  	_ =	shalt  }
0x3f: {  	_ =	shalt  }
0x40: {  	_ =	shalt  }
0x41: {  	_ =	shalt  }
0x42: {  	_ =	shalt  }
0x43: {  	_ =	shalt  }
0x44: {  	_ =	shalt  }
0x45: {  	_ =	shalt  }
0x46: {  	_ =	shalt  }
0x47: {  	_ =	shalt  }
0x48: {  	_ =	shalt  }
0x49: {  	_ =	shalt  }
0x4a: {  	_ =	shalt  }
0x4b: {  	_ =	shalt  }
0x4c: {  	_ =	shalt  }
0x4d: {  	_ =	shalt  }
0x4e: {  	_ =	shalt  }
0x4f: {  	_ =	shalt  }
0x50: {  	_ =	shalt  }
0x51: {  	_ =	shalt  }
0x52: {  	_ =	shalt  }
0x53: {  	_ =	shalt  }
0x54: {  	_ =	shalt  }
0x55: {  	_ =	shalt  }
0x56: {  	_ =	shalt  }
0x57: {  	_ =	shalt  }
0x58: {  	_ =	shalt  }
0x59: {  	_ =	shalt  }
0x5a: {  	_ =	shalt  }
0x5b: {  	_ =	shalt  }
0x5c: {  	_ =	shalt  }
0x5d: {  	_ =	shalt  }
0x5e: {  	_ =	shalt  }
0x5f: {  	_ =	shalt  }
0x60: {  	_ =	shalt  }
0x61: {  	_ =	shalt  }
0x62: {  	_ =	shalt  }
0x63: {  	_ =	shalt  }
0x64: {  	_ =	shalt  }
0x65: {  	_ =	shalt  }
0x66: {  	_ =	shalt  }
0x67: {  	_ =	shalt  }
0x68: {  	_ =	shalt  }
0x69: {  	_ =	shalt  }
0x6a: {  	_ =	shalt  }
0x6b: {  	_ =	shalt  }
0x6c: {  	_ =	shalt  }
0x6d: {  	_ =	shalt  }
0x6e: {  	_ =	shalt  }
0x6f: {  	_ =	shalt  }
0x70: {  	_ =	shalt  }
0x71: {  	_ =	shalt  }
0x72: {  	_ =	shalt  }
0x73: {  	_ =	shalt  }
0x74: {  	_ =	shalt  }
0x75: {  	_ =	shalt  }
0x76: {  	_ =	shalt  }
0x77: {  	_ =	shalt  }
0x78: {  	_ =	shalt  }
0x79: {  	_ =	shalt  }
0x7a: {  	_ =	shalt  }
0x7b: {  	_ =	shalt  }
0x7c: {  	_ =	shalt  }
0x7d: {  	_ =	shalt  }
0x7e: {  	_ =	shalt  }
0x7f: {  	_ =	shalt  }
0x80: {  	_ =	shalt  }
0x81: {  	_ =	shalt  }
0x82: {  	_ =	shalt  }
0x83: {  	_ =	shalt  }
0x84: {  	_ =	shalt  }
0x85: {  	_ =	shalt  }
0x86: {  	_ =	shalt  }
0x87: {  	_ =	shalt  }
.Lfunc_end0:
.L_simem_size_0:
called_computation.2_lowered:
.L_overlay_start_0:
0x88: {  	s2 =	sld [smem:$0x3FD9]  }
0x89: {  	s3 =	sld [smem:$0x3FFE];
	_ =	sdelay $0x1  }
0x8a: {  	s1 =	srdreg.scid  }
0x8b: {  	s0 =	sand.u32 $0x1, s1  }
0x8c: {  	s16 =	sshll.u32 s0, $0xA;
	s2 =	sadd.s32 s3, s2  }
0x8d: {  	s2 =	sadd.s32 s2, s16  }
0x8e: {  	[smem:$0x3FC2] =	sst s2  }
0x8f: {  	_ = 	snop  }
0x90: {  	(tm) =	ssettm $0x1  }
0x91: {  	s17 =	sld [smem:$0x3FFB];
	_ =	sdelay $0x3  }
0x92: {  	_ =	strace s17  }
0x93: {  	s2 =	sld [smem:$0x3FFC];
	_ =	sdelay $0x3  }
0x94: {  	_ =	strace s2  }
0x95: {  	s2 =	sld [smem:$0x3FFD];
	_ =	sdelay $0x3  }
0x96: {  	_ =	strace s2  }
0x97: {  	_ =	strace $0x8FFFFFFF  }
0x98: {  	s18 =	sld [smem:$0x3FDB];
	_ =	sdelay $0x1  }
0x99: {  	s19 =	simm.s32 $_scs_section_size  }
0x9a: {  	s4 =	simm.s32 $_size__tile_overlayer_lowered;
	s5 =	simm.s32 $_tile_overlayer_lowered  }
0x9b: {  	s22 =	simm.s32 $0x1BFF;
	s21 =	sshll.u32 s5, $0x1;
	s2 =	sadd.s32 s19, s18  }
0x9c: {  	s6 =	simm.s32 $0x0;
	s20 =	sshll.u32 s4, $0x1;
	s4 =	sadd.s32 s21, s2  }
0x9d: {  	[timem:s6], [sflag:s22] =	dma.local [hbm:s4], s20  }
0x9e: {  	_ =	swait.ge [sflag:s22], s20  }
0x9f: {  	s3 =	ssub.s32 $0x0, s20;
	[sflag:s22] =	ssyncset.done $0x0  }
0xa0: {  	[sflag:s22] =	ssyncadd.s32 s3;
	_ =	sdelay $0x1  }
0xa1: {  	s23 =	simm.s32 $0x1B8B  }
0xa2: {  	_ =	swait.ge [sflag:s23], $0x1  }
0xa3: {  	[sflag:s23] =	ssyncset.done $0x0  }
0xa4: {  	s25 =	simm.s32 $0x1B8E;
	s24 =	sld [smem:$0x3FFE];
	[sflag:s23] =	ssyncadd.s32 $0xFFFFFFFF  }
0xa5: {  	s26 =	simm.s32 $execute0_lowered;
	[smem:$0x3FD2] =	sst s25  }
0xa6: {  	s4 =	sshll.u32 s26, $0x1;
	_ =	strace $0x8000004C;
	[dreg:$0x1] =	wrdreg $0xFFFFFFFF  }
0xa7: {  	s28 =	simm.s32 $_size_execute0_lowered;
	s2 =	sadd.s32 s2, s4;
	[dreg:$0x0] =	wrdreg $0x0  }
0xa8: {  	s4 =	sshll.u32 s28, $0x1;
	[dreg:$0x2] =	wrdreg s2  }
0xa9: {  	[dreg:$0x3] =	wrdreg s4  }
0xaa: {  	[dreg:$0x4] =	wrdreg $0xC0  }
0xab: {  	_ =	task [dreg:s6], $0x5FFFF  }
0xac: {  	[dreg:$0x1] =	wrdreg $0xFFFFFFFF  }
0xad: {  	[dreg:$0x0] =	wrdreg $0x60  }
0xae: {  	[dreg:$0x2] =	wrdreg s24  }
0xaf: {  	[dreg:$0x3] =	wrdreg $0x0  }
0xb0: {  	[dreg:$0x4] =	wrdreg $0x9  }
0xb1: {  	_ =	task.clear_ibuf [dreg:s6], $0x5FFFF;
	_ =	strace $0x9000004C  }
0xb2: {  	s29 =	simm.s32 $0x9;
	_ =	strace $0x8000004E  }
0xb3: {  	_ =	swait.ge [sflag:s29], $0x1  }
0xb4: {  	[sflag:s29] =	ssyncadd.s32 $0xFFFFFFFF  }
0xb5: {  	_ =	strace $0x9000004E  }
0xb6: {  	_ =	sfence  }
0xb7: {  	s30 =	sld [smem:$0x0];
	_ =	sdelay $0x2  }
0xb8: {  	s31 =	sshll.u32 s1, $0xD;
	s1 =	sshrl.u32 s1, $0x2  }
0xb9: {  	s3 =	sand.u32 $0x4000, s31;
	s1 =	sadd.s32 s1, s30  }
0xba: {  	s0 =	sor.u32 s3, s0;
	s1 =	sshll.u32 s1, $0x11  }
0xbb: {  	s0 =	sor.u32 s1, s0  }
0xbc: {  	s0 =	sadd.s32 $0x8F2B, s0  }
0xbd: {  	[sflag:s0] =	ssyncadd.remote.s32 $0x1  }
0xbe: {  	_ =	sfence.sel $0xFFFF  }
0xbf: {  	[dreg:$0x0] =	wrdreg $0xFFFFFFFF;
	(pc) =	sbr.abs _section_cstart, $3  }
0xc0: {  	[dreg:$0x1] =	wrdreg $0xFFFFFFFF  }
0xc1: {  	_ =	task.clear_ibuf [dreg:s6], $0x2FFFF;
	_ =	strace $0x9FFFFFFF  }
0xc2: {  	(tm) =	ssettm $0x7FFFFFFF  }
0xc3: {  	_ =	shalt  }
tec
execute0_lowered:
.L_overlay_start_1:
0x0: {  	(tag) =	ssettag $0x1  }
0x1: {  	s0 =	srdreg.scid;
	s7 =	rddreg [dreg:$0x0]  }
0x2: {  	s29 =	stileid.u32;
	s2 =	rddreg [dreg:$0x1];
	s3 =	simm.s32 $0x0  }
0x3: {  	s20 =	simm.s32 $0x14100;
	s21 =	simm.s32 $0x2;
	s22 =	simm.s32 $0x14000  }
0x4: {  	s23 =	simm.s32 $0x14080;
	s24 =	simm.s32 $0x40;
	s5 =	smul.u32 $0x2780, s29  }
0x5: {  	s26 =	simm.s32 $0x1;
	s28 =	simm.s32 $0x0;
	s8 =	smul.u32 $0x2800, s29  }
0x6: {  	s6 =	sand.u32 $0x1, s0;
	[smem:$0x7FF] =	sst s3;
	s9 =	smul.u32 $0x50000, s29  }
0x7: {  	s25 =	sshll.u32 s29, $0x6;
	s4 =	smul.u32 $0x27800, s6;
	_ =	strace $0x8000004D  }
0x8: {  	s10 =	smul.u32 $0x28000, s6;
	s11 =	ssub.s32 $0x2, s6;
	s25 =	sor.u32 $0x1C02, s25  }
0x9: {  	s30 =	sshrl.u32 s9, $0x2;
	s31 =	sshrl.u32 s11, $0x1;
	s4 =	sadd.s32 s5, s4  }
0xa: {  	s8 =	sadd.s32 s8, s10;
	s6 =	sadd.s32 s30, s2;
	s17 =	ssub.s32 s11, s31  }
0xb: {  	s5 =	sshrl.u32 s4, $0x3;
	s4 =	sadd.s32 $0x15C00, s7;
	s16 =	sadd.s32 s8, s7  }
0xc: {  	s8 =	sadd.s32 $0x4000, s6;
	s9 =	sadd.s32 $0x6000, s6;
	s10 =	sadd.s32 $0x8000, s6  }
0xd: {  	s11 =	sadd.s32 $0xA000, s6;
	s12 =	sadd.s32 $0xC000, s6;
	s13 =	sadd.s32 $0xE000, s6  }
0xe: {  	s14 =	sadd.s32 $0x10000, s6;
	s15 =	sadd.s32 $0x12000, s6;
	s17 =	smax.u32 s17, $0x1  }
0xf: {  	s19 =	sadd.s32 s5, s7;
	s5 =	sadd.s32 $0x3DC00, s7;
	s7 =	sadd.s32 $0x2000, s6  }
0x10: {  	s16 =	sadd.s32 $0x3E000, s16;
	s18 =	sadd.s32 $0x2000, s19;
	s19 =	sadd.s32 $0xBE00, s19  }
.LBB2_1:
0x11: {  	[tilespmem:s20], [sflag:$0x2] =	stream.linear.gather [hbm4b:s5+s3], $0x2000, $0x38;
	[tilespmem:$0x16100] =	vst v63  }
0x12: {  	_ =	swait.ge [sflag:s21], $0x2000  }
0x13: {  	[sflag:s21] =	ssyncset.done $0x0  }
0x14: {  	[sflag:s21] =	ssyncadd.s32 $0xFFFFE000  }
0x15: {  	[spmem:s6] =	stream.linear.scatter [tilespmem:s20], [sflag:$0x2], $0x2000, $0x38;
	[tilespmem:$0x16100] =	vst v63  }
0x16: {  	_ =	swait.ge [sflag:s21], $0x2000  }
0x17: {  	[sflag:s21] =	ssyncset.done $0x0  }
0x18: {  	[sflag:s21] =	ssyncadd.s32 $0xFFFFE000  }
0x19: {  	[spmem:s7] =	stream.linear.scatter [tilespmem:s20], [sflag:$0x2], $0x2000, $0x38;
	[tilespmem:$0x16100] =	vst v63  }
0x1a: {  	_ =	swait.ge [sflag:s21], $0x2000  }
0x1b: {  	[sflag:s21] =	ssyncset.done $0x0  }
0x1c: {  	[sflag:s21] =	ssyncadd.s32 $0xFFFFE000  }
0x1d: {  	[spmem:s8] =	stream.linear.scatter [tilespmem:s20], [sflag:$0x2], $0x2000, $0x38;
	[tilespmem:$0x16100] =	vst v63  }
0x1e: {  	_ =	swait.ge [sflag:s21], $0x2000  }
0x1f: {  	[sflag:s21] =	ssyncset.done $0x0  }
0x20: {  	[sflag:s21] =	ssyncadd.s32 $0xFFFFE000  }
0x21: {  	[spmem:s9] =	stream.linear.scatter [tilespmem:s20], [sflag:$0x2], $0x2000, $0x38;
	[tilespmem:$0x16100] =	vst v63  }
0x22: {  	_ =	swait.ge [sflag:s21], $0x2000  }
0x23: {  	[sflag:s21] =	ssyncset.done $0x0  }
0x24: {  	[sflag:s21] =	ssyncadd.s32 $0xFFFFE000  }
0x25: {  	[spmem:s10] =	stream.linear.scatter [tilespmem:s20], [sflag:$0x2], $0x2000, $0x38;
	[tilespmem:$0x16100] =	vst v63  }
0x26: {  	_ =	swait.ge [sflag:s21], $0x2000  }
0x27: {  	[sflag:s21] =	ssyncset.done $0x0  }
0x28: {  	[sflag:s21] =	ssyncadd.s32 $0xFFFFE000  }
0x29: {  	[spmem:s11] =	stream.linear.scatter [tilespmem:s20], [sflag:$0x2], $0x2000, $0x38;
	[tilespmem:$0x16100] =	vst v63  }
0x2a: {  	_ =	swait.ge [sflag:s21], $0x2000  }
0x2b: {  	[sflag:s21] =	ssyncset.done $0x0  }
0x2c: {  	[sflag:s21] =	ssyncadd.s32 $0xFFFFE000  }
0x2d: {  	[spmem:s12] =	stream.linear.scatter [tilespmem:s20], [sflag:$0x2], $0x2000, $0x38;
	[tilespmem:$0x16100] =	vst v63  }
0x2e: {  	_ =	swait.ge [sflag:s21], $0x2000  }
0x2f: {  	[sflag:s21] =	ssyncset.done $0x0  }
0x30: {  	[sflag:s21] =	ssyncadd.s32 $0xFFFFE000  }
0x31: {  	[spmem:s13] =	stream.linear.scatter [tilespmem:s20], [sflag:$0x2], $0x2000, $0x38;
	[tilespmem:$0x16100] =	vst v63  }
0x32: {  	_ =	swait.ge [sflag:s21], $0x2000  }
0x33: {  	[sflag:s21] =	ssyncset.done $0x0  }
0x34: {  	[sflag:s21] =	ssyncadd.s32 $0xFFFFE000  }
0x35: {  	[spmem:s14] =	stream.linear.scatter [tilespmem:s20], [sflag:$0x2], $0x2000, $0x38;
	[tilespmem:$0x16100] =	vst v63  }
0x36: {  	_ =	swait.ge [sflag:s21], $0x2000  }
0x37: {  	[sflag:s21] =	ssyncset.done $0x0  }
0x38: {  	[sflag:s21] =	ssyncadd.s32 $0xFFFFE000  }
0x39: {  	[spmem:s15] =	stream.linear.scatter [tilespmem:s20], [sflag:$0x2], $0x2000, $0x38;
	[tilespmem:$0x16100] =	vst v63  }
0x3a: {  	_ =	swait.ge [sflag:s21], $0x2000  }
0x3b: {  	[sflag:s21] =	ssyncset.done $0x0  }
0x3c: {  	[sflag:s21] =	ssyncadd.s32 $0xFFFFE000  }
0x3d: {  	s29 =	sadd.s32 $0x0, s19;
	[bflag:$0x0] =	sbarrier.arrive $0xFFFF  }
0x3e: {  	[tilespmem:s22], [sflag:$0x2] =	stream.linear.gather [hbm4b:s29+s3], $0x40, $0x38;
	[tilespmem:$0x16100] =	vst v63  }
0x3f: {  	_ =	swait.ge [sflag:s21], $0x40  }
0x40: {  	[sflag:s21] =	ssyncset.done $0x0  }
0x41: {  	s29 =	sadd.s32 $0x0, s18;
	[sflag:s21] =	ssyncadd.s32 $0xFFFFFFC0  }
0x42: {  	[tilespmem:s23], [sflag:$0x2] =	stream.linear.gather [hbm4b:s29+s3], $0x40, $0x38;
	[tilespmem:$0x16100] =	vst v63  }
0x43: {  	_ =	swait.ge [sflag:s21], $0x40  }
0x44: {  	[sflag:s21] =	ssyncset.done $0x0  }
0x45: {  	[sflag:s21] =	ssyncadd.s32 $0xFFFFFFC0  }
0x46: {  	[tilespmem:s20], [sflag:$0x1] =	stream.indirect.gather [hbm4b:s4+s24], $0x80, s22, s24, $0xb8;
	[tilespmem:$0x16100] =	vst v63  }
0x47: {  	_ =	swait.ge [sflag:s26], $0x2000  }
0x48: {  	[sflag:s26] =	ssyncset.done $0x0  }
0x49: {  	[sflag:s26] =	ssyncadd.s32 $0xFFFFE000  }
0x4a: {  	[spmem:s2] =	stream.indirect.scatter.add.f32 [tilespmem:s20], [sflag:$0x2], $0x80, s23, s24, $0xb8;
	[tilespmem:$0x16100] =	vst v63  }
0x4b: {  	_ =	swait.ge [sflag:s21], $0x2000  }
0x4c: {  	s30 =	simm.s32 $0x10;
	s29 =	simm.s32 $0x8;
	[sflag:s21] =	ssyncset.done $0x0  }
.LBB2_2:
0x4d: {  	s31 =	sadd.s32 s29, s19  }
0x4e: {  	[sflag:s21] =	ssyncadd.s32 $0xFFFFE000;
	s1 =	smov.u32 s30;
	s0 =	sadd.s32 $0x8, s30  }
0x4f: {  	[tilespmem:s22], [sflag:$0x2] =	stream.linear.gather [hbm4b:s31+s3], $0x40, $0x38;
	[tilespmem:$0x16100] =	vst v63  }
0x50: {  	p0 =	sne.s32 s30, $0x4E8;
	_ =	swait.ge [sflag:s21], $0x40  }
0x51: {  	[sflag:s21] =	ssyncset.done $0x0  }
0x52: {  	s30 =	sadd.s32 s29, s18;
	s29 =	smov.u32 s1;
	[sflag:s21] =	ssyncadd.s32 $0xFFFFFFC0  }
0x53: {  	[tilespmem:s23], [sflag:$0x2] =	stream.linear.gather [hbm4b:s30+s3], $0x40, $0x38;
	[tilespmem:$0x16100] =	vst v63  }
0x54: {  	_ =	swait.ge [sflag:s21], $0x40  }
0x55: {  	[sflag:s21] =	ssyncset.done $0x0  }
0x56: {  	[sflag:s21] =	ssyncadd.s32 $0xFFFFFFC0  }
0x57: {  	[tilespmem:s20], [sflag:$0x1] =	stream.indirect.gather [hbm4b:s4+s24], $0x80, s22, s24, $0xb8;
	[tilespmem:$0x16100] =	vst v63  }
0x58: {  	_ =	swait.ge [sflag:s26], $0x2000  }
.Ltmp0:
0x59: {  	[sflag:s26] =	ssyncset.done $0x0;
	(pc) =	sbr.rel @p0 .LBB2_2-.Ltmp0, $4  }
0x5a: {  	[sflag:s26] =	ssyncadd.s32 $0xFFFFE000  }
0x5b: {  	[spmem:s2] =	stream.indirect.scatter.add.f32 [tilespmem:s20], [sflag:$0x2], $0x80, s23, s24, $0xb8;
	[tilespmem:$0x16100] =	vst v63  }
0x5c: {  	_ =	swait.ge [sflag:s21], $0x2000  }
0x5d: {  	s30 =	smov.u32 s0;
	[sflag:s21] =	ssyncset.done $0x0  }
0x5e: {  	s0 =	sadd.s32 s29, s19;
	[sflag:s21] =	ssyncadd.s32 $0xFFFFE000  }
0x5f: {  	[tilespmem:s22], [sflag:$0x2] =	stream.linear.gather [hbm4b:s0+s3], $0x40, $0x38;
	[tilespmem:$0x16100] =	vst v63  }
0x60: {  	_ =	swait.ge [sflag:s21], $0x40  }
0x61: {  	[sflag:s21] =	ssyncset.done $0x0  }
0x62: {  	s30 =	sadd.s32 s29, s18;
	[sflag:s21] =	ssyncadd.s32 $0xFFFFFFC0  }
0x63: {  	[tilespmem:s23], [sflag:$0x2] =	stream.linear.gather [hbm4b:s30+s3], $0x40, $0x38;
	[tilespmem:$0x16100] =	vst v63  }
0x64: {  	_ =	swait.ge [sflag:s21], $0x40  }
0x65: {  	[sflag:s21] =	ssyncset.done $0x0  }
0x66: {  	[sflag:s21] =	ssyncadd.s32 $0xFFFFFFC0  }
0x67: {  	[tilespmem:s20], [sflag:$0x1] =	stream.indirect.gather [hbm4b:s4+s24], $0x80, s22, s24, $0xb8;
	[tilespmem:$0x16100] =	vst v63  }
0x68: {  	_ =	swait.ge [sflag:s26], $0x2000  }
0x69: {  	[sflag:s26] =	ssyncset.done $0x0  }
0x6a: {  	[sflag:s26] =	ssyncadd.s32 $0xFFFFE000  }
0x6b: {  	[spmem:s2] =	stream.indirect.scatter.add.f32 [tilespmem:s20], [sflag:$0x2], $0x80, s23, s24, $0xb8;
	[tilespmem:$0x16100] =	vst v63  }
0x6c: {  	_ =	swait.ge [sflag:s21], $0x2000  }
0x6d: {  	s28 =	sadd.s32 $0x1, s28;
	[sflag:s21] =	ssyncset.done $0x0  }
0x6e: {  	p0 =	sne.s32 s28, s17;
	[sflag:s21] =	ssyncadd.s32 $0xFFFFE000  }
.Ltmp1:
0x6f: {  	s31 =	sshrl.u32 s6, $0x3;
	[bflag:$0x0] =	sbarrier.arrive $0xFFFF;
	(pc) =	sbr.rel @p0 .LBB2_1-.Ltmp1, $4  }
0x70: {  	[hbm:s16], [sflag:s25] =	dma.local [spmem:s31], $0x2800  }
0x71: {  	_ =	swait.ge [sflag:s21], $0x2800  }
0x72: {  	[sflag:s21] =	ssyncset.done $0x0  }
0x73: {  	[sflag:s21] =	ssyncadd.s32 $0xFFFFD800  }
0x74: {  	_ =	sfence.sel $0x180000  }
0x75: {  	[bflag:$0x0] =	sbarrier.arrive $0xFFFF  }
0x76: {  	_ =	strace $0x9000004D  }
0x77: {  	s0 =	stileid.u32;
	[bflag:$0x2] =	sbarrier.arrive $0xFFFF  }
0x78: {  	p0 =	sne.s32 s0, $0x0;
	s0 =	rddreg [dreg:$0x2]  }
0x79: {  	s0 =	sadd.s32 @!p0 $0x100000, s0  }
0x7a: {  	[sflag:s0] =	ssyncadd.tile.s32 @!p0 $0x1;
	_ =	shalt  }
.Lfunc_end2:
_tile_overlayer_lowered:
.L_overlay_start_2:
0x7b: {  	(tag) =	ssettag $0x2  }
0x7c: {  	s0 =	rddreg [dreg:$0x0];
	s2 =	stileid.u32  }
0x7d: {  	s1 =	rddreg [dreg:$0x1];
	p0 =	sne.s32 s2, $0x0  }
0x7e: {  	s3 =	rddreg [dreg:$0x2];
	[bflag:$0x3] =	sbarrier.arrive $0xFFFF;
	s2 =	simm.s32 @!p0 $0x1C02  }
0x7f: {  	[timem:s3], [sflag:s2] =	dma.local @!p0 [hbm:s0], s1  }
0x80: {  	s0 =	simm.s32 @!p0 $0x2  }
0x81: {  	_ =	swait.ge @!p0 [sflag:s0], s1  }
0x82: {  	s1 =	ssub.s32 @!p0 $0x0, s1;
	[sflag:s0] =	ssyncset.done @!p0 $0x0  }
0x83: {  	[sflag:s0] =	ssyncadd.s32 @!p0 s1  }
0x84: {  	[bflag:$0x3] =	sbarrier.arrive $0xFFFF  }
0x85: {  	_ =	shalt  }

// kernel: kernel.21.cloned.1.call-start
scs
__scs_entry_jumppad:
0x0: {  	(pc) =	sbr.rel $0x88, $3  }
0x1: {  	(tag) =	ssettag $0x0;
	lr =	simm.s32 $0x1  }
0x2: {  	[smem:$0x3F9B] =	sst lr;
	_ =	strace $0xD0000000  }
0x3: {  	_ = 	snop  }
0x4: {  	_ = 	snop  }
0x5: {  	_ = 	snop  }
0x6: {  	_ = 	snop  }
0x7: {  	_ = 	snop  }
__scs_overlays_trampoline_lowered:
0x8: {  	[smem:$0x3FAA] =	sst s0  }
0x9: {  	[smem:$0x3FAB] =	sst s1  }
0xa: {  	[smem:$0x3FAC] =	sst s2  }
0xb: {  	[smem:$0x3FAD] =	sst s3  }
0xc: {  	[smem:$0x3FAE] =	sst s4  }
0xd: {  	[smem:$0x3FAF] =	sst s5  }
0xe: {  	[smem:$0x3FB0] =	sst s6  }
0xf: {  	[smem:$0x3FB1] =	sst s7  }
0x10: {  	[smem:$0x3FB2] =	sst s8  }
0x11: {  	[smem:$0x3FB3] =	sst s9;
	s0 =	simm.s32 @!p0 $0x0  }
0x12: {  	s1 =	sld [smem:$0x3F99];
	s0 =	simm.s32 @p0 $0x1  }
0x13: {  	[smem:$0x3FB4] =	sst s0;
	s0 =	simm.s32 @!p1 $0x0  }
0x14: {  	s2 =	sld [smem:$0x3F98];
	s0 =	simm.s32 @p1 $0x1  }
0x15: {  	[smem:$0x3FB5] =	sst s0;
	s0 =	simm.s32 @!p2 $0x0  }
0x16: {  	s3 =	sld [smem:$0x3FDB];
	s0 =	simm.s32 @p2 $0x1  }
0x17: {  	s4 =	simm.s32 $0x1BF5;
	[smem:$0x3FB7] =	sst s0  }
0x18: {  	s0 =	sld [smem:$0x3F9A];
	_ =	swait.ge [sflag:s4], $0x0  }
0x19: {  	s7 =	sld [smem:$0x3F9B]  }
0x1a: {  	s8 =	sadd.s32 $0xFFFFE003, lr  }
0x1b: {  	s9 =	sadd.s32 $0xFFFFFEF7, lr;
	s5 =	simm.s32 $0xFFFFFFFF;
	p2 =	slt.u32 s8, $0xFFFFF086  }
0x1c: {  	p1 =	slt.u32 s9, $0xF7A;
	s5 =	simm.s32 @!p2 $0x0  }
0x1d: {  	s5 =	simm.s32 @p1 $0x1;
	p0 =	seq.s32 s7, s2  }
0x1e: {  	s7 =	smul.u32 @!p0 $0xF7A, s2;
	p2 =	seq.s32 @!p0 s5, $0x0  }
0x1f: {  	s9 =	smul.u32 $0xF7A, s1;
	s8 =	simm.s32 @!p0 $0x1BF5;
	p2 =	por !p2, p0  }
0x20: {  	[sflag:s8] =	ssyncset.s32 @!p0 $0xFFFFF086;
	s6 =	sadd.s32 @!p0 s3, s7;
	s7 =	simm.s32 @!p0 $0x108  }
0x21: {  	s3 =	sadd.s32 s3, s9;
	s6 =	sadd.s32 @!p0 $0x88, s6;
	s7 =	simm.s32 @p2 $0x1082  }
0x22: {  	[simem:s7], [sflag:s8] =	dma.local @!p0 [hbm:s6], $0xF7A  }
0x23: {  	s9 =	sor.u32 $0xD0000000, s2;
	s6 =	simm.s32 $0x108;
	_ =	swait.ge @!p0 [sflag:s8], $0x0  }
0x24: {  	s3 =	sadd.s32 $0x88, s3;
	s6 =	simm.s32 @!p1 $0x1082;
	[sflag:s4] =	ssyncset.s32 $0xFFFFF086  }
0x25: {  	[simem:s6], [sflag:s4] =	dma.local [hbm:s3], $0xF7A  }
0x26: {  	[smem:$0x3F9B] =	sst s1;
	(tag) =	ssettag s2;
	_ =	strace s9  }
0x27: {  	s1 =	sld [smem:$0x3FAB]  }
0x28: {  	s2 =	sld [smem:$0x3FAC]  }
0x29: {  	s4 =	sld [smem:$0x3FAE]  }
0x2a: {  	p0 =	seq.s32 s5, $0x0;
	s5 =	sld [smem:$0x3FAF]  }
0x2b: {  	s6 =	sld [smem:$0x3FB0]  }
0x2c: {  	s7 =	sld [smem:$0x3FB1]  }
0x2d: {  	s3 =	simm.s32 $0x108;
	s8 =	sld [smem:$0x3FB2]  }
0x2e: {  	s3 =	simm.s32 @!p0 $0x1082;
	s9 =	sld [smem:$0x3FB3]  }
0x2f: {  	lr =	sadd.s32 s0, s3;
	s0 =	sld [smem:$0x3FAA]  }
0x30: {  	s3 =	sld [smem:$0x3FAD]  }
0x31: {  	[smem:$0x3FB6] =	sst s10  }
0x32: {  	s10 =	sld [smem:$0x3FB4];
	_ =	sdelay $0x3  }
0x33: {  	p0 =	seq.s32 s10, $0x1;
	s10 =	sld [smem:$0x3FB6];
	_ =	sdelay $0x3  }
0x34: {  	[smem:$0x3FB6] =	sst s10  }
0x35: {  	s10 =	sld [smem:$0x3FB5];
	_ =	sdelay $0x3  }
0x36: {  	p1 =	seq.s32 s10, $0x1;
	s10 =	sld [smem:$0x3FB6];
	_ =	sdelay $0x3  }
0x37: {  	[smem:$0x3FB6] =	sst s10  }
0x38: {  	s10 =	sld [smem:$0x3FB7]  }
0x39: {  	_ = 	snop;
	(pc) =	sbr.ind lr, $3  }
0x3a: {  	_ = 	snop  }
0x3b: {  	_ = 	snop  }
0x3c: {  	p2 =	seq.s32 s10, $0x1;
	s10 =	sld [smem:$0x3FB6]  }
0x3d: {  	_ =	shalt  }
0x3e: {  	_ =	shalt  }
0x3f: {  	_ =	shalt  }
0x40: {  	_ =	shalt  }
0x41: {  	_ =	shalt  }
0x42: {  	_ =	shalt  }
0x43: {  	_ =	shalt  }
0x44: {  	_ =	shalt  }
0x45: {  	_ =	shalt  }
0x46: {  	_ =	shalt  }
0x47: {  	_ =	shalt  }
0x48: {  	_ =	shalt  }
0x49: {  	_ =	shalt  }
0x4a: {  	_ =	shalt  }
0x4b: {  	_ =	shalt  }
0x4c: {  	_ =	shalt  }
0x4d: {  	_ =	shalt  }
0x4e: {  	_ =	shalt  }
0x4f: {  	_ =	shalt  }
0x50: {  	_ =	shalt  }
0x51: {  	_ =	shalt  }
0x52: {  	_ =	shalt  }
0x53: {  	_ =	shalt  }
0x54: {  	_ =	shalt  }
0x55: {  	_ =	shalt  }
0x56: {  	_ =	shalt  }
0x57: {  	_ =	shalt  }
0x58: {  	_ =	shalt  }
0x59: {  	_ =	shalt  }
0x5a: {  	_ =	shalt  }
0x5b: {  	_ =	shalt  }
0x5c: {  	_ =	shalt  }
0x5d: {  	_ =	shalt  }
0x5e: {  	_ =	shalt  }
0x5f: {  	_ =	shalt  }
0x60: {  	_ =	shalt  }
0x61: {  	_ =	shalt  }
0x62: {  	_ =	shalt  }
0x63: {  	_ =	shalt  }
0x64: {  	_ =	shalt  }
0x65: {  	_ =	shalt  }
0x66: {  	_ =	shalt  }
0x67: {  	_ =	shalt  }
0x68: {  	_ =	shalt  }
0x69: {  	_ =	shalt  }
0x6a: {  	_ =	shalt  }
0x6b: {  	_ =	shalt  }
0x6c: {  	_ =	shalt  }
0x6d: {  	_ =	shalt  }
0x6e: {  	_ =	shalt  }
0x6f: {  	_ =	shalt  }
0x70: {  	_ =	shalt  }
0x71: {  	_ =	shalt  }
0x72: {  	_ =	shalt  }
0x73: {  	_ =	shalt  }
0x74: {  	_ =	shalt  }
0x75: {  	_ =	shalt  }
0x76: {  	_ =	shalt  }
0x77: {  	_ =	shalt  }
0x78: {  	_ =	shalt  }
0x79: {  	_ =	shalt  }
0x7a: {  	_ =	shalt  }
0x7b: {  	_ =	shalt  }
0x7c: {  	_ =	shalt  }
0x7d: {  	_ =	shalt  }
0x7e: {  	_ =	shalt  }
0x7f: {  	_ =	shalt  }
0x80: {  	_ =	shalt  }
0x81: {  	_ =	shalt  }
0x82: {  	_ =	shalt  }
0x83: {  	_ =	shalt  }
0x84: {  	_ =	shalt  }
0x85: {  	_ =	shalt  }
0x86: {  	_ =	shalt  }
0x87: {  	_ =	shalt  }
.Lfunc_end0:
.L_simem_size_0:
called_computation.3_lowered:
.L_overlay_start_0:
0x88: {  	s2 =	sld [smem:$0x3FD9]  }
0x89: {  	s3 =	sld [smem:$0x3FFE];
	_ =	sdelay $0x1  }
0x8a: {  	s1 =	srdreg.scid  }
0x8b: {  	s0 =	sand.u32 $0x1, s1  }
0x8c: {  	s16 =	sshll.u32 s0, $0xA;
	s2 =	sadd.s32 s3, s2  }
0x8d: {  	s2 =	sadd.s32 s2, s16  }
0x8e: {  	[smem:$0x3FC2] =	sst s2  }
0x8f: {  	_ = 	snop  }
0x90: {  	(tm) =	ssettm $0x1  }
0x91: {  	s17 =	sld [smem:$0x3FFB];
	_ =	sdelay $0x3  }
0x92: {  	_ =	strace s17  }
0x93: {  	s2 =	sld [smem:$0x3FFC];
	_ =	sdelay $0x3  }
0x94: {  	_ =	strace s2  }
0x95: {  	s2 =	sld [smem:$0x3FFD];
	_ =	sdelay $0x3  }
0x96: {  	_ =	strace s2  }
0x97: {  	_ =	strace $0x8FFFFFFF  }
0x98: {  	s18 =	sld [smem:$0x3FDB];
	_ =	sdelay $0x1  }
0x99: {  	s19 =	simm.s32 $_scs_section_size  }
0x9a: {  	s4 =	simm.s32 $_size__tile_overlayer_lowered;
	s5 =	simm.s32 $_tile_overlayer_lowered  }
0x9b: {  	s22 =	simm.s32 $0x1BFF;
	s21 =	sshll.u32 s5, $0x1;
	s2 =	sadd.s32 s19, s18  }
0x9c: {  	s6 =	simm.s32 $0x0;
	s20 =	sshll.u32 s4, $0x1;
	s4 =	sadd.s32 s21, s2  }
0x9d: {  	[timem:s6], [sflag:s22] =	dma.local [hbm:s4], s20  }
0x9e: {  	_ =	swait.ge [sflag:s22], s20  }
0x9f: {  	s3 =	ssub.s32 $0x0, s20;
	[sflag:s22] =	ssyncset.done $0x0  }
0xa0: {  	[sflag:s22] =	ssyncadd.s32 s3;
	_ =	sdelay $0x1  }
0xa1: {  	s23 =	simm.s32 $0x1B8B  }
0xa2: {  	_ =	swait.ge [sflag:s23], $0x1  }
0xa3: {  	[sflag:s23] =	ssyncset.done $0x0  }
0xa4: {  	s25 =	simm.s32 $0x1B8E;
	s24 =	sld [smem:$0x3FFE];
	[sflag:s23] =	ssyncadd.s32 $0xFFFFFFFF  }
0xa5: {  	s26 =	simm.s32 $execute0_lowered;
	[smem:$0x3FD2] =	sst s25  }
0xa6: {  	s4 =	sshll.u32 s26, $0x1;
	_ =	strace $0x8000004F;
	[dreg:$0x1] =	wrdreg $0xFFFFFFFF  }
0xa7: {  	s28 =	simm.s32 $_size_execute0_lowered;
	s2 =	sadd.s32 s2, s4;
	[dreg:$0x0] =	wrdreg $0x0  }
0xa8: {  	s4 =	sshll.u32 s28, $0x1;
	[dreg:$0x2] =	wrdreg s2  }
0xa9: {  	[dreg:$0x3] =	wrdreg s4  }
0xaa: {  	[dreg:$0x4] =	wrdreg $0xC0  }
0xab: {  	_ =	task [dreg:s6], $0x5FFFF  }
0xac: {  	[dreg:$0x1] =	wrdreg $0xFFFFFFFF  }
0xad: {  	[dreg:$0x0] =	wrdreg $0x60  }
0xae: {  	[dreg:$0x2] =	wrdreg s24  }
0xaf: {  	[dreg:$0x3] =	wrdreg $0x0  }
0xb0: {  	[dreg:$0x4] =	wrdreg $0x9  }
0xb1: {  	_ =	task.clear_ibuf [dreg:s6], $0x5FFFF;
	_ =	strace $0x9000004F  }
0xb2: {  	s29 =	simm.s32 $0x9;
	_ =	strace $0x80000051  }
0xb3: {  	_ =	swait.ge [sflag:s29], $0x1  }
0xb4: {  	[sflag:s29] =	ssyncadd.s32 $0xFFFFFFFF  }
0xb5: {  	_ =	strace $0x90000051  }
0xb6: {  	_ =	sfence  }
0xb7: {  	s30 =	sld [smem:$0x0];
	_ =	sdelay $0x2  }
0xb8: {  	s31 =	sshll.u32 s1, $0xD;
	s1 =	sshrl.u32 s1, $0x2  }
0xb9: {  	s3 =	sand.u32 $0x4000, s31;
	s1 =	sadd.s32 s1, s30  }
0xba: {  	s0 =	sor.u32 s3, s0;
	s1 =	sshll.u32 s1, $0x11  }
0xbb: {  	s0 =	sor.u32 s1, s0  }
0xbc: {  	s0 =	sadd.s32 $0x8F2B, s0  }
0xbd: {  	[sflag:s0] =	ssyncadd.remote.s32 $0x1  }
0xbe: {  	_ =	sfence.sel $0xFFFF  }
0xbf: {  	[dreg:$0x0] =	wrdreg $0xFFFFFFFF;
	(pc) =	sbr.abs _section_cstart, $3  }
0xc0: {  	[dreg:$0x1] =	wrdreg $0xFFFFFFFF  }
0xc1: {  	_ =	task.clear_ibuf [dreg:s6], $0x2FFFF;
	_ =	strace $0x9FFFFFFF  }
0xc2: {  	(tm) =	ssettm $0x7FFFFFFF  }
0xc3: {  	_ =	shalt  }
tec
execute0_lowered:
.L_overlay_start_1:
0x0: {  	(tag) =	ssettag $0x1  }
0x1: {  	s0 =	srdreg.scid;
	s7 =	rddreg [dreg:$0x0]  }
0x2: {  	s29 =	stileid.u32;
	s2 =	rddreg [dreg:$0x1];
	s3 =	simm.s32 $0x0  }
0x3: {  	s20 =	simm.s32 $0x14100;
	s21 =	simm.s32 $0x2;
	s22 =	simm.s32 $0x14000  }
0x4: {  	s23 =	simm.s32 $0x14080;
	s24 =	simm.s32 $0x40;
	s5 =	smul.u32 $0x2780, s29  }
0x5: {  	s26 =	simm.s32 $0x1;
	s28 =	simm.s32 $0x0;
	s8 =	smul.u32 $0x2800, s29  }
0x6: {  	s6 =	sand.u32 $0x1, s0;
	[smem:$0x7FF] =	sst s3;
	s9 =	smul.u32 $0x50000, s29  }
0x7: {  	s25 =	sshll.u32 s29, $0x6;
	s4 =	smul.u32 $0x27800, s6;
	_ =	strace $0x80000050  }
0x8: {  	s10 =	smul.u32 $0x28000, s6;
	s11 =	ssub.s32 $0x2, s6;
	s25 =	sor.u32 $0x1C02, s25  }
0x9: {  	s30 =	sshrl.u32 s9, $0x2;
	s31 =	sshrl.u32 s11, $0x1;
	s4 =	sadd.s32 s5, s4  }
0xa: {  	s8 =	sadd.s32 s8, s10;
	s6 =	sadd.s32 s30, s2;
	s17 =	ssub.s32 s11, s31  }
0xb: {  	s5 =	sshrl.u32 s4, $0x3;
	s4 =	sadd.s32 $0x15C00, s7;
	s16 =	sadd.s32 s8, s7  }
0xc: {  	s8 =	sadd.s32 $0x4000, s6;
	s9 =	sadd.s32 $0x6000, s6;
	s10 =	sadd.s32 $0x8000, s6  }
0xd: {  	s11 =	sadd.s32 $0xA000, s6;
	s12 =	sadd.s32 $0xC000, s6;
	s13 =	sadd.s32 $0xE000, s6  }
0xe: {  	s14 =	sadd.s32 $0x10000, s6;
	s15 =	sadd.s32 $0x12000, s6;
	s17 =	smax.u32 s17, $0x1  }
0xf: {  	s19 =	sadd.s32 s5, s7;
	s5 =	sadd.s32 $0x3DC00, s7;
	s7 =	sadd.s32 $0x2000, s6  }
0x10: {  	s16 =	sadd.s32 $0x3E000, s16;
	s18 =	sadd.s32 $0xBE00, s19;
	s19 =	sadd.s32 $0x2000, s19  }
.LBB2_1:
0x11: {  	[tilespmem:s20], [sflag:$0x2] =	stream.linear.gather [hbm4b:s5+s3], $0x2000, $0x38;
	[tilespmem:$0x16100] =	vst v63  }
0x12: {  	_ =	swait.ge [sflag:s21], $0x2000  }
0x13: {  	[sflag:s21] =	ssyncset.done $0x0  }
0x14: {  	[sflag:s21] =	ssyncadd.s32 $0xFFFFE000  }
0x15: {  	[spmem:s6] =	stream.linear.scatter [tilespmem:s20], [sflag:$0x2], $0x2000, $0x38;
	[tilespmem:$0x16100] =	vst v63  }
0x16: {  	_ =	swait.ge [sflag:s21], $0x2000  }
0x17: {  	[sflag:s21] =	ssyncset.done $0x0  }
0x18: {  	[sflag:s21] =	ssyncadd.s32 $0xFFFFE000  }
0x19: {  	[spmem:s7] =	stream.linear.scatter [tilespmem:s20], [sflag:$0x2], $0x2000, $0x38;
	[tilespmem:$0x16100] =	vst v63  }
0x1a: {  	_ =	swait.ge [sflag:s21], $0x2000  }
0x1b: {  	[sflag:s21] =	ssyncset.done $0x0  }
0x1c: {  	[sflag:s21] =	ssyncadd.s32 $0xFFFFE000  }
0x1d: {  	[spmem:s8] =	stream.linear.scatter [tilespmem:s20], [sflag:$0x2], $0x2000, $0x38;
	[tilespmem:$0x16100] =	vst v63  }
0x1e: {  	_ =	swait.ge [sflag:s21], $0x2000  }
0x1f: {  	[sflag:s21] =	ssyncset.done $0x0  }
0x20: {  	[sflag:s21] =	ssyncadd.s32 $0xFFFFE000  }
0x21: {  	[spmem:s9] =	stream.linear.scatter [tilespmem:s20], [sflag:$0x2], $0x2000, $0x38;
	[tilespmem:$0x16100] =	vst v63  }
0x22: {  	_ =	swait.ge [sflag:s21], $0x2000  }
0x23: {  	[sflag:s21] =	ssyncset.done $0x0  }
0x24: {  	[sflag:s21] =	ssyncadd.s32 $0xFFFFE000  }
0x25: {  	[spmem:s10] =	stream.linear.scatter [tilespmem:s20], [sflag:$0x2], $0x2000, $0x38;
	[tilespmem:$0x16100] =	vst v63  }
0x26: {  	_ =	swait.ge [sflag:s21], $0x2000  }
0x27: {  	[sflag:s21] =	ssyncset.done $0x0  }
0x28: {  	[sflag:s21] =	ssyncadd.s32 $0xFFFFE000  }
0x29: {  	[spmem:s11] =	stream.linear.scatter [tilespmem:s20], [sflag:$0x2], $0x2000, $0x38;
	[tilespmem:$0x16100] =	vst v63  }
0x2a: {  	_ =	swait.ge [sflag:s21], $0x2000  }
0x2b: {  	[sflag:s21] =	ssyncset.done $0x0  }
0x2c: {  	[sflag:s21] =	ssyncadd.s32 $0xFFFFE000  }
0x2d: {  	[spmem:s12] =	stream.linear.scatter [tilespmem:s20], [sflag:$0x2], $0x2000, $0x38;
	[tilespmem:$0x16100] =	vst v63  }
0x2e: {  	_ =	swait.ge [sflag:s21], $0x2000  }
0x2f: {  	[sflag:s21] =	ssyncset.done $0x0  }
0x30: {  	[sflag:s21] =	ssyncadd.s32 $0xFFFFE000  }
0x31: {  	[spmem:s13] =	stream.linear.scatter [tilespmem:s20], [sflag:$0x2], $0x2000, $0x38;
	[tilespmem:$0x16100] =	vst v63  }
0x32: {  	_ =	swait.ge [sflag:s21], $0x2000  }
0x33: {  	[sflag:s21] =	ssyncset.done $0x0  }
0x34: {  	[sflag:s21] =	ssyncadd.s32 $0xFFFFE000  }
0x35: {  	[spmem:s14] =	stream.linear.scatter [tilespmem:s20], [sflag:$0x2], $0x2000, $0x38;
	[tilespmem:$0x16100] =	vst v63  }
0x36: {  	_ =	swait.ge [sflag:s21], $0x2000  }
0x37: {  	[sflag:s21] =	ssyncset.done $0x0  }
0x38: {  	[sflag:s21] =	ssyncadd.s32 $0xFFFFE000  }
0x39: {  	[spmem:s15] =	stream.linear.scatter [tilespmem:s20], [sflag:$0x2], $0x2000, $0x38;
	[tilespmem:$0x16100] =	vst v63  }
0x3a: {  	_ =	swait.ge [sflag:s21], $0x2000  }
0x3b: {  	[sflag:s21] =	ssyncset.done $0x0  }
0x3c: {  	[sflag:s21] =	ssyncadd.s32 $0xFFFFE000  }
0x3d: {  	s29 =	sadd.s32 $0x0, s19;
	[bflag:$0x0] =	sbarrier.arrive $0xFFFF  }
0x3e: {  	[tilespmem:s22], [sflag:$0x2] =	stream.linear.gather [hbm4b:s29+s3], $0x40, $0x38;
	[tilespmem:$0x16100] =	vst v63  }
0x3f: {  	_ =	swait.ge [sflag:s21], $0x40  }
0x40: {  	[sflag:s21] =	ssyncset.done $0x0  }
0x41: {  	s29 =	sadd.s32 $0x0, s18;
	[sflag:s21] =	ssyncadd.s32 $0xFFFFFFC0  }
0x42: {  	[tilespmem:s23], [sflag:$0x2] =	stream.linear.gather [hbm4b:s29+s3], $0x40, $0x38;
	[tilespmem:$0x16100] =	vst v63  }
0x43: {  	_ =	swait.ge [sflag:s21], $0x40  }
0x44: {  	[sflag:s21] =	ssyncset.done $0x0  }
0x45: {  	[sflag:s21] =	ssyncadd.s32 $0xFFFFFFC0  }
0x46: {  	[tilespmem:s20], [sflag:$0x1] =	stream.indirect.gather [hbm4b:s4+s24], $0x80, s22, s24, $0xb8;
	[tilespmem:$0x16100] =	vst v63  }
0x47: {  	_ =	swait.ge [sflag:s26], $0x2000  }
0x48: {  	[sflag:s26] =	ssyncset.done $0x0  }
0x49: {  	[sflag:s26] =	ssyncadd.s32 $0xFFFFE000  }
0x4a: {  	[spmem:s2] =	stream.indirect.scatter.add.f32 [tilespmem:s20], [sflag:$0x2], $0x80, s23, s24, $0xb8;
	[tilespmem:$0x16100] =	vst v63  }
0x4b: {  	_ =	swait.ge [sflag:s21], $0x2000  }
0x4c: {  	s30 =	simm.s32 $0x10;
	s29 =	simm.s32 $0x8;
	[sflag:s21] =	ssyncset.done $0x0  }
.LBB2_2:
0x4d: {  	s31 =	sadd.s32 s29, s19  }
0x4e: {  	[sflag:s21] =	ssyncadd.s32 $0xFFFFE000;
	s1 =	smov.u32 s30;
	s0 =	sadd.s32 $0x8, s30  }
0x4f: {  	[tilespmem:s22], [sflag:$0x2] =	stream.linear.gather [hbm4b:s31+s3], $0x40, $0x38;
	[tilespmem:$0x16100] =	vst v63  }
0x50: {  	p0 =	sne.s32 s30, $0x4E8;
	_ =	swait.ge [sflag:s21], $0x40  }
0x51: {  	[sflag:s21] =	ssyncset.done $0x0  }
0x52: {  	s30 =	sadd.s32 s29, s18;
	s29 =	smov.u32 s1;
	[sflag:s21] =	ssyncadd.s32 $0xFFFFFFC0  }
0x53: {  	[tilespmem:s23], [sflag:$0x2] =	stream.linear.gather [hbm4b:s30+s3], $0x40, $0x38;
	[tilespmem:$0x16100] =	vst v63  }
0x54: {  	_ =	swait.ge [sflag:s21], $0x40  }
0x55: {  	[sflag:s21] =	ssyncset.done $0x0  }
0x56: {  	[sflag:s21] =	ssyncadd.s32 $0xFFFFFFC0  }
0x57: {  	[tilespmem:s20], [sflag:$0x1] =	stream.indirect.gather [hbm4b:s4+s24], $0x80, s22, s24, $0xb8;
	[tilespmem:$0x16100] =	vst v63  }
0x58: {  	_ =	swait.ge [sflag:s26], $0x2000  }
.Ltmp0:
0x59: {  	[sflag:s26] =	ssyncset.done $0x0;
	(pc) =	sbr.rel @p0 .LBB2_2-.Ltmp0, $4  }
0x5a: {  	[sflag:s26] =	ssyncadd.s32 $0xFFFFE000  }
0x5b: {  	[spmem:s2] =	stream.indirect.scatter.add.f32 [tilespmem:s20], [sflag:$0x2], $0x80, s23, s24, $0xb8;
	[tilespmem:$0x16100] =	vst v63  }
0x5c: {  	_ =	swait.ge [sflag:s21], $0x2000  }
0x5d: {  	s30 =	smov.u32 s0;
	[sflag:s21] =	ssyncset.done $0x0  }
0x5e: {  	s0 =	sadd.s32 s29, s19;
	[sflag:s21] =	ssyncadd.s32 $0xFFFFE000  }
0x5f: {  	[tilespmem:s22], [sflag:$0x2] =	stream.linear.gather [hbm4b:s0+s3], $0x40, $0x38;
	[tilespmem:$0x16100] =	vst v63  }
0x60: {  	_ =	swait.ge [sflag:s21], $0x40  }
0x61: {  	[sflag:s21] =	ssyncset.done $0x0  }
0x62: {  	s30 =	sadd.s32 s29, s18;
	[sflag:s21] =	ssyncadd.s32 $0xFFFFFFC0  }
0x63: {  	[tilespmem:s23], [sflag:$0x2] =	stream.linear.gather [hbm4b:s30+s3], $0x40, $0x38;
	[tilespmem:$0x16100] =	vst v63  }
0x64: {  	_ =	swait.ge [sflag:s21], $0x40  }
0x65: {  	[sflag:s21] =	ssyncset.done $0x0  }
0x66: {  	[sflag:s21] =	ssyncadd.s32 $0xFFFFFFC0  }
0x67: {  	[tilespmem:s20], [sflag:$0x1] =	stream.indirect.gather [hbm4b:s4+s24], $0x80, s22, s24, $0xb8;
	[tilespmem:$0x16100] =	vst v63  }
0x68: {  	_ =	swait.ge [sflag:s26], $0x2000  }
0x69: {  	[sflag:s26] =	ssyncset.done $0x0  }
0x6a: {  	[sflag:s26] =	ssyncadd.s32 $0xFFFFE000  }
0x6b: {  	[spmem:s2] =	stream.indirect.scatter.add.f32 [tilespmem:s20], [sflag:$0x2], $0x80, s23, s24, $0xb8;
	[tilespmem:$0x16100] =	vst v63  }
0x6c: {  	_ =	swait.ge [sflag:s21], $0x2000  }
0x6d: {  	s28 =	sadd.s32 $0x1, s28;
	[sflag:s21] =	ssyncset.done $0x0  }
0x6e: {  	p0 =	sne.s32 s28, s17;
	[sflag:s21] =	ssyncadd.s32 $0xFFFFE000  }
.Ltmp1:
0x6f: {  	s31 =	sshrl.u32 s6, $0x3;
	[bflag:$0x0] =	sbarrier.arrive $0xFFFF;
	(pc) =	sbr.rel @p0 .LBB2_1-.Ltmp1, $4  }
0x70: {  	[hbm:s16], [sflag:s25] =	dma.local [spmem:s31], $0x2800  }
0x71: {  	_ =	swait.ge [sflag:s21], $0x2800  }
0x72: {  	[sflag:s21] =	ssyncset.done $0x0  }
0x73: {  	[sflag:s21] =	ssyncadd.s32 $0xFFFFD800  }
0x74: {  	_ =	sfence.sel $0x180000  }
0x75: {  	[bflag:$0x0] =	sbarrier.arrive $0xFFFF  }
0x76: {  	_ =	strace $0x90000050  }
0x77: {  	s0 =	stileid.u32;
	[bflag:$0x2] =	sbarrier.arrive $0xFFFF  }
0x78: {  	p0 =	sne.s32 s0, $0x0;
	s0 =	rddreg [dreg:$0x2]  }
0x79: {  	s0 =	sadd.s32 @!p0 $0x100000, s0  }
0x7a: {  	[sflag:s0] =	ssyncadd.tile.s32 @!p0 $0x1;
	_ =	shalt  }
.Lfunc_end2:
_tile_overlayer_lowered:
.L_overlay_start_2:
0x7b: {  	(tag) =	ssettag $0x2  }
0x7c: {  	s0 =	rddreg [dreg:$0x0];
	s2 =	stileid.u32  }
0x7d: {  	s1 =	rddreg [dreg:$0x1];
	p0 =	sne.s32 s2, $0x0  }
0x7e: {  	s3 =	rddreg [dreg:$0x2];
	[bflag:$0x3] =	sbarrier.arrive $0xFFFF;
	s2 =	simm.s32 @!p0 $0x1C02  }
0x7f: {  	[timem:s3], [sflag:s2] =	dma.local @!p0 [hbm:s0], s1  }
0x80: {  	s0 =	simm.s32 @!p0 $0x2  }
0x81: {  	_ =	swait.ge @!p0 [sflag:s0], s1  }
0x82: {  	s1 =	ssub.s32 @!p0 $0x0, s1;
	[sflag:s0] =	ssyncset.done @!p0 $0x0  }
0x83: {  	[sflag:s0] =	ssyncadd.s32 @!p0 s1  }
0x84: {  	[bflag:$0x3] =	sbarrier.arrive $0xFFFF  }
0x85: {  	_ =	shalt  }

// kernel: kernel.24.cloned.1.call-start
scs
__scs_entry_jumppad:
0x0: {  	(pc) =	sbr.rel $0x88, $3  }
0x1: {  	(tag) =	ssettag $0x0;
	lr =	simm.s32 $0x1  }
0x2: {  	[smem:$0x3F9B] =	sst lr;
	_ =	strace $0xD0000000  }
0x3: {  	_ = 	snop  }
0x4: {  	_ = 	snop  }
0x5: {  	_ = 	snop  }
0x6: {  	_ = 	snop  }
0x7: {  	_ = 	snop  }
__scs_overlays_trampoline_lowered:
0x8: {  	[smem:$0x3FAA] =	sst s0  }
0x9: {  	[smem:$0x3FAB] =	sst s1  }
0xa: {  	[smem:$0x3FAC] =	sst s2  }
0xb: {  	[smem:$0x3FAD] =	sst s3  }
0xc: {  	[smem:$0x3FAE] =	sst s4  }
0xd: {  	[smem:$0x3FAF] =	sst s5  }
0xe: {  	[smem:$0x3FB0] =	sst s6  }
0xf: {  	[smem:$0x3FB1] =	sst s7  }
0x10: {  	[smem:$0x3FB2] =	sst s8  }
0x11: {  	[smem:$0x3FB3] =	sst s9;
	s0 =	simm.s32 @!p0 $0x0  }
0x12: {  	s1 =	sld [smem:$0x3F99];
	s0 =	simm.s32 @p0 $0x1  }
0x13: {  	[smem:$0x3FB4] =	sst s0;
	s0 =	simm.s32 @!p1 $0x0  }
0x14: {  	s2 =	sld [smem:$0x3F98];
	s0 =	simm.s32 @p1 $0x1  }
0x15: {  	[smem:$0x3FB5] =	sst s0;
	s0 =	simm.s32 @!p2 $0x0  }
0x16: {  	s3 =	sld [smem:$0x3FDB];
	s0 =	simm.s32 @p2 $0x1  }
0x17: {  	s4 =	simm.s32 $0x1BF5;
	[smem:$0x3FB7] =	sst s0  }
0x18: {  	s0 =	sld [smem:$0x3F9A];
	_ =	swait.ge [sflag:s4], $0x0  }
0x19: {  	s7 =	sld [smem:$0x3F9B]  }
0x1a: {  	s8 =	sadd.s32 $0xFFFFE003, lr  }
0x1b: {  	s9 =	sadd.s32 $0xFFFFFEF7, lr;
	s5 =	simm.s32 $0xFFFFFFFF;
	p2 =	slt.u32 s8, $0xFFFFF086  }
0x1c: {  	p1 =	slt.u32 s9, $0xF7A;
	s5 =	simm.s32 @!p2 $0x0  }
0x1d: {  	s5 =	simm.s32 @p1 $0x1;
	p0 =	seq.s32 s7, s2  }
0x1e: {  	s7 =	smul.u32 @!p0 $0xF7A, s2;
	p2 =	seq.s32 @!p0 s5, $0x0  }
0x1f: {  	s9 =	smul.u32 $0xF7A, s1;
	s8 =	simm.s32 @!p0 $0x1BF5;
	p2 =	por !p2, p0  }
0x20: {  	[sflag:s8] =	ssyncset.s32 @!p0 $0xFFFFF086;
	s6 =	sadd.s32 @!p0 s3, s7;
	s7 =	simm.s32 @!p0 $0x108  }
0x21: {  	s3 =	sadd.s32 s3, s9;
	s6 =	sadd.s32 @!p0 $0x88, s6;
	s7 =	simm.s32 @p2 $0x1082  }
0x22: {  	[simem:s7], [sflag:s8] =	dma.local @!p0 [hbm:s6], $0xF7A  }
0x23: {  	s9 =	sor.u32 $0xD0000000, s2;
	s6 =	simm.s32 $0x108;
	_ =	swait.ge @!p0 [sflag:s8], $0x0  }
0x24: {  	s3 =	sadd.s32 $0x88, s3;
	s6 =	simm.s32 @!p1 $0x1082;
	[sflag:s4] =	ssyncset.s32 $0xFFFFF086  }
0x25: {  	[simem:s6], [sflag:s4] =	dma.local [hbm:s3], $0xF7A  }
0x26: {  	[smem:$0x3F9B] =	sst s1;
	(tag) =	ssettag s2;
	_ =	strace s9  }
0x27: {  	s1 =	sld [smem:$0x3FAB]  }
0x28: {  	s2 =	sld [smem:$0x3FAC]  }
0x29: {  	s4 =	sld [smem:$0x3FAE]  }
0x2a: {  	p0 =	seq.s32 s5, $0x0;
	s5 =	sld [smem:$0x3FAF]  }
0x2b: {  	s6 =	sld [smem:$0x3FB0]  }
0x2c: {  	s7 =	sld [smem:$0x3FB1]  }
0x2d: {  	s3 =	simm.s32 $0x108;
	s8 =	sld [smem:$0x3FB2]  }
0x2e: {  	s3 =	simm.s32 @!p0 $0x1082;
	s9 =	sld [smem:$0x3FB3]  }
0x2f: {  	lr =	sadd.s32 s0, s3;
	s0 =	sld [smem:$0x3FAA]  }
0x30: {  	s3 =	sld [smem:$0x3FAD]  }
0x31: {  	[smem:$0x3FB6] =	sst s10  }
0x32: {  	s10 =	sld [smem:$0x3FB4];
	_ =	sdelay $0x3  }
0x33: {  	p0 =	seq.s32 s10, $0x1;
	s10 =	sld [smem:$0x3FB6];
	_ =	sdelay $0x3  }
0x34: {  	[smem:$0x3FB6] =	sst s10  }
0x35: {  	s10 =	sld [smem:$0x3FB5];
	_ =	sdelay $0x3  }
0x36: {  	p1 =	seq.s32 s10, $0x1;
	s10 =	sld [smem:$0x3FB6];
	_ =	sdelay $0x3  }
0x37: {  	[smem:$0x3FB6] =	sst s10  }
0x38: {  	s10 =	sld [smem:$0x3FB7]  }
0x39: {  	_ = 	snop;
	(pc) =	sbr.ind lr, $3  }
0x3a: {  	_ = 	snop  }
0x3b: {  	_ = 	snop  }
0x3c: {  	p2 =	seq.s32 s10, $0x1;
	s10 =	sld [smem:$0x3FB6]  }
0x3d: {  	_ =	shalt  }
0x3e: {  	_ =	shalt  }
0x3f: {  	_ =	shalt  }
0x40: {  	_ =	shalt  }
0x41: {  	_ =	shalt  }
0x42: {  	_ =	shalt  }
0x43: {  	_ =	shalt  }
0x44: {  	_ =	shalt  }
0x45: {  	_ =	shalt  }
0x46: {  	_ =	shalt  }
0x47: {  	_ =	shalt  }
0x48: {  	_ =	shalt  }
0x49: {  	_ =	shalt  }
0x4a: {  	_ =	shalt  }
0x4b: {  	_ =	shalt  }
0x4c: {  	_ =	shalt  }
0x4d: {  	_ =	shalt  }
0x4e: {  	_ =	shalt  }
0x4f: {  	_ =	shalt  }
0x50: {  	_ =	shalt  }
0x51: {  	_ =	shalt  }
0x52: {  	_ =	shalt  }
0x53: {  	_ =	shalt  }
0x54: {  	_ =	shalt  }
0x55: {  	_ =	shalt  }
0x56: {  	_ =	shalt  }
0x57: {  	_ =	shalt  }
0x58: {  	_ =	shalt  }
0x59: {  	_ =	shalt  }
0x5a: {  	_ =	shalt  }
0x5b: {  	_ =	shalt  }
0x5c: {  	_ =	shalt  }
0x5d: {  	_ =	shalt  }
0x5e: {  	_ =	shalt  }
0x5f: {  	_ =	shalt  }
0x60: {  	_ =	shalt  }
0x61: {  	_ =	shalt  }
0x62: {  	_ =	shalt  }
0x63: {  	_ =	shalt  }
0x64: {  	_ =	shalt  }
0x65: {  	_ =	shalt  }
0x66: {  	_ =	shalt  }
0x67: {  	_ =	shalt  }
0x68: {  	_ =	shalt  }
0x69: {  	_ =	shalt  }
0x6a: {  	_ =	shalt  }
0x6b: {  	_ =	shalt  }
0x6c: {  	_ =	shalt  }
0x6d: {  	_ =	shalt  }
0x6e: {  	_ =	shalt  }
0x6f: {  	_ =	shalt  }
0x70: {  	_ =	shalt  }
0x71: {  	_ =	shalt  }
0x72: {  	_ =	shalt  }
0x73: {  	_ =	shalt  }
0x74: {  	_ =	shalt  }
0x75: {  	_ =	shalt  }
0x76: {  	_ =	shalt  }
0x77: {  	_ =	shalt  }
0x78: {  	_ =	shalt  }
0x79: {  	_ =	shalt  }
0x7a: {  	_ =	shalt  }
0x7b: {  	_ =	shalt  }
0x7c: {  	_ =	shalt  }
0x7d: {  	_ =	shalt  }
0x7e: {  	_ =	shalt  }
0x7f: {  	_ =	shalt  }
0x80: {  	_ =	shalt  }
0x81: {  	_ =	shalt  }
0x82: {  	_ =	shalt  }
0x83: {  	_ =	shalt  }
0x84: {  	_ =	shalt  }
0x85: {  	_ =	shalt  }
0x86: {  	_ =	shalt  }
0x87: {  	_ =	shalt  }
.Lfunc_end0:
.L_simem_size_0:
called_computation.4_lowered:
.L_overlay_start_0:
0x88: {  	s2 =	sld [smem:$0x3FD9]  }
0x89: {  	s3 =	sld [smem:$0x3FFE];
	_ =	sdelay $0x1  }
0x8a: {  	s1 =	srdreg.scid  }
0x8b: {  	s0 =	sand.u32 $0x1, s1  }
0x8c: {  	s16 =	sshll.u32 s0, $0xA;
	s2 =	sadd.s32 s3, s2  }
0x8d: {  	s2 =	sadd.s32 s2, s16  }
0x8e: {  	[smem:$0x3FC2] =	sst s2  }
0x8f: {  	_ = 	snop  }
0x90: {  	(tm) =	ssettm $0x1  }
0x91: {  	s17 =	sld [smem:$0x3FFB];
	_ =	sdelay $0x3  }
0x92: {  	_ =	strace s17  }
0x93: {  	s2 =	sld [smem:$0x3FFC];
	_ =	sdelay $0x3  }
0x94: {  	_ =	strace s2  }
0x95: {  	s2 =	sld [smem:$0x3FFD];
	_ =	sdelay $0x3  }
0x96: {  	_ =	strace s2  }
0x97: {  	_ =	strace $0x8FFFFFFF  }
0x98: {  	s18 =	sld [smem:$0x3FDB];
	_ =	sdelay $0x1  }
0x99: {  	s19 =	simm.s32 $_scs_section_size  }
0x9a: {  	s4 =	simm.s32 $_size__tile_overlayer_lowered;
	s5 =	simm.s32 $_tile_overlayer_lowered  }
0x9b: {  	s22 =	simm.s32 $0x1BFF;
	s21 =	sshll.u32 s5, $0x1;
	s2 =	sadd.s32 s19, s18  }
0x9c: {  	s6 =	simm.s32 $0x0;
	s20 =	sshll.u32 s4, $0x1;
	s4 =	sadd.s32 s21, s2  }
0x9d: {  	[timem:s6], [sflag:s22] =	dma.local [hbm:s4], s20  }
0x9e: {  	_ =	swait.ge [sflag:s22], s20  }
0x9f: {  	s3 =	ssub.s32 $0x0, s20;
	[sflag:s22] =	ssyncset.done $0x0  }
0xa0: {  	[sflag:s22] =	ssyncadd.s32 s3;
	_ =	sdelay $0x1  }
0xa1: {  	s23 =	simm.s32 $0x1B8B  }
0xa2: {  	_ =	swait.ge [sflag:s23], $0x1  }
0xa3: {  	[sflag:s23] =	ssyncset.done $0x0  }
0xa4: {  	s25 =	simm.s32 $0x1B8E;
	s24 =	sld [smem:$0x3FFE];
	[sflag:s23] =	ssyncadd.s32 $0xFFFFFFFF  }
0xa5: {  	s26 =	simm.s32 $execute0_lowered;
	[smem:$0x3FD2] =	sst s25  }
0xa6: {  	s4 =	sshll.u32 s26, $0x1;
	_ =	strace $0x80000052;
	[dreg:$0x1] =	wrdreg $0xFFFFFFFF  }
0xa7: {  	s28 =	simm.s32 $_size_execute0_lowered;
	s2 =	sadd.s32 s2, s4;
	[dreg:$0x0] =	wrdreg $0x0  }
0xa8: {  	s4 =	sshll.u32 s28, $0x1;
	[dreg:$0x2] =	wrdreg s2  }
0xa9: {  	[dreg:$0x3] =	wrdreg s4  }
0xaa: {  	[dreg:$0x4] =	wrdreg $0xC0  }
0xab: {  	_ =	task [dreg:s6], $0x5FFFF  }
0xac: {  	[dreg:$0x1] =	wrdreg $0xFFFFFFFF  }
0xad: {  	[dreg:$0x0] =	wrdreg $0x60  }
0xae: {  	[dreg:$0x2] =	wrdreg s24  }
0xaf: {  	[dreg:$0x3] =	wrdreg $0x0  }
0xb0: {  	[dreg:$0x4] =	wrdreg $0x9  }
0xb1: {  	_ =	task.clear_ibuf [dreg:s6], $0x5FFFF;
	_ =	strace $0x90000052  }
0xb2: {  	s29 =	simm.s32 $0x9;
	_ =	strace $0x80000054  }
0xb3: {  	_ =	swait.ge [sflag:s29], $0x1  }
0xb4: {  	[sflag:s29] =	ssyncadd.s32 $0xFFFFFFFF  }
0xb5: {  	_ =	strace $0x90000054  }
0xb6: {  	_ =	sfence  }
0xb7: {  	s30 =	sld [smem:$0x0];
	_ =	sdelay $0x2  }
0xb8: {  	s31 =	sshll.u32 s1, $0xD;
	s1 =	sshrl.u32 s1, $0x2  }
0xb9: {  	s3 =	sand.u32 $0x4000, s31;
	s1 =	sadd.s32 s1, s30  }
0xba: {  	s0 =	sor.u32 s3, s0;
	s1 =	sshll.u32 s1, $0x11  }
0xbb: {  	s0 =	sor.u32 s1, s0  }
0xbc: {  	s0 =	sadd.s32 $0x8F2B, s0  }
0xbd: {  	[sflag:s0] =	ssyncadd.remote.s32 $0x1  }
0xbe: {  	_ =	sfence.sel $0xFFFF  }
0xbf: {  	[dreg:$0x0] =	wrdreg $0xFFFFFFFF;
	(pc) =	sbr.abs _section_cstart, $3  }
0xc0: {  	[dreg:$0x1] =	wrdreg $0xFFFFFFFF  }
0xc1: {  	_ =	task.clear_ibuf [dreg:s6], $0x2FFFF;
	_ =	strace $0x9FFFFFFF  }
0xc2: {  	(tm) =	ssettm $0x7FFFFFFF  }
0xc3: {  	_ =	shalt  }
tec
execute0_lowered:
.L_overlay_start_1:
0x0: {  	(tag) =	ssettag $0x1  }
0x1: {  	s0 =	srdreg.scid;
	s7 =	rddreg [dreg:$0x0]  }
0x2: {  	s29 =	stileid.u32;
	s2 =	rddreg [dreg:$0x1];
	s3 =	simm.s32 $0x0  }
0x3: {  	s20 =	simm.s32 $0x14100;
	s21 =	simm.s32 $0x2;
	s22 =	simm.s32 $0x14000  }
0x4: {  	s23 =	simm.s32 $0x14080;
	s24 =	simm.s32 $0x40;
	s5 =	smul.u32 $0x2780, s29  }
0x5: {  	s26 =	simm.s32 $0x1;
	s28 =	simm.s32 $0x0;
	s8 =	smul.u32 $0x2800, s29  }
0x6: {  	s6 =	sand.u32 $0x1, s0;
	[smem:$0x7FF] =	sst s3;
	s9 =	smul.u32 $0x50000, s29  }
0x7: {  	s25 =	sshll.u32 s29, $0x6;
	s4 =	smul.u32 $0x27800, s6;
	_ =	strace $0x80000053  }
0x8: {  	s10 =	smul.u32 $0x28000, s6;
	s11 =	ssub.s32 $0x2, s6;
	s25 =	sor.u32 $0x1C02, s25  }
0x9: {  	s30 =	sshrl.u32 s9, $0x2;
	s31 =	sshrl.u32 s11, $0x1;
	s4 =	sadd.s32 s5, s4  }
0xa: {  	s8 =	sadd.s32 s8, s10;
	s6 =	sadd.s32 s30, s2;
	s17 =	ssub.s32 s11, s31  }
0xb: {  	s5 =	sshrl.u32 s4, $0x3;
	s4 =	sadd.s32 $0x15C00, s7;
	s16 =	sadd.s32 s8, s7  }
0xc: {  	s8 =	sadd.s32 $0x4000, s6;
	s9 =	sadd.s32 $0x6000, s6;
	s10 =	sadd.s32 $0x8000, s6  }
0xd: {  	s11 =	sadd.s32 $0xA000, s6;
	s12 =	sadd.s32 $0xC000, s6;
	s13 =	sadd.s32 $0xE000, s6  }
0xe: {  	s14 =	sadd.s32 $0x10000, s6;
	s15 =	sadd.s32 $0x12000, s6;
	s17 =	smax.u32 s17, $0x1  }
0xf: {  	s19 =	sadd.s32 s5, s7;
	s5 =	sadd.s32 $0x3DC00, s7;
	s7 =	sadd.s32 $0x2000, s6  }
0x10: {  	s16 =	sadd.s32 $0x3E000, s16;
	s18 =	sadd.s32 $0x2000, s19;
	s19 =	sadd.s32 $0xBE00, s19  }
.LBB2_1:
0x11: {  	[tilespmem:s20], [sflag:$0x2] =	stream.linear.gather [hbm4b:s5+s3], $0x2000, $0x38;
	[tilespmem:$0x16100] =	vst v63  }
0x12: {  	_ =	swait.ge [sflag:s21], $0x2000  }
0x13: {  	[sflag:s21] =	ssyncset.done $0x0  }
0x14: {  	[sflag:s21] =	ssyncadd.s32 $0xFFFFE000  }
0x15: {  	[spmem:s6] =	stream.linear.scatter [tilespmem:s20], [sflag:$0x2], $0x2000, $0x38;
	[tilespmem:$0x16100] =	vst v63  }
0x16: {  	_ =	swait.ge [sflag:s21], $0x2000  }
0x17: {  	[sflag:s21] =	ssyncset.done $0x0  }
0x18: {  	[sflag:s21] =	ssyncadd.s32 $0xFFFFE000  }
0x19: {  	[spmem:s7] =	stream.linear.scatter [tilespmem:s20], [sflag:$0x2], $0x2000, $0x38;
	[tilespmem:$0x16100] =	vst v63  }
0x1a: {  	_ =	swait.ge [sflag:s21], $0x2000  }
0x1b: {  	[sflag:s21] =	ssyncset.done $0x0  }
0x1c: {  	[sflag:s21] =	ssyncadd.s32 $0xFFFFE000  }
0x1d: {  	[spmem:s8] =	stream.linear.scatter [tilespmem:s20], [sflag:$0x2], $0x2000, $0x38;
	[tilespmem:$0x16100] =	vst v63  }
0x1e: {  	_ =	swait.ge [sflag:s21], $0x2000  }
0x1f: {  	[sflag:s21] =	ssyncset.done $0x0  }
0x20: {  	[sflag:s21] =	ssyncadd.s32 $0xFFFFE000  }
0x21: {  	[spmem:s9] =	stream.linear.scatter [tilespmem:s20], [sflag:$0x2], $0x2000, $0x38;
	[tilespmem:$0x16100] =	vst v63  }
0x22: {  	_ =	swait.ge [sflag:s21], $0x2000  }
0x23: {  	[sflag:s21] =	ssyncset.done $0x0  }
0x24: {  	[sflag:s21] =	ssyncadd.s32 $0xFFFFE000  }
0x25: {  	[spmem:s10] =	stream.linear.scatter [tilespmem:s20], [sflag:$0x2], $0x2000, $0x38;
	[tilespmem:$0x16100] =	vst v63  }
0x26: {  	_ =	swait.ge [sflag:s21], $0x2000  }
0x27: {  	[sflag:s21] =	ssyncset.done $0x0  }
0x28: {  	[sflag:s21] =	ssyncadd.s32 $0xFFFFE000  }
0x29: {  	[spmem:s11] =	stream.linear.scatter [tilespmem:s20], [sflag:$0x2], $0x2000, $0x38;
	[tilespmem:$0x16100] =	vst v63  }
0x2a: {  	_ =	swait.ge [sflag:s21], $0x2000  }
0x2b: {  	[sflag:s21] =	ssyncset.done $0x0  }
0x2c: {  	[sflag:s21] =	ssyncadd.s32 $0xFFFFE000  }
0x2d: {  	[spmem:s12] =	stream.linear.scatter [tilespmem:s20], [sflag:$0x2], $0x2000, $0x38;
	[tilespmem:$0x16100] =	vst v63  }
0x2e: {  	_ =	swait.ge [sflag:s21], $0x2000  }
0x2f: {  	[sflag:s21] =	ssyncset.done $0x0  }
0x30: {  	[sflag:s21] =	ssyncadd.s32 $0xFFFFE000  }
0x31: {  	[spmem:s13] =	stream.linear.scatter [tilespmem:s20], [sflag:$0x2], $0x2000, $0x38;
	[tilespmem:$0x16100] =	vst v63  }
0x32: {  	_ =	swait.ge [sflag:s21], $0x2000  }
0x33: {  	[sflag:s21] =	ssyncset.done $0x0  }
0x34: {  	[sflag:s21] =	ssyncadd.s32 $0xFFFFE000  }
0x35: {  	[spmem:s14] =	stream.linear.scatter [tilespmem:s20], [sflag:$0x2], $0x2000, $0x38;
	[tilespmem:$0x16100] =	vst v63  }
0x36: {  	_ =	swait.ge [sflag:s21], $0x2000  }
0x37: {  	[sflag:s21] =	ssyncset.done $0x0  }
0x38: {  	[sflag:s21] =	ssyncadd.s32 $0xFFFFE000  }
0x39: {  	[spmem:s15] =	stream.linear.scatter [tilespmem:s20], [sflag:$0x2], $0x2000, $0x38;
	[tilespmem:$0x16100] =	vst v63  }
0x3a: {  	_ =	swait.ge [sflag:s21], $0x2000  }
0x3b: {  	[sflag:s21] =	ssyncset.done $0x0  }
0x3c: {  	[sflag:s21] =	ssyncadd.s32 $0xFFFFE000  }
0x3d: {  	s29 =	sadd.s32 $0x0, s19;
	[bflag:$0x0] =	sbarrier.arrive $0xFFFF  }
0x3e: {  	[tilespmem:s22], [sflag:$0x2] =	stream.linear.gather [hbm4b:s29+s3], $0x40, $0x38;
	[tilespmem:$0x16100] =	vst v63  }
0x3f: {  	_ =	swait.ge [sflag:s21], $0x40  }
0x40: {  	[sflag:s21] =	ssyncset.done $0x0  }
0x41: {  	s29 =	sadd.s32 $0x0, s18;
	[sflag:s21] =	ssyncadd.s32 $0xFFFFFFC0  }
0x42: {  	[tilespmem:s23], [sflag:$0x2] =	stream.linear.gather [hbm4b:s29+s3], $0x40, $0x38;
	[tilespmem:$0x16100] =	vst v63  }
0x43: {  	_ =	swait.ge [sflag:s21], $0x40  }
0x44: {  	[sflag:s21] =	ssyncset.done $0x0  }
0x45: {  	[sflag:s21] =	ssyncadd.s32 $0xFFFFFFC0  }
0x46: {  	[tilespmem:s20], [sflag:$0x1] =	stream.indirect.gather [hbm4b:s4+s24], $0x80, s22, s24, $0xb8;
	[tilespmem:$0x16100] =	vst v63  }
0x47: {  	_ =	swait.ge [sflag:s26], $0x2000  }
0x48: {  	[sflag:s26] =	ssyncset.done $0x0  }
0x49: {  	[sflag:s26] =	ssyncadd.s32 $0xFFFFE000  }
0x4a: {  	[spmem:s2] =	stream.indirect.scatter.add.f32 [tilespmem:s20], [sflag:$0x2], $0x80, s23, s24, $0xb8;
	[tilespmem:$0x16100] =	vst v63  }
0x4b: {  	_ =	swait.ge [sflag:s21], $0x2000  }
0x4c: {  	s30 =	simm.s32 $0x10;
	s29 =	simm.s32 $0x8;
	[sflag:s21] =	ssyncset.done $0x0  }
.LBB2_2:
0x4d: {  	s31 =	sadd.s32 s29, s19  }
0x4e: {  	[sflag:s21] =	ssyncadd.s32 $0xFFFFE000;
	s1 =	smov.u32 s30;
	s0 =	sadd.s32 $0x8, s30  }
0x4f: {  	[tilespmem:s22], [sflag:$0x2] =	stream.linear.gather [hbm4b:s31+s3], $0x40, $0x38;
	[tilespmem:$0x16100] =	vst v63  }
0x50: {  	p0 =	sne.s32 s30, $0x4E8;
	_ =	swait.ge [sflag:s21], $0x40  }
0x51: {  	[sflag:s21] =	ssyncset.done $0x0  }
0x52: {  	s30 =	sadd.s32 s29, s18;
	s29 =	smov.u32 s1;
	[sflag:s21] =	ssyncadd.s32 $0xFFFFFFC0  }
0x53: {  	[tilespmem:s23], [sflag:$0x2] =	stream.linear.gather [hbm4b:s30+s3], $0x40, $0x38;
	[tilespmem:$0x16100] =	vst v63  }
0x54: {  	_ =	swait.ge [sflag:s21], $0x40  }
0x55: {  	[sflag:s21] =	ssyncset.done $0x0  }
0x56: {  	[sflag:s21] =	ssyncadd.s32 $0xFFFFFFC0  }
0x57: {  	[tilespmem:s20], [sflag:$0x1] =	stream.indirect.gather [hbm4b:s4+s24], $0x80, s22, s24, $0xb8;
	[tilespmem:$0x16100] =	vst v63  }
0x58: {  	_ =	swait.ge [sflag:s26], $0x2000  }
.Ltmp0:
0x59: {  	[sflag:s26] =	ssyncset.done $0x0;
	(pc) =	sbr.rel @p0 .LBB2_2-.Ltmp0, $4  }
0x5a: {  	[sflag:s26] =	ssyncadd.s32 $0xFFFFE000  }
0x5b: {  	[spmem:s2] =	stream.indirect.scatter.add.f32 [tilespmem:s20], [sflag:$0x2], $0x80, s23, s24, $0xb8;
	[tilespmem:$0x16100] =	vst v63  }
0x5c: {  	_ =	swait.ge [sflag:s21], $0x2000  }
0x5d: {  	s30 =	smov.u32 s0;
	[sflag:s21] =	ssyncset.done $0x0  }
0x5e: {  	s0 =	sadd.s32 s29, s19;
	[sflag:s21] =	ssyncadd.s32 $0xFFFFE000  }
0x5f: {  	[tilespmem:s22], [sflag:$0x2] =	stream.linear.gather [hbm4b:s0+s3], $0x40, $0x38;
	[tilespmem:$0x16100] =	vst v63  }
0x60: {  	_ =	swait.ge [sflag:s21], $0x40  }
0x61: {  	[sflag:s21] =	ssyncset.done $0x0  }
0x62: {  	s30 =	sadd.s32 s29, s18;
	[sflag:s21] =	ssyncadd.s32 $0xFFFFFFC0  }
0x63: {  	[tilespmem:s23], [sflag:$0x2] =	stream.linear.gather [hbm4b:s30+s3], $0x40, $0x38;
	[tilespmem:$0x16100] =	vst v63  }
0x64: {  	_ =	swait.ge [sflag:s21], $0x40  }
0x65: {  	[sflag:s21] =	ssyncset.done $0x0  }
0x66: {  	[sflag:s21] =	ssyncadd.s32 $0xFFFFFFC0  }
0x67: {  	[tilespmem:s20], [sflag:$0x1] =	stream.indirect.gather [hbm4b:s4+s24], $0x80, s22, s24, $0xb8;
	[tilespmem:$0x16100] =	vst v63  }
0x68: {  	_ =	swait.ge [sflag:s26], $0x2000  }
0x69: {  	[sflag:s26] =	ssyncset.done $0x0  }
0x6a: {  	[sflag:s26] =	ssyncadd.s32 $0xFFFFE000  }
0x6b: {  	[spmem:s2] =	stream.indirect.scatter.add.f32 [tilespmem:s20], [sflag:$0x2], $0x80, s23, s24, $0xb8;
	[tilespmem:$0x16100] =	vst v63  }
0x6c: {  	_ =	swait.ge [sflag:s21], $0x2000  }
0x6d: {  	s28 =	sadd.s32 $0x1, s28;
	[sflag:s21] =	ssyncset.done $0x0  }
0x6e: {  	p0 =	sne.s32 s28, s17;
	[sflag:s21] =	ssyncadd.s32 $0xFFFFE000  }
.Ltmp1:
0x6f: {  	s31 =	sshrl.u32 s6, $0x3;
	[bflag:$0x0] =	sbarrier.arrive $0xFFFF;
	(pc) =	sbr.rel @p0 .LBB2_1-.Ltmp1, $4  }
0x70: {  	[hbm:s16], [sflag:s25] =	dma.local [spmem:s31], $0x2800  }
0x71: {  	_ =	swait.ge [sflag:s21], $0x2800  }
0x72: {  	[sflag:s21] =	ssyncset.done $0x0  }
0x73: {  	[sflag:s21] =	ssyncadd.s32 $0xFFFFD800  }
0x74: {  	_ =	sfence.sel $0x180000  }
0x75: {  	[bflag:$0x0] =	sbarrier.arrive $0xFFFF  }
0x76: {  	_ =	strace $0x90000053  }
0x77: {  	s0 =	stileid.u32;
	[bflag:$0x2] =	sbarrier.arrive $0xFFFF  }
0x78: {  	p0 =	sne.s32 s0, $0x0;
	s0 =	rddreg [dreg:$0x2]  }
0x79: {  	s0 =	sadd.s32 @!p0 $0x100000, s0  }
0x7a: {  	[sflag:s0] =	ssyncadd.tile.s32 @!p0 $0x1;
	_ =	shalt  }
.Lfunc_end2:
_tile_overlayer_lowered:
.L_overlay_start_2:
0x7b: {  	(tag) =	ssettag $0x2  }
0x7c: {  	s0 =	rddreg [dreg:$0x0];
	s2 =	stileid.u32  }
0x7d: {  	s1 =	rddreg [dreg:$0x1];
	p0 =	sne.s32 s2, $0x0  }
0x7e: {  	s3 =	rddreg [dreg:$0x2];
	[bflag:$0x3] =	sbarrier.arrive $0xFFFF;
	s2 =	simm.s32 @!p0 $0x1C02  }
0x7f: {  	[timem:s3], [sflag:s2] =	dma.local @!p0 [hbm:s0], s1  }
0x80: {  	s0 =	simm.s32 @!p0 $0x2  }
0x81: {  	_ =	swait.ge @!p0 [sflag:s0], s1  }
0x82: {  	s1 =	ssub.s32 @!p0 $0x0, s1;
	[sflag:s0] =	ssyncset.done @!p0 $0x0  }
0x83: {  	[sflag:s0] =	ssyncadd.s32 @!p0 s1  }
0x84: {  	[bflag:$0x3] =	sbarrier.arrive $0xFFFF  }
0x85: {  	_ =	shalt  }

</sc_bundles>
